<compile_context>
chip_gen: v7x
topology: tpu7x:2x2x1
jax: 0.10.2.dev20260603
libtpu: 0.0.44.dev20260713+nightly
codegen_flags: <defaults>
</compile_context>

<pallas_src>
import functools

import jax
import jax.numpy as jnp
from jax import lax
from jax.experimental import pallas as pl
from jax.experimental.pallas import tpu as pltpu
from jax.experimental.pallas import tpu_sc as plsc

NC = 2
NS = 16
LANES = 16
CH = 128
NBUF = 5
GSKEW = 3


def _sc_embed(tok, seg, table, comb, *, n_rows, d, n_pos):
    n_workers = NC * NS
    rows_per_worker = n_rows // n_workers
    n_chunks = rows_per_worker // CH
    n_comb = comb.shape[0]
    mesh = plsc.VectorSubcoreMesh(
        core_axis_name="c", subcore_axis_name="s",
        num_cores=NC, num_subcores=NS)

    @functools.partial(
        pl.kernel,
        out_type=jax.ShapeDtypeStruct((n_rows, d), jnp.float32),
        mesh=mesh,
        scratch_types=dict(
            comb_sh=pltpu.VMEM_SHARED((n_comb, d), jnp.float32),
            tok_v=[pltpu.VMEM((CH,), jnp.int32) for _ in range(NBUF)],
            seg_v=[pltpu.VMEM((CH,), jnp.int32) for _ in range(NBUF)],
            cidx_v=[pltpu.VMEM((CH,), jnp.int32) for _ in range(NBUF)],
            rows_v=[pltpu.VMEM((CH, d), jnp.float32) for _ in range(NBUF)],
            tsem=[pltpu.SemaphoreType.DMA for _ in range(NBUF)],
            gsem=[pltpu.SemaphoreType.DMA for _ in range(NBUF)],
            asem=[pltpu.SemaphoreType.DMA for _ in range(NBUF)],
            osem=[pltpu.SemaphoreType.DMA for _ in range(NBUF)],
        ),
        compiler_params=pltpu.CompilerParams(
            use_tc_tiling_on_sc=False, needs_layout_passes=False),
    )
    def k(tok_hbm, seg_hbm, table_hbm, comb_hbm, out_hbm,
          comb_sh, tok_v, seg_v, cidx_v, rows_v, tsem, gsem, asem, osem):
        wid = lax.axis_index("s") * NC + lax.axis_index("c")
        wbase = wid * rows_per_worker

        @pl.when(lax.axis_index("s") == 0)
        def _():
            pltpu.sync_copy(comb_hbm, comb_sh)

        plsc.subcore_barrier()

        def start_idx(kk, b):
            base = wbase + kk * CH
            pltpu.async_copy(tok_hbm.at[pl.ds(base, CH)], tok_v[b], tsem[b])
            pltpu.async_copy(seg_hbm.at[pl.ds(base, CH)], seg_v[b], tsem[b])

        def wait_idx(kk, b):
            base = wbase + kk * CH
            pltpu.make_async_copy(
                tok_hbm.at[pl.ds(base, CH)], tok_v[b], tsem[b]).wait()
            pltpu.make_async_copy(
                seg_hbm.at[pl.ds(base, CH)], seg_v[b], tsem[b]).wait()

        def compute_cidx(kk, b):
            base = wbase + kk * CH
            for g in range(CH // LANES):
                s16 = seg_v[b][pl.ds(g * LANES, LANES)]
                flat = base + g * LANES + lax.iota(jnp.int32, LANES)
                cidx_v[b][pl.ds(g * LANES, LANES)] = (
                    s16 * n_pos + lax.rem(flat, n_pos))

        def start_gather(b):
            pltpu.async_copy(table_hbm.at[tok_v[b]], rows_v[b], gsem[b])

        def wait_out(kk, b):
            pltpu.make_async_copy(
                rows_v[b], out_hbm.at[pl.ds(wbase + kk * CH, CH)],
                osem[b]).wait()

        for b in range(NBUF):
            start_idx(b, b)
        for b in range(GSKEW):
            wait_idx(b, b)
            compute_cidx(b, b)
            start_gather(b)

        n_quads = n_chunks // NBUF

        def chunk_body(j, kk, m):
            b = m % NBUF
            base = wbase + kk * CH
            b3 = (m + GSKEW) % NBUF

            @pl.when((j <= n_quads - 2) | (m <= NBUF - 1 - GSKEW))
            def _():
                wait_idx(kk + GSKEW, b3)
                compute_cidx(kk + GSKEW, b3)

                @pl.when((j >= 1) | (m >= NBUF - GSKEW))
                def _():
                    wait_out(kk - (NBUF - GSKEW), b3)

                start_gather(b3)

            pltpu.make_async_copy(
                table_hbm.at[tok_v[b]], rows_v[b], gsem[b]).wait()
            pltpu.async_copy(
                comb_sh.at[cidx_v[b]], rows_v[b], asem[b], add=True)

            @pl.when(j <= n_quads - 2)
            def _():
                start_idx(kk + NBUF, b)

            pltpu.make_async_copy(
                comb_sh.at[cidx_v[b]], rows_v[b], asem[b]).wait()
            pltpu.async_copy(rows_v[b], out_hbm.at[pl.ds(base, CH)], osem[b])

        def group(j, carry):
            for m in range(NBUF):
                chunk_body(j, NBUF * j + m, m)
            return carry

        lax.fori_loop(0, n_quads, group, 0)
        for kk in range(n_chunks - NBUF, n_chunks):
            wait_out(kk, kk % NBUF)

    return k(tok, seg, table, comb)


def kernel(tokens, segment, token_table, pos_table, sent_table):
    b, l = tokens.shape
    v, d = token_table.shape
    n_sent = sent_table.shape[0]
    tok = tokens.reshape(-1).astype(jnp.int32)
    seg = segment.reshape(-1).astype(jnp.int32)
    comb = (sent_table[:, None, :] + pos_table[None, :, :]).reshape(
        n_sent * l, d)
    out = _sc_embed(tok, seg, token_table, comb,
                    n_rows=b * l, d=d, n_pos=l)
    return out.reshape(b, l, d)

# --- scband reference (transcript-rebuilt; emitter-appended) ---
"""Pipeline reference for scband-embedding-43696997269585 (READ-ONLY COPY).

The authoritative reference and input builder live on the scoring server;
editing this copy changes nothing except your own understanding.
"""

import jax, jax.numpy as jnp
import numpy as np

VOCAB = 100000
N_EMBD = 64
MAX_LEN = 200
BATCH = 1024

def setup_inputs(seed: int = 0) -> dict:
    key = jax.random.key(seed)
    k1, k2, k3, k4, k5 = jax.random.split(key, 5)
    tokens = jax.random.randint(k1, (BATCH, MAX_LEN), 0, VOCAB)
    segment = jax.random.randint(k2, (BATCH, MAX_LEN), 0, 2)
    token_table = jax.random.normal(k3, (VOCAB, N_EMBD), dtype=jnp.float32)
    pos_table = jax.random.normal(k4, (MAX_LEN, N_EMBD), dtype=jnp.float32)
    sent_table = jax.random.normal(k5, (2, N_EMBD), dtype=jnp.float32)
    return {"tokens": tokens, "segment": segment, "token_table": token_table, "pos_table": pos_table, "sent_table": sent_table}

def reference(tokens, segment, token_table, pos_table, sent_table):
    # token embedding: gather rows of the token table
    token_embd = jnp.take(token_table, tokens, axis=0)            # [B, L, D]
    # position embedding: full arange over max_length (broadcast over batch)
    position_embd = jnp.take(pos_table, jnp.arange(MAX_LEN), axis=0)  # [L, D]
    # sentence (segment) embedding
    sentence_embd = jnp.take(sent_table, segment, axis=0)         # [B, L, D]
    embd = token_embd + position_embd[None, :, :] + sentence_embd
    return embd

if __name__ == "__main__":
    import jax
    _d = setup_inputs()
    print(jax.jit(kernel)(*tuple(_d.values())))

</pallas_src>

<mosaic_0001>
#map = affine_map<(d0, d1) -> (0)>
#map1 = affine_map<(d0, d1) -> (0, 0)>
module attributes {stable_mosaic.version = 14 : i64} {
  func.func @k(%arg0: i32, %arg1: i32, %arg2: memref<204800xi32, #tpu.memory_space<hbm>>, %arg3: memref<204800xi32, #tpu.memory_space<hbm>>, %arg4: memref<100000x64xf32, #tpu.memory_space<hbm>>, %arg5: memref<400x64xf32, #tpu.memory_space<hbm>>, %arg6: memref<204800x64xf32, #tpu.memory_space<hbm>>, %arg7: memref<!tpu.dma_semaphore, #tpu.memory_space<semaphore_mem>>, %arg8: memref<!tpu.dma_semaphore, #tpu.memory_space<semaphore_mem>>, %arg9: memref<!tpu.dma_semaphore, #tpu.memory_space<semaphore_mem>>, %arg10: memref<!tpu.dma_semaphore, #tpu.memory_space<semaphore_mem>>, %arg11: memref<!tpu.dma_semaphore, #tpu.memory_space<semaphore_mem>>, %arg12: memref<128xi32, #tpu.memory_space<vmem>>, %arg13: memref<128xi32, #tpu.memory_space<vmem>>, %arg14: memref<128xi32, #tpu.memory_space<vmem>>, %arg15: memref<128xi32, #tpu.memory_space<vmem>>, %arg16: memref<128xi32, #tpu.memory_space<vmem>>, %arg17: memref<400x64xf32, #tpu.memory_space<vmem_shared>>, %arg18: memref<!tpu.dma_semaphore, #tpu.memory_space<semaphore_mem>>, %arg19: memref<!tpu.dma_semaphore, #tpu.memory_space<semaphore_mem>>, %arg20: memref<!tpu.dma_semaphore, #tpu.memory_space<semaphore_mem>>, %arg21: memref<!tpu.dma_semaphore, #tpu.memory_space<semaphore_mem>>, %arg22: memref<!tpu.dma_semaphore, #tpu.memory_space<semaphore_mem>>, %arg23: memref<!tpu.dma_semaphore, #tpu.memory_space<semaphore_mem>>, %arg24: memref<!tpu.dma_semaphore, #tpu.memory_space<semaphore_mem>>, %arg25: memref<!tpu.dma_semaphore, #tpu.memory_space<semaphore_mem>>, %arg26: memref<!tpu.dma_semaphore, #tpu.memory_space<semaphore_mem>>, %arg27: memref<!tpu.dma_semaphore, #tpu.memory_space<semaphore_mem>>, %arg28: memref<128x64xf32, #tpu.memory_space<vmem>>, %arg29: memref<128x64xf32, #tpu.memory_space<vmem>>, %arg30: memref<128x64xf32, #tpu.memory_space<vmem>>, %arg31: memref<128x64xf32, #tpu.memory_space<vmem>>, %arg32: memref<128x64xf32, #tpu.memory_space<vmem>>, %arg33: memref<128xi32, #tpu.memory_space<vmem>>, %arg34: memref<128xi32, #tpu.memory_space<vmem>>, %arg35: memref<128xi32, #tpu.memory_space<vmem>>, %arg36: memref<128xi32, #tpu.memory_space<vmem>>, %arg37: memref<128xi32, #tpu.memory_space<vmem>>, %arg38: memref<128xi32, #tpu.memory_space<vmem>>, %arg39: memref<128xi32, #tpu.memory_space<vmem>>, %arg40: memref<128xi32, #tpu.memory_space<vmem>>, %arg41: memref<128xi32, #tpu.memory_space<vmem>>, %arg42: memref<128xi32, #tpu.memory_space<vmem>>, %arg43: memref<!tpu.dma_semaphore, #tpu.memory_space<semaphore_mem>>, %arg44: memref<!tpu.dma_semaphore, #tpu.memory_space<semaphore_mem>>, %arg45: memref<!tpu.dma_semaphore, #tpu.memory_space<semaphore_mem>>, %arg46: memref<!tpu.dma_semaphore, #tpu.memory_space<semaphore_mem>>, %arg47: memref<!tpu.dma_semaphore, #tpu.memory_space<semaphore_mem>>) attributes {dimension_semantics = [#tpu.dimension_semantics<core_parallel>, #tpu.dimension_semantics<subcore_parallel>], iteration_bounds = array<i64: 2, 16>, scalar_prefetch = 0 : i64, scratch_operands = 41 : i64, tpu.core_type = #tpu.core_type<sc_vector_subcore>, window_params = [{transform_indices = #map}, {transform_indices = #map}, {transform_indices = #map1}, {transform_indices = #map1}, {transform_indices = #map1}]} {
    %mul3A = arith.constant 2 : i32
    %mul3A_0 = arith.muli %arg1, %mul3A : i32
    %add3A = arith.addi %mul3A_0, %arg0 : i32
    %mul3A_1 = arith.constant 6400 : i32
    %mul3A_2 = arith.muli %add3A, %mul3A_1 : i32
    %eq3A = arith.constant 0 : i32
    %eq3A_3 = arith.cmpi eq, %arg1, %eq3A : i32
    %convert_element_type3A = arith.extui %eq3A_3 : i1 to i32
    %cond3A = arith.constant 0 : i32
    %cond3A_4 = arith.cmpi ne, %convert_element_type3A, %cond3A : i32
    scf.if %cond3A_4 {
      "tpu.region"() ({
        %run_scoped3A = tpu.sem_alloc : memref<!tpu.dma_semaphore, #tpu.memory_space<semaphore_mem>>
        tpu.enqueue_dma source(%arg5 : memref<400x64xf32, #tpu.memory_space<hbm>>) target(%arg17 : memref<400x64xf32, #tpu.memory_space<vmem_shared>>) target_semaphore(%run_scoped3A : memref<!tpu.dma_semaphore, #tpu.memory_space<semaphore_mem>>)
        tpu.wait_dma2 semaphore(%run_scoped3A : memref<!tpu.dma_semaphore, #tpu.memory_space<semaphore_mem>>) src(%arg5 : memref<400x64xf32, #tpu.memory_space<hbm>>) dst(%arg17 : memref<400x64xf32, #tpu.memory_space<vmem_shared>>)
        tpu.yield
      }) : () -> ()
    } else {
    }
    %barrier3A = arith.constant 0 : index
    tpu.barrier barrier_id(%barrier3A)
    %add3A_5 = arith.constant 0 : i32
    %add3A_6 = arith.addi %mul3A_2, %add3A_5 : i32
    %dma_start3A = tpu.memref_slice %arg2[%add3A_6] : memref<204800xi32, #tpu.memory_space<hbm>> -> memref<128xi32, #tpu.memory_space<hbm>>
    %dma_start3A_7 = tpu.memref_slice %arg2[%add3A_6] : memref<204800xi32, #tpu.memory_space<hbm>> -> memref<128xi32, #tpu.memory_space<hbm>>
    tpu.enqueue_dma source(%dma_start3A_7 : memref<128xi32, #tpu.memory_space<hbm>>) target(%arg38 : memref<128xi32, #tpu.memory_space<vmem>>) target_semaphore(%arg43 : memref<!tpu.dma_semaphore, #tpu.memory_space<semaphore_mem>>)
    %dma_start3A_8 = tpu.memref_slice %arg3[%add3A_6] : memref<204800xi32, #tpu.memory_space<hbm>> -> memref<128xi32, #tpu.memory_space<hbm>>
    %dma_start3A_9 = tpu.memref_slice %arg3[%add3A_6] : memref<204800xi32, #tpu.memory_space<hbm>> -> memref<128xi32, #tpu.memory_space<hbm>>
    tpu.enqueue_dma source(%dma_start3A_9 : memref<128xi32, #tpu.memory_space<hbm>>) target(%arg33 : memref<128xi32, #tpu.memory_space<vmem>>) target_semaphore(%arg43 : memref<!tpu.dma_semaphore, #tpu.memory_space<semaphore_mem>>)
    %add3A_10 = arith.constant 128 : i32
    %add3A_11 = arith.addi %mul3A_2, %add3A_10 : i32
    %dma_start3A_12 = tpu.memref_slice %arg2[%add3A_11] : memref<204800xi32, #tpu.memory_space<hbm>> -> memref<128xi32, #tpu.memory_space<hbm>>
    %dma_start3A_13 = tpu.memref_slice %arg2[%add3A_11] : memref<204800xi32, #tpu.memory_space<hbm>> -> memref<128xi32, #tpu.memory_space<hbm>>
    tpu.enqueue_dma source(%dma_start3A_13 : memref<128xi32, #tpu.memory_space<hbm>>) target(%arg39 : memref<128xi32, #tpu.memory_space<vmem>>) target_semaphore(%arg44 : memref<!tpu.dma_semaphore, #tpu.memory_space<semaphore_mem>>)
    %dma_start3A_14 = tpu.memref_slice %arg3[%add3A_11] : memref<204800xi32, #tpu.memory_space<hbm>> -> memref<128xi32, #tpu.memory_space<hbm>>
    %dma_start3A_15 = tpu.memref_slice %arg3[%add3A_11] : memref<204800xi32, #tpu.memory_space<hbm>> -> memref<128xi32, #tpu.memory_space<hbm>>
    tpu.enqueue_dma source(%dma_start3A_15 : memref<128xi32, #tpu.memory_space<hbm>>) target(%arg34 : memref<128xi32, #tpu.memory_space<vmem>>) target_semaphore(%arg44 : memref<!tpu.dma_semaphore, #tpu.memory_space<semaphore_mem>>)
    %add3A_16 = arith.constant 256 : i32
    %add3A_17 = arith.addi %mul3A_2, %add3A_16 : i32
    %dma_start3A_18 = tpu.memref_slice %arg2[%add3A_17] : memref<204800xi32, #tpu.memory_space<hbm>> -> memref<128xi32, #tpu.memory_space<hbm>>
    %dma_start3A_19 = tpu.memref_slice %arg2[%add3A_17] : memref<204800xi32, #tpu.memory_space<hbm>> -> memref<128xi32, #tpu.memory_space<hbm>>
    tpu.enqueue_dma source(%dma_start3A_19 : memref<128xi32, #tpu.memory_space<hbm>>) target(%arg40 : memref<128xi32, #tpu.memory_space<vmem>>) target_semaphore(%arg45 : memref<!tpu.dma_semaphore, #tpu.memory_space<semaphore_mem>>)
    %dma_start3A_20 = tpu.memref_slice %arg3[%add3A_17] : memref<204800xi32, #tpu.memory_space<hbm>> -> memref<128xi32, #tpu.memory_space<hbm>>
    %dma_start3A_21 = tpu.memref_slice %arg3[%add3A_17] : memref<204800xi32, #tpu.memory_space<hbm>> -> memref<128xi32, #tpu.memory_space<hbm>>
    tpu.enqueue_dma source(%dma_start3A_21 : memref<128xi32, #tpu.memory_space<hbm>>) target(%arg35 : memref<128xi32, #tpu.memory_space<vmem>>) target_semaphore(%arg45 : memref<!tpu.dma_semaphore, #tpu.memory_space<semaphore_mem>>)
    %add3A_22 = arith.constant 384 : i32
    %add3A_23 = arith.addi %mul3A_2, %add3A_22 : i32
    %dma_start3A_24 = tpu.memref_slice %arg2[%add3A_23] : memref<204800xi32, #tpu.memory_space<hbm>> -> memref<128xi32, #tpu.memory_space<hbm>>
    %dma_start3A_25 = tpu.memref_slice %arg2[%add3A_23] : memref<204800xi32, #tpu.memory_space<hbm>> -> memref<128xi32, #tpu.memory_space<hbm>>
    tpu.enqueue_dma source(%dma_start3A_25 : memref<128xi32, #tpu.memory_space<hbm>>) target(%arg41 : memref<128xi32, #tpu.memory_space<vmem>>) target_semaphore(%arg46 : memref<!tpu.dma_semaphore, #tpu.memory_space<semaphore_mem>>)
    %dma_start3A_26 = tpu.memref_slice %arg3[%add3A_23] : memref<204800xi32, #tpu.memory_space<hbm>> -> memref<128xi32, #tpu.memory_space<hbm>>
    %dma_start3A_27 = tpu.memref_slice %arg3[%add3A_23] : memref<204800xi32, #tpu.memory_space<hbm>> -> memref<128xi32, #tpu.memory_space<hbm>>
    tpu.enqueue_dma source(%dma_start3A_27 : memref<128xi32, #tpu.memory_space<hbm>>) target(%arg36 : memref<128xi32, #tpu.memory_space<vmem>>) target_semaphore(%arg46 : memref<!tpu.dma_semaphore, #tpu.memory_space<semaphore_mem>>)
    %add3A_28 = arith.constant 512 : i32
    %add3A_29 = arith.addi %mul3A_2, %add3A_28 : i32
    %dma_start3A_30 = tpu.memref_slice %arg2[%add3A_29] : memref<204800xi32, #tpu.memory_space<hbm>> -> memref<128xi32, #tpu.memory_space<hbm>>
    %dma_start3A_31 = tpu.memref_slice %arg2[%add3A_29] : memref<204800xi32, #tpu.memory_space<hbm>> -> memref<128xi32, #tpu.memory_space<hbm>>
    tpu.enqueue_dma source(%dma_start3A_31 : memref<128xi32, #tpu.memory_space<hbm>>) target(%arg42 : memref<128xi32, #tpu.memory_space<vmem>>) target_semaphore(%arg47 : memref<!tpu.dma_semaphore, #tpu.memory_space<semaphore_mem>>)
    %dma_start3A_32 = tpu.memref_slice %arg3[%add3A_29] : memref<204800xi32, #tpu.memory_space<hbm>> -> memref<128xi32, #tpu.memory_space<hbm>>
    %dma_start3A_33 = tpu.memref_slice %arg3[%add3A_29] : memref<204800xi32, #tpu.memory_space<hbm>> -> memref<128xi32, #tpu.memory_space<hbm>>
    tpu.enqueue_dma source(%dma_start3A_33 : memref<128xi32, #tpu.memory_space<hbm>>) target(%arg37 : memref<128xi32, #tpu.memory_space<vmem>>) target_semaphore(%arg47 : memref<!tpu.dma_semaphore, #tpu.memory_space<semaphore_mem>>)
    %add3A_34 = arith.constant 0 : i32
    %add3A_35 = arith.addi %mul3A_2, %add3A_34 : i32
    %dma_wait3A = tpu.memref_slice %arg2[%add3A_35] : memref<204800xi32, #tpu.memory_space<hbm>> -> memref<128xi32, #tpu.memory_space<hbm>>
    %dma_wait3A_36 = tpu.memref_slice %arg2[%add3A_35] : memref<204800xi32, #tpu.memory_space<hbm>> -> memref<128xi32, #tpu.memory_space<hbm>>
    tpu.wait_dma2 semaphore(%arg43 : memref<!tpu.dma_semaphore, #tpu.memory_space<semaphore_mem>>) src(%dma_wait3A_36 : memref<128xi32, #tpu.memory_space<hbm>>) dst(%arg38 : memref<128xi32, #tpu.memory_space<vmem>>)
    %dma_wait3A_37 = tpu.memref_slice %arg3[%add3A_35] : memref<204800xi32, #tpu.memory_space<hbm>> -> memref<128xi32, #tpu.memory_space<hbm>>
    %dma_wait3A_38 = tpu.memref_slice %arg3[%add3A_35] : memref<204800xi32, #tpu.memory_space<hbm>> -> memref<128xi32, #tpu.memory_space<hbm>>
    tpu.wait_dma2 semaphore(%arg43 : memref<!tpu.dma_semaphore, #tpu.memory_space<semaphore_mem>>) src(%dma_wait3A_38 : memref<128xi32, #tpu.memory_space<hbm>>) dst(%arg33 : memref<128xi32, #tpu.memory_space<vmem>>)
    %add3A_39 = arith.constant 0 : i32
    %add3A_40 = arith.addi %mul3A_2, %add3A_39 : i32
    %get3A = arith.constant 0 : index
    %get3A_41 = tpu.vector_load %arg33[%get3A] {strides = array<i32>} : memref<128xi32, #tpu.memory_space<vmem>>, vector<16xi32>,
    %add3A_42 = arith.constant 0 : i32
    %add3A_43 = arith.addi %add3A_40, %add3A_42 : i32
    %iota3A = tpu.iota {dimensions = array<i32: 0>} : vector<16xi32>
    %add3A_44 = vector.broadcast %add3A_43 : i32 to vector<16xi32>
    %add3A_45 = arith.addi %add3A_44, %iota3A : vector<16xi32>
    %mul3A_46 = arith.constant 200 : i32
    %mul3A_47 = vector.broadcast %mul3A_46 : i32 to vector<16xi32>
    %mul3A_48 = arith.muli %get3A_41, %mul3A_47 : vector<16xi32>
    %rem3A = arith.constant 200 : i32
    %rem3A_49 = vector.broadcast %rem3A : i32 to vector<16xi32>
    %rem3A_50 = arith.remsi %add3A_45, %rem3A_49 : vector<16xi32>
    %add3A_51 = arith.addi %mul3A_48, %rem3A_50 : vector<16xi32>
    %swap3A = arith.constant 0 : index
    %swap3A_52 = tpu.vector_load %arg12[%swap3A] {strides = array<i32>} : memref<128xi32, #tpu.memory_space<vmem>>, vector<16xi32>,
    tpu.vector_store %arg12[%swap3A], %add3A_51 {strides = array<i32>} : memref<128xi32, #tpu.memory_space<vmem>>, vector<16xi32>,
    %get3A_53 = arith.constant 16 : index
    %get3A_54 = tpu.vector_load %arg33[%get3A_53] {strides = array<i32>} : memref<128xi32, #tpu.memory_space<vmem>>, vector<16xi32>,
    %add3A_55 = arith.constant 16 : i32
    %add3A_56 = arith.addi %add3A_40, %add3A_55 : i32
    %iota3A_57 = tpu.iota {dimensions = array<i32: 0>} : vector<16xi32>
    %add3A_58 = vector.broadcast %add3A_56 : i32 to vector<16xi32>
    %add3A_59 = arith.addi %add3A_58, %iota3A_57 : vector<16xi32>
    %mul3A_60 = arith.constant 200 : i32
    %mul3A_61 = vector.broadcast %mul3A_60 : i32 to vector<16xi32>
    %mul3A_62 = arith.muli %get3A_54, %mul3A_61 : vector<16xi32>
    %rem3A_63 = arith.constant 200 : i32
    %rem3A_64 = vector.broadcast %rem3A_63 : i32 to vector<16xi32>
    %rem3A_65 = arith.remsi %add3A_59, %rem3A_64 : vector<16xi32>
    %add3A_66 = arith.addi %mul3A_62, %rem3A_65 : vector<16xi32>
    %swap3A_67 = arith.constant 16 : index
    %swap3A_68 = tpu.vector_load %arg12[%swap3A_67] {strides = array<i32>} : memref<128xi32, #tpu.memory_space<vmem>>, vector<16xi32>,
    tpu.vector_store %arg12[%swap3A_67], %add3A_66 {strides = array<i32>} : memref<128xi32, #tpu.memory_space<vmem>>, vector<16xi32>,
    %get3A_69 = arith.constant 32 : index
    %get3A_70 = tpu.vector_load %arg33[%get3A_69] {strides = array<i32>} : memref<128xi32, #tpu.memory_space<vmem>>, vector<16xi32>,
    %add3A_71 = arith.constant 32 : i32
    %add3A_72 = arith.addi %add3A_40, %add3A_71 : i32
    %iota3A_73 = tpu.iota {dimensions = array<i32: 0>} : vector<16xi32>
    %add3A_74 = vector.broadcast %add3A_72 : i32 to vector<16xi32>
    %add3A_75 = arith.addi %add3A_74, %iota3A_73 : vector<16xi32>
    %mul3A_76 = arith.constant 200 : i32
    %mul3A_77 = vector.broadcast %mul3A_76 : i32 to vector<16xi32>
    %mul3A_78 = arith.muli %get3A_70, %mul3A_77 : vector<16xi32>
    %rem3A_79 = arith.constant 200 : i32
    %rem3A_80 = vector.broadcast %rem3A_79 : i32 to vector<16xi32>
    %rem3A_81 = arith.remsi %add3A_75, %rem3A_80 : vector<16xi32>
    %add3A_82 = arith.addi %mul3A_78, %rem3A_81 : vector<16xi32>
    %swap3A_83 = arith.constant 32 : index
    %swap3A_84 = tpu.vector_load %arg12[%swap3A_83] {strides = array<i32>} : memref<128xi32, #tpu.memory_space<vmem>>, vector<16xi32>,
    tpu.vector_store %arg12[%swap3A_83], %add3A_82 {strides = array<i32>} : memref<128xi32, #tpu.memory_space<vmem>>, vector<16xi32>,
    %get3A_85 = arith.constant 48 : index
    %get3A_86 = tpu.vector_load %arg33[%get3A_85] {strides = array<i32>} : memref<128xi32, #tpu.memory_space<vmem>>, vector<16xi32>,
    %add3A_87 = arith.constant 48 : i32
    %add3A_88 = arith.addi %add3A_40, %add3A_87 : i32
    %iota3A_89 = tpu.iota {dimensions = array<i32: 0>} : vector<16xi32>
    %add3A_90 = vector.broadcast %add3A_88 : i32 to vector<16xi32>
    %add3A_91 = arith.addi %add3A_90, %iota3A_89 : vector<16xi32>
    %mul3A_92 = arith.constant 200 : i32
    %mul3A_93 = vector.broadcast %mul3A_92 : i32 to vector<16xi32>
    %mul3A_94 = arith.muli %get3A_86, %mul3A_93 : vector<16xi32>
    %rem3A_95 = arith.constant 200 : i32
    %rem3A_96 = vector.broadcast %rem3A_95 : i32 to vector<16xi32>
    %rem3A_97 = arith.remsi %add3A_91, %rem3A_96 : vector<16xi32>
    %add3A_98 = arith.addi %mul3A_94, %rem3A_97 : vector<16xi32>
    %swap3A_99 = arith.constant 48 : index
    %swap3A_100 = tpu.vector_load %arg12[%swap3A_99] {strides = array<i32>} : memref<128xi32, #tpu.memory_space<vmem>>, vector<16xi32>,
    tpu.vector_store %arg12[%swap3A_99], %add3A_98 {strides = array<i32>} : memref<128xi32, #tpu.memory_space<vmem>>, vector<16xi32>,
    %get3A_101 = arith.constant 64 : index
    %get3A_102 = tpu.vector_load %arg33[%get3A_101] {strides = array<i32>} : memref<128xi32, #tpu.memory_space<vmem>>, vector<16xi32>,
    %add3A_103 = arith.constant 64 : i32
    %add3A_104 = arith.addi %add3A_40, %add3A_103 : i32
    %iota3A_105 = tpu.iota {dimensions = array<i32: 0>} : vector<16xi32>
    %add3A_106 = vector.broadcast %add3A_104 : i32 to vector<16xi32>
    %add3A_107 = arith.addi %add3A_106, %iota3A_105 : vector<16xi32>
    %mul3A_108 = arith.constant 200 : i32
    %mul3A_109 = vector.broadcast %mul3A_108 : i32 to vector<16xi32>
    %mul3A_110 = arith.muli %get3A_102, %mul3A_109 : vector<16xi32>
    %rem3A_111 = arith.constant 200 : i32
    %rem3A_112 = vector.broadcast %rem3A_111 : i32 to vector<16xi32>
    %rem3A_113 = arith.remsi %add3A_107, %rem3A_112 : vector<16xi32>
    %add3A_114 = arith.addi %mul3A_110, %rem3A_113 : vector<16xi32>
    %swap3A_115 = arith.constant 64 : index
    %swap3A_116 = tpu.vector_load %arg12[%swap3A_115] {strides = array<i32>} : memref<128xi32, #tpu.memory_space<vmem>>, vector<16xi32>,
    tpu.vector_store %arg12[%swap3A_115], %add3A_114 {strides = array<i32>} : memref<128xi32, #tpu.memory_space<vmem>>, vector<16xi32>,
    %get3A_117 = arith.constant 80 : index
    %get3A_118 = tpu.vector_load %arg33[%get3A_117] {strides = array<i32>} : memref<128xi32, #tpu.memory_space<vmem>>, vector<16xi32>,
    %add3A_119 = arith.constant 80 : i32
    %add3A_120 = arith.addi %add3A_40, %add3A_119 : i32
    %iota3A_121 = tpu.iota {dimensions = array<i32: 0>} : vector<16xi32>
    %add3A_122 = vector.broadcast %add3A_120 : i32 to vector<16xi32>
    %add3A_123 = arith.addi %add3A_122, %iota3A_121 : vector<16xi32>
    %mul3A_124 = arith.constant 200 : i32
    %mul3A_125 = vector.broadcast %mul3A_124 : i32 to vector<16xi32>
    %mul3A_126 = arith.muli %get3A_118, %mul3A_125 : vector<16xi32>
    %rem3A_127 = arith.constant 200 : i32
    %rem3A_128 = vector.broadcast %rem3A_127 : i32 to vector<16xi32>
    %rem3A_129 = arith.remsi %add3A_123, %rem3A_128 : vector<16xi32>
    %add3A_130 = arith.addi %mul3A_126, %rem3A_129 : vector<16xi32>
    %swap3A_131 = arith.constant 80 : index
    %swap3A_132 = tpu.vector_load %arg12[%swap3A_131] {strides = array<i32>} : memref<128xi32, #tpu.memory_space<vmem>>, vector<16xi32>,
    tpu.vector_store %arg12[%swap3A_131], %add3A_130 {strides = array<i32>} : memref<128xi32, #tpu.memory_space<vmem>>, vector<16xi32>,
    %get3A_133 = arith.constant 96 : index
    %get3A_134 = tpu.vector_load %arg33[%get3A_133] {strides = array<i32>} : memref<128xi32, #tpu.memory_space<vmem>>, vector<16xi32>,
    %add3A_135 = arith.constant 96 : i32
    %add3A_136 = arith.addi %add3A_40, %add3A_135 : i32
    %iota3A_137 = tpu.iota {dimensions = array<i32: 0>} : vector<16xi32>
    %add3A_138 = vector.broadcast %add3A_136 : i32 to vector<16xi32>
    %add3A_139 = arith.addi %add3A_138, %iota3A_137 : vector<16xi32>
    %mul3A_140 = arith.constant 200 : i32
    %mul3A_141 = vector.broadcast %mul3A_140 : i32 to vector<16xi32>
    %mul3A_142 = arith.muli %get3A_134, %mul3A_141 : vector<16xi32>
    %rem3A_143 = arith.constant 200 : i32
    %rem3A_144 = vector.broadcast %rem3A_143 : i32 to vector<16xi32>
    %rem3A_145 = arith.remsi %add3A_139, %rem3A_144 : vector<16xi32>
    %add3A_146 = arith.addi %mul3A_142, %rem3A_145 : vector<16xi32>
    %swap3A_147 = arith.constant 96 : index
    %swap3A_148 = tpu.vector_load %arg12[%swap3A_147] {strides = array<i32>} : memref<128xi32, #tpu.memory_space<vmem>>, vector<16xi32>,
    tpu.vector_store %arg12[%swap3A_147], %add3A_146 {strides = array<i32>} : memref<128xi32, #tpu.memory_space<vmem>>, vector<16xi32>,
    %get3A_149 = arith.constant 112 : index
    %get3A_150 = tpu.vector_load %arg33[%get3A_149] {strides = array<i32>} : memref<128xi32, #tpu.memory_space<vmem>>, vector<16xi32>,
    %add3A_151 = arith.constant 112 : i32
    %add3A_152 = arith.addi %add3A_40, %add3A_151 : i32
    %iota3A_153 = tpu.iota {dimensions = array<i32: 0>} : vector<16xi32>
    %add3A_154 = vector.broadcast %add3A_152 : i32 to vector<16xi32>
    %add3A_155 = arith.addi %add3A_154, %iota3A_153 : vector<16xi32>
    %mul3A_156 = arith.constant 200 : i32
    %mul3A_157 = vector.broadcast %mul3A_156 : i32 to vector<16xi32>
    %mul3A_158 = arith.muli %get3A_150, %mul3A_157 : vector<16xi32>
    %rem3A_159 = arith.constant 200 : i32
    %rem3A_160 = vector.broadcast %rem3A_159 : i32 to vector<16xi32>
    %rem3A_161 = arith.remsi %add3A_155, %rem3A_160 : vector<16xi32>
    %add3A_162 = arith.addi %mul3A_158, %rem3A_161 : vector<16xi32>
    %swap3A_163 = arith.constant 112 : index
    %swap3A_164 = tpu.vector_load %arg12[%swap3A_163] {strides = array<i32>} : memref<128xi32, #tpu.memory_space<vmem>>, vector<16xi32>,
    tpu.vector_store %arg12[%swap3A_163], %add3A_162 {strides = array<i32>} : memref<128xi32, #tpu.memory_space<vmem>>, vector<16xi32>,
    %dma_start3A_165 = arith.constant 0 : i32
    %dma_start3A_166 = arith.constant 0 : i32
    %dma_start3A_167 = tpu.memref_slice %arg4[%dma_start3A_165, %dma_start3A_166] : memref<100000x64xf32, #tpu.memory_space<hbm>> -> memref<100000x64xf32, #tpu.memory_space<hbm>>
    tpu.enqueue_indirect_dma source(%dma_start3A_167 : memref<100000x64xf32, #tpu.memory_space<hbm>>) target(%arg28 : memref<128x64xf32, #tpu.memory_space<vmem>>) offsets(%arg38 : memref<128xi32, #tpu.memory_space<vmem>>) semaphore(%arg18 : memref<!tpu.dma_semaphore, #tpu.memory_space<semaphore_mem>>)
    %add3A_168 = arith.constant 128 : i32
    %add3A_169 = arith.addi %mul3A_2, %add3A_168 : i32
    %dma_wait3A_170 = tpu.memref_slice %arg2[%add3A_169] : memref<204800xi32, #tpu.memory_space<hbm>> -> memref<128xi32, #tpu.memory_space<hbm>>
    %dma_wait3A_171 = tpu.memref_slice %arg2[%add3A_169] : memref<204800xi32, #tpu.memory_space<hbm>> -> memref<128xi32, #tpu.memory_space<hbm>>
    tpu.wait_dma2 semaphore(%arg44 : memref<!tpu.dma_semaphore, #tpu.memory_space<semaphore_mem>>) src(%dma_wait3A_171 : memref<128xi32, #tpu.memory_space<hbm>>) dst(%arg39 : memref<128xi32, #tpu.memory_space<vmem>>)
    %dma_wait3A_172 = tpu.memref_slice %arg3[%add3A_169] : memref<204800xi32, #tpu.memory_space<hbm>> -> memref<128xi32, #tpu.memory_space<hbm>>
    %dma_wait3A_173 = tpu.memref_slice %arg3[%add3A_169] : memref<204800xi32, #tpu.memory_space<hbm>> -> memref<128xi32, #tpu.memory_space<hbm>>
    tpu.wait_dma2 semaphore(%arg44 : memref<!tpu.dma_semaphore, #tpu.memory_space<semaphore_mem>>) src(%dma_wait3A_173 : memref<128xi32, #tpu.memory_space<hbm>>) dst(%arg34 : memref<128xi32, #tpu.memory_space<vmem>>)
    %add3A_174 = arith.constant 128 : i32
    %add3A_175 = arith.addi %mul3A_2, %add3A_174 : i32
    %get3A_176 = arith.constant 0 : index
    %get3A_177 = tpu.vector_load %arg34[%get3A_176] {strides = array<i32>} : memref<128xi32, #tpu.memory_space<vmem>>, vector<16xi32>,
    %add3A_178 = arith.constant 0 : i32
    %add3A_179 = arith.addi %add3A_175, %add3A_178 : i32
    %iota3A_180 = tpu.iota {dimensions = array<i32: 0>} : vector<16xi32>
    %add3A_181 = vector.broadcast %add3A_179 : i32 to vector<16xi32>
    %add3A_182 = arith.addi %add3A_181, %iota3A_180 : vector<16xi32>
    %mul3A_183 = arith.constant 200 : i32
    %mul3A_184 = vector.broadcast %mul3A_183 : i32 to vector<16xi32>
    %mul3A_185 = arith.muli %get3A_177, %mul3A_184 : vector<16xi32>
    %rem3A_186 = arith.constant 200 : i32
    %rem3A_187 = vector.broadcast %rem3A_186 : i32 to vector<16xi32>
    %rem3A_188 = arith.remsi %add3A_182, %rem3A_187 : vector<16xi32>
    %add3A_189 = arith.addi %mul3A_185, %rem3A_188 : vector<16xi32>
    %swap3A_190 = arith.constant 0 : index
    %swap3A_191 = tpu.vector_load %arg13[%swap3A_190] {strides = array<i32>} : memref<128xi32, #tpu.memory_space<vmem>>, vector<16xi32>,
    tpu.vector_store %arg13[%swap3A_190], %add3A_189 {strides = array<i32>} : memref<128xi32, #tpu.memory_space<vmem>>, vector<16xi32>,
    %get3A_192 = arith.constant 16 : index
    %get3A_193 = tpu.vector_load %arg34[%get3A_192] {strides = array<i32>} : memref<128xi32, #tpu.memory_space<vmem>>, vector<16xi32>,
    %add3A_194 = arith.constant 16 : i32
    %add3A_195 = arith.addi %add3A_175, %add3A_194 : i32
    %iota3A_196 = tpu.iota {dimensions = array<i32: 0>} : vector<16xi32>
    %add3A_197 = vector.broadcast %add3A_195 : i32 to vector<16xi32>
    %add3A_198 = arith.addi %add3A_197, %iota3A_196 : vector<16xi32>
    %mul3A_199 = arith.constant 200 : i32
    %mul3A_200 = vector.broadcast %mul3A_199 : i32 to vector<16xi32>
    %mul3A_201 = arith.muli %get3A_193, %mul3A_200 : vector<16xi32>
    %rem3A_202 = arith.constant 200 : i32
    %rem3A_203 = vector.broadcast %rem3A_202 : i32 to vector<16xi32>
    %rem3A_204 = arith.remsi %add3A_198, %rem3A_203 : vector<16xi32>
    %add3A_205 = arith.addi %mul3A_201, %rem3A_204 : vector<16xi32>
    %swap3A_206 = arith.constant 16 : index
    %swap3A_207 = tpu.vector_load %arg13[%swap3A_206] {strides = array<i32>} : memref<128xi32, #tpu.memory_space<vmem>>, vector<16xi32>,
    tpu.vector_store %arg13[%swap3A_206], %add3A_205 {strides = array<i32>} : memref<128xi32, #tpu.memory_space<vmem>>, vector<16xi32>,
    %get3A_208 = arith.constant 32 : index
    %get3A_209 = tpu.vector_load %arg34[%get3A_208] {strides = array<i32>} : memref<128xi32, #tpu.memory_space<vmem>>, vector<16xi32>,
    %add3A_210 = arith.constant 32 : i32
    %add3A_211 = arith.addi %add3A_175, %add3A_210 : i32
    %iota3A_212 = tpu.iota {dimensions = array<i32: 0>} : vector<16xi32>
    %add3A_213 = vector.broadcast %add3A_211 : i32 to vector<16xi32>
    %add3A_214 = arith.addi %add3A_213, %iota3A_212 : vector<16xi32>
    %mul3A_215 = arith.constant 200 : i32
    %mul3A_216 = vector.broadcast %mul3A_215 : i32 to vector<16xi32>
    %mul3A_217 = arith.muli %get3A_209, %mul3A_216 : vector<16xi32>
    %rem3A_218 = arith.constant 200 : i32
    %rem3A_219 = vector.broadcast %rem3A_218 : i32 to vector<16xi32>
    %rem3A_220 = arith.remsi %add3A_214, %rem3A_219 : vector<16xi32>
    %add3A_221 = arith.addi %mul3A_217, %rem3A_220 : vector<16xi32>
    %swap3A_222 = arith.constant 32 : index
    %swap3A_223 = tpu.vector_load %arg13[%swap3A_222] {strides = array<i32>} : memref<128xi32, #tpu.memory_space<vmem>>, vector<16xi32>,
    tpu.vector_store %arg13[%swap3A_222], %add3A_221 {strides = array<i32>} : memref<128xi32, #tpu.memory_space<vmem>>, vector<16xi32>,
    %get3A_224 = arith.constant 48 : index
    %get3A_225 = tpu.vector_load %arg34[%get3A_224] {strides = array<i32>} : memref<128xi32, #tpu.memory_space<vmem>>, vector<16xi32>,
    %add3A_226 = arith.constant 48 : i32
    %add3A_227 = arith.addi %add3A_175, %add3A_226 : i32
    %iota3A_228 = tpu.iota {dimensions = array<i32: 0>} : vector<16xi32>
    %add3A_229 = vector.broadcast %add3A_227 : i32 to vector<16xi32>
    %add3A_230 = arith.addi %add3A_229, %iota3A_228 : vector<16xi32>
    %mul3A_231 = arith.constant 200 : i32
    %mul3A_232 = vector.broadcast %mul3A_231 : i32 to vector<16xi32>
    %mul3A_233 = arith.muli %get3A_225, %mul3A_232 : vector<16xi32>
    %rem3A_234 = arith.constant 200 : i32
    %rem3A_235 = vector.broadcast %rem3A_234 : i32 to vector<16xi32>
    %rem3A_236 = arith.remsi %add3A_230, %rem3A_235 : vector<16xi32>
    %add3A_237 = arith.addi %mul3A_233, %rem3A_236 : vector<16xi32>
    %swap3A_238 = arith.constant 48 : index
    %swap3A_239 = tpu.vector_load %arg13[%swap3A_238] {strides = array<i32>} : memref<128xi32, #tpu.memory_space<vmem>>, vector<16xi32>,
    tpu.vector_store %arg13[%swap3A_238], %add3A_237 {strides = array<i32>} : memref<128xi32, #tpu.memory_space<vmem>>, vector<16xi32>,
    %get3A_240 = arith.constant 64 : index
    %get3A_241 = tpu.vector_load %arg34[%get3A_240] {strides = array<i32>} : memref<128xi32, #tpu.memory_space<vmem>>, vector<16xi32>,
    %add3A_242 = arith.constant 64 : i32
    %add3A_243 = arith.addi %add3A_175, %add3A_242 : i32
    %iota3A_244 = tpu.iota {dimensions = array<i32: 0>} : vector<16xi32>
    %add3A_245 = vector.broadcast %add3A_243 : i32 to vector<16xi32>
    %add3A_246 = arith.addi %add3A_245, %iota3A_244 : vector<16xi32>
    %mul3A_247 = arith.constant 200 : i32
    %mul3A_248 = vector.broadcast %mul3A_247 : i32 to vector<16xi32>
    %mul3A_249 = arith.muli %get3A_241, %mul3A_248 : vector<16xi32>
    %rem3A_250 = arith.constant 200 : i32
    %rem3A_251 = vector.broadcast %rem3A_250 : i32 to vector<16xi32>
    %rem3A_252 = arith.remsi %add3A_246, %rem3A_251 : vector<16xi32>
    %add3A_253 = arith.addi %mul3A_249, %rem3A_252 : vector<16xi32>
    %swap3A_254 = arith.constant 64 : index
    %swap3A_255 = tpu.vector_load %arg13[%swap3A_254] {strides = array<i32>} : memref<128xi32, #tpu.memory_space<vmem>>, vector<16xi32>,
    tpu.vector_store %arg13[%swap3A_254], %add3A_253 {strides = array<i32>} : memref<128xi32, #tpu.memory_space<vmem>>, vector<16xi32>,
    %get3A_256 = arith.constant 80 : index
    %get3A_257 = tpu.vector_load %arg34[%get3A_256] {strides = array<i32>} : memref<128xi32, #tpu.memory_space<vmem>>, vector<16xi32>,
    %add3A_258 = arith.constant 80 : i32
    %add3A_259 = arith.addi %add3A_175, %add3A_258 : i32
    %iota3A_260 = tpu.iota {dimensions = array<i32: 0>} : vector<16xi32>
    %add3A_261 = vector.broadcast %add3A_259 : i32 to vector<16xi32>
    %add3A_262 = arith.addi %add3A_261, %iota3A_260 : vector<16xi32>
    %mul3A_263 = arith.constant 200 : i32
    %mul3A_264 = vector.broadcast %mul3A_263 : i32 to vector<16xi32>
    %mul3A_265 = arith.muli %get3A_257, %mul3A_264 : vector<16xi32>
    %rem3A_266 = arith.constant 200 : i32
    %rem3A_267 = vector.broadcast %rem3A_266 : i32 to vector<16xi32>
    %rem3A_268 = arith.remsi %add3A_262, %rem3A_267 : vector<16xi32>
    %add3A_269 = arith.addi %mul3A_265, %rem3A_268 : vector<16xi32>
    %swap3A_270 = arith.constant 80 : index
    %swap3A_271 = tpu.vector_load %arg13[%swap3A_270] {strides = array<i32>} : memref<128xi32, #tpu.memory_space<vmem>>, vector<16xi32>,
    tpu.vector_store %arg13[%swap3A_270], %add3A_269 {strides = array<i32>} : memref<128xi32, #tpu.memory_space<vmem>>, vector<16xi32>,
    %get3A_272 = arith.constant 96 : index
    %get3A_273 = tpu.vector_load %arg34[%get3A_272] {strides = array<i32>} : memref<128xi32, #tpu.memory_space<vmem>>, vector<16xi32>,
    %add3A_274 = arith.constant 96 : i32
    %add3A_275 = arith.addi %add3A_175, %add3A_274 : i32
    %iota3A_276 = tpu.iota {dimensions = array<i32: 0>} : vector<16xi32>
    %add3A_277 = vector.broadcast %add3A_275 : i32 to vector<16xi32>
    %add3A_278 = arith.addi %add3A_277, %iota3A_276 : vector<16xi32>
    %mul3A_279 = arith.constant 200 : i32
    %mul3A_280 = vector.broadcast %mul3A_279 : i32 to vector<16xi32>
    %mul3A_281 = arith.muli %get3A_273, %mul3A_280 : vector<16xi32>
    %rem3A_282 = arith.constant 200 : i32
    %rem3A_283 = vector.broadcast %rem3A_282 : i32 to vector<16xi32>
    %rem3A_284 = arith.remsi %add3A_278, %rem3A_283 : vector<16xi32>
    %add3A_285 = arith.addi %mul3A_281, %rem3A_284 : vector<16xi32>
    %swap3A_286 = arith.constant 96 : index
    %swap3A_287 = tpu.vector_load %arg13[%swap3A_286] {strides = array<i32>} : memref<128xi32, #tpu.memory_space<vmem>>, vector<16xi32>,
    tpu.vector_store %arg13[%swap3A_286], %add3A_285 {strides = array<i32>} : memref<128xi32, #tpu.memory_space<vmem>>, vector<16xi32>,
    %get3A_288 = arith.constant 112 : index
    %get3A_289 = tpu.vector_load %arg34[%get3A_288] {strides = array<i32>} : memref<128xi32, #tpu.memory_space<vmem>>, vector<16xi32>,
    %add3A_290 = arith.constant 112 : i32
    %add3A_291 = arith.addi %add3A_175, %add3A_290 : i32
    %iota3A_292 = tpu.iota {dimensions = array<i32: 0>} : vector<16xi32>
    %add3A_293 = vector.broadcast %add3A_291 : i32 to vector<16xi32>
    %add3A_294 = arith.addi %add3A_293, %iota3A_292 : vector<16xi32>
    %mul3A_295 = arith.constant 200 : i32
    %mul3A_296 = vector.broadcast %mul3A_295 : i32 to vector<16xi32>
    %mul3A_297 = arith.muli %get3A_289, %mul3A_296 : vector<16xi32>
    %rem3A_298 = arith.constant 200 : i32
    %rem3A_299 = vector.broadcast %rem3A_298 : i32 to vector<16xi32>
    %rem3A_300 = arith.remsi %add3A_294, %rem3A_299 : vector<16xi32>
    %add3A_301 = arith.addi %mul3A_297, %rem3A_300 : vector<16xi32>
    %swap3A_302 = arith.constant 112 : index
    %swap3A_303 = tpu.vector_load %arg13[%swap3A_302] {strides = array<i32>} : memref<128xi32, #tpu.memory_space<vmem>>, vector<16xi32>,
    tpu.vector_store %arg13[%swap3A_302], %add3A_301 {strides = array<i32>} : memref<128xi32, #tpu.memory_space<vmem>>, vector<16xi32>,
    %dma_start3A_304 = arith.constant 0 : i32
    %dma_start3A_305 = arith.constant 0 : i32
    %dma_start3A_306 = tpu.memref_slice %arg4[%dma_start3A_304, %dma_start3A_305] : memref<100000x64xf32, #tpu.memory_space<hbm>> -> memref<100000x64xf32, #tpu.memory_space<hbm>>
    tpu.enqueue_indirect_dma source(%dma_start3A_306 : memref<100000x64xf32, #tpu.memory_space<hbm>>) target(%arg29 : memref<128x64xf32, #tpu.memory_space<vmem>>) offsets(%arg39 : memref<128xi32, #tpu.memory_space<vmem>>) semaphore(%arg19 : memref<!tpu.dma_semaphore, #tpu.memory_space<semaphore_mem>>)
    %add3A_307 = arith.constant 256 : i32
    %add3A_308 = arith.addi %mul3A_2, %add3A_307 : i32
    %dma_wait3A_309 = tpu.memref_slice %arg2[%add3A_308] : memref<204800xi32, #tpu.memory_space<hbm>> -> memref<128xi32, #tpu.memory_space<hbm>>
    %dma_wait3A_310 = tpu.memref_slice %arg2[%add3A_308] : memref<204800xi32, #tpu.memory_space<hbm>> -> memref<128xi32, #tpu.memory_space<hbm>>
    tpu.wait_dma2 semaphore(%arg45 : memref<!tpu.dma_semaphore, #tpu.memory_space<semaphore_mem>>) src(%dma_wait3A_310 : memref<128xi32, #tpu.memory_space<hbm>>) dst(%arg40 : memref<128xi32, #tpu.memory_space<vmem>>)
    %dma_wait3A_311 = tpu.memref_slice %arg3[%add3A_308] : memref<204800xi32, #tpu.memory_space<hbm>> -> memref<128xi32, #tpu.memory_space<hbm>>
    %dma_wait3A_312 = tpu.memref_slice %arg3[%add3A_308] : memref<204800xi32, #tpu.memory_space<hbm>> -> memref<128xi32, #tpu.memory_space<hbm>>
    tpu.wait_dma2 semaphore(%arg45 : memref<!tpu.dma_semaphore, #tpu.memory_space<semaphore_mem>>) src(%dma_wait3A_312 : memref<128xi32, #tpu.memory_space<hbm>>) dst(%arg35 : memref<128xi32, #tpu.memory_space<vmem>>)
    %add3A_313 = arith.constant 256 : i32
    %add3A_314 = arith.addi %mul3A_2, %add3A_313 : i32
    %get3A_315 = arith.constant 0 : index
    %get3A_316 = tpu.vector_load %arg35[%get3A_315] {strides = array<i32>} : memref<128xi32, #tpu.memory_space<vmem>>, vector<16xi32>,
    %add3A_317 = arith.constant 0 : i32
    %add3A_318 = arith.addi %add3A_314, %add3A_317 : i32
    %iota3A_319 = tpu.iota {dimensions = array<i32: 0>} : vector<16xi32>
    %add3A_320 = vector.broadcast %add3A_318 : i32 to vector<16xi32>
    %add3A_321 = arith.addi %add3A_320, %iota3A_319 : vector<16xi32>
    %mul3A_322 = arith.constant 200 : i32
    %mul3A_323 = vector.broadcast %mul3A_322 : i32 to vector<16xi32>
    %mul3A_324 = arith.muli %get3A_316, %mul3A_323 : vector<16xi32>
    %rem3A_325 = arith.constant 200 : i32
    %rem3A_326 = vector.broadcast %rem3A_325 : i32 to vector<16xi32>
    %rem3A_327 = arith.remsi %add3A_321, %rem3A_326 : vector<16xi32>
    %add3A_328 = arith.addi %mul3A_324, %rem3A_327 : vector<16xi32>
    %swap3A_329 = arith.constant 0 : index
    %swap3A_330 = tpu.vector_load %arg14[%swap3A_329] {strides = array<i32>} : memref<128xi32, #tpu.memory_space<vmem>>, vector<16xi32>,
    tpu.vector_store %arg14[%swap3A_329], %add3A_328 {strides = array<i32>} : memref<128xi32, #tpu.memory_space<vmem>>, vector<16xi32>,
    %get3A_331 = arith.constant 16 : index
    %get3A_332 = tpu.vector_load %arg35[%get3A_331] {strides = array<i32>} : memref<128xi32, #tpu.memory_space<vmem>>, vector<16xi32>,
    %add3A_333 = arith.constant 16 : i32
    %add3A_334 = arith.addi %add3A_314, %add3A_333 : i32
    %iota3A_335 = tpu.iota {dimensions = array<i32: 0>} : vector<16xi32>
    %add3A_336 = vector.broadcast %add3A_334 : i32 to vector<16xi32>
    %add3A_337 = arith.addi %add3A_336, %iota3A_335 : vector<16xi32>
    %mul3A_338 = arith.constant 200 : i32
    %mul3A_339 = vector.broadcast %mul3A_338 : i32 to vector<16xi32>
    %mul3A_340 = arith.muli %get3A_332, %mul3A_339 : vector<16xi32>
    %rem3A_341 = arith.constant 200 : i32
    %rem3A_342 = vector.broadcast %rem3A_341 : i32 to vector<16xi32>
    %rem3A_343 = arith.remsi %add3A_337, %rem3A_342 : vector<16xi32>
    %add3A_344 = arith.addi %mul3A_340, %rem3A_343 : vector<16xi32>
    %swap3A_345 = arith.constant 16 : index
    %swap3A_346 = tpu.vector_load %arg14[%swap3A_345] {strides = array<i32>} : memref<128xi32, #tpu.memory_space<vmem>>, vector<16xi32>,
    tpu.vector_store %arg14[%swap3A_345], %add3A_344 {strides = array<i32>} : memref<128xi32, #tpu.memory_space<vmem>>, vector<16xi32>,
    %get3A_347 = arith.constant 32 : index
    %get3A_348 = tpu.vector_load %arg35[%get3A_347] {strides = array<i32>} : memref<128xi32, #tpu.memory_space<vmem>>, vector<16xi32>,
    %add3A_349 = arith.constant 32 : i32
    %add3A_350 = arith.addi %add3A_314, %add3A_349 : i32
    %iota3A_351 = tpu.iota {dimensions = array<i32: 0>} : vector<16xi32>
    %add3A_352 = vector.broadcast %add3A_350 : i32 to vector<16xi32>
    %add3A_353 = arith.addi %add3A_352, %iota3A_351 : vector<16xi32>
    %mul3A_354 = arith.constant 200 : i32
    %mul3A_355 = vector.broadcast %mul3A_354 : i32 to vector<16xi32>
    %mul3A_356 = arith.muli %get3A_348, %mul3A_355 : vector<16xi32>
    %rem3A_357 = arith.constant 200 : i32
    %rem3A_358 = vector.broadcast %rem3A_357 : i32 to vector<16xi32>
    %rem3A_359 = arith.remsi %add3A_353, %rem3A_358 : vector<16xi32>
    %add3A_360 = arith.addi %mul3A_356, %rem3A_359 : vector<16xi32>
    %swap3A_361 = arith.constant 32 : index
    %swap3A_362 = tpu.vector_load %arg14[%swap3A_361] {strides = array<i32>} : memref<128xi32, #tpu.memory_space<vmem>>, vector<16xi32>,
    tpu.vector_store %arg14[%swap3A_361], %add3A_360 {strides = array<i32>} : memref<128xi32, #tpu.memory_space<vmem>>, vector<16xi32>,
    %get3A_363 = arith.constant 48 : index
    %get3A_364 = tpu.vector_load %arg35[%get3A_363] {strides = array<i32>} : memref<128xi32, #tpu.memory_space<vmem>>, vector<16xi32>,
    %add3A_365 = arith.constant 48 : i32
    %add3A_366 = arith.addi %add3A_314, %add3A_365 : i32
    %iota3A_367 = tpu.iota {dimensions = array<i32: 0>} : vector<16xi32>
    %add3A_368 = vector.broadcast %add3A_366 : i32 to vector<16xi32>
    %add3A_369 = arith.addi %add3A_368, %iota3A_367 : vector<16xi32>
    %mul3A_370 = arith.constant 200 : i32
    %mul3A_371 = vector.broadcast %mul3A_370 : i32 to vector<16xi32>
    %mul3A_372 = arith.muli %get3A_364, %mul3A_371 : vector<16xi32>
    %rem3A_373 = arith.constant 200 : i32
    %rem3A_374 = vector.broadcast %rem3A_373 : i32 to vector<16xi32>
    %rem3A_375 = arith.remsi %add3A_369, %rem3A_374 : vector<16xi32>
    %add3A_376 = arith.addi %mul3A_372, %rem3A_375 : vector<16xi32>
    %swap3A_377 = arith.constant 48 : index
    %swap3A_378 = tpu.vector_load %arg14[%swap3A_377] {strides = array<i32>} : memref<128xi32, #tpu.memory_space<vmem>>, vector<16xi32>,
    tpu.vector_store %arg14[%swap3A_377], %add3A_376 {strides = array<i32>} : memref<128xi32, #tpu.memory_space<vmem>>, vector<16xi32>,
    %get3A_379 = arith.constant 64 : index
    %get3A_380 = tpu.vector_load %arg35[%get3A_379] {strides = array<i32>} : memref<128xi32, #tpu.memory_space<vmem>>, vector<16xi32>,
    %add3A_381 = arith.constant 64 : i32
    %add3A_382 = arith.addi %add3A_314, %add3A_381 : i32
    %iota3A_383 = tpu.iota {dimensions = array<i32: 0>} : vector<16xi32>
    %add3A_384 = vector.broadcast %add3A_382 : i32 to vector<16xi32>
    %add3A_385 = arith.addi %add3A_384, %iota3A_383 : vector<16xi32>
    %mul3A_386 = arith.constant 200 : i32
    %mul3A_387 = vector.broadcast %mul3A_386 : i32 to vector<16xi32>
    %mul3A_388 = arith.muli %get3A_380, %mul3A_387 : vector<16xi32>
    %rem3A_389 = arith.constant 200 : i32
    %rem3A_390 = vector.broadcast %rem3A_389 : i32 to vector<16xi32>
    %rem3A_391 = arith.remsi %add3A_385, %rem3A_390 : vector<16xi32>
    %add3A_392 = arith.addi %mul3A_388, %rem3A_391 : vector<16xi32>
    %swap3A_393 = arith.constant 64 : index
    %swap3A_394 = tpu.vector_load %arg14[%swap3A_393] {strides = array<i32>} : memref<128xi32, #tpu.memory_space<vmem>>, vector<16xi32>,
    tpu.vector_store %arg14[%swap3A_393], %add3A_392 {strides = array<i32>} : memref<128xi32, #tpu.memory_space<vmem>>, vector<16xi32>,
    %get3A_395 = arith.constant 80 : index
    %get3A_396 = tpu.vector_load %arg35[%get3A_395] {strides = array<i32>} : memref<128xi32, #tpu.memory_space<vmem>>, vector<16xi32>,
    %add3A_397 = arith.constant 80 : i32
    %add3A_398 = arith.addi %add3A_314, %add3A_397 : i32
    %iota3A_399 = tpu.iota {dimensions = array<i32: 0>} : vector<16xi32>
    %add3A_400 = vector.broadcast %add3A_398 : i32 to vector<16xi32>
    %add3A_401 = arith.addi %add3A_400, %iota3A_399 : vector<16xi32>
    %mul3A_402 = arith.constant 200 : i32
    %mul3A_403 = vector.broadcast %mul3A_402 : i32 to vector<16xi32>
    %mul3A_404 = arith.muli %get3A_396, %mul3A_403 : vector<16xi32>
    %rem3A_405 = arith.constant 200 : i32
    %rem3A_406 = vector.broadcast %rem3A_405 : i32 to vector<16xi32>
    %rem3A_407 = arith.remsi %add3A_401, %rem3A_406 : vector<16xi32>
    %add3A_408 = arith.addi %mul3A_404, %rem3A_407 : vector<16xi32>
    %swap3A_409 = arith.constant 80 : index
    %swap3A_410 = tpu.vector_load %arg14[%swap3A_409] {strides = array<i32>} : memref<128xi32, #tpu.memory_space<vmem>>, vector<16xi32>,
    tpu.vector_store %arg14[%swap3A_409], %add3A_408 {strides = array<i32>} : memref<128xi32, #tpu.memory_space<vmem>>, vector<16xi32>,
    %get3A_411 = arith.constant 96 : index
    %get3A_412 = tpu.vector_load %arg35[%get3A_411] {strides = array<i32>} : memref<128xi32, #tpu.memory_space<vmem>>, vector<16xi32>,
    %add3A_413 = arith.constant 96 : i32
    %add3A_414 = arith.addi %add3A_314, %add3A_413 : i32
    %iota3A_415 = tpu.iota {dimensions = array<i32: 0>} : vector<16xi32>
    %add3A_416 = vector.broadcast %add3A_414 : i32 to vector<16xi32>
    %add3A_417 = arith.addi %add3A_416, %iota3A_415 : vector<16xi32>
    %mul3A_418 = arith.constant 200 : i32
    %mul3A_419 = vector.broadcast %mul3A_418 : i32 to vector<16xi32>
    %mul3A_420 = arith.muli %get3A_412, %mul3A_419 : vector<16xi32>
    %rem3A_421 = arith.constant 200 : i32
    %rem3A_422 = vector.broadcast %rem3A_421 : i32 to vector<16xi32>
    %rem3A_423 = arith.remsi %add3A_417, %rem3A_422 : vector<16xi32>
    %add3A_424 = arith.addi %mul3A_420, %rem3A_423 : vector<16xi32>
    %swap3A_425 = arith.constant 96 : index
    %swap3A_426 = tpu.vector_load %arg14[%swap3A_425] {strides = array<i32>} : memref<128xi32, #tpu.memory_space<vmem>>, vector<16xi32>,
    tpu.vector_store %arg14[%swap3A_425], %add3A_424 {strides = array<i32>} : memref<128xi32, #tpu.memory_space<vmem>>, vector<16xi32>,
    %get3A_427 = arith.constant 112 : index
    %get3A_428 = tpu.vector_load %arg35[%get3A_427] {strides = array<i32>} : memref<128xi32, #tpu.memory_space<vmem>>, vector<16xi32>,
    %add3A_429 = arith.constant 112 : i32
    %add3A_430 = arith.addi %add3A_314, %add3A_429 : i32
    %iota3A_431 = tpu.iota {dimensions = array<i32: 0>} : vector<16xi32>
    %add3A_432 = vector.broadcast %add3A_430 : i32 to vector<16xi32>
    %add3A_433 = arith.addi %add3A_432, %iota3A_431 : vector<16xi32>
    %mul3A_434 = arith.constant 200 : i32
    %mul3A_435 = vector.broadcast %mul3A_434 : i32 to vector<16xi32>
    %mul3A_436 = arith.muli %get3A_428, %mul3A_435 : vector<16xi32>
    %rem3A_437 = arith.constant 200 : i32
    %rem3A_438 = vector.broadcast %rem3A_437 : i32 to vector<16xi32>
    %rem3A_439 = arith.remsi %add3A_433, %rem3A_438 : vector<16xi32>
    %add3A_440 = arith.addi %mul3A_436, %rem3A_439 : vector<16xi32>
    %swap3A_441 = arith.constant 112 : index
    %swap3A_442 = tpu.vector_load %arg14[%swap3A_441] {strides = array<i32>} : memref<128xi32, #tpu.memory_space<vmem>>, vector<16xi32>,
    tpu.vector_store %arg14[%swap3A_441], %add3A_440 {strides = array<i32>} : memref<128xi32, #tpu.memory_space<vmem>>, vector<16xi32>,
    %dma_start3A_443 = arith.constant 0 : i32
    %dma_start3A_444 = arith.constant 0 : i32
    %dma_start3A_445 = tpu.memref_slice %arg4[%dma_start3A_443, %dma_start3A_444] : memref<100000x64xf32, #tpu.memory_space<hbm>> -> memref<100000x64xf32, #tpu.memory_space<hbm>>
    tpu.enqueue_indirect_dma source(%dma_start3A_445 : memref<100000x64xf32, #tpu.memory_space<hbm>>) target(%arg30 : memref<128x64xf32, #tpu.memory_space<vmem>>) offsets(%arg40 : memref<128xi32, #tpu.memory_space<vmem>>) semaphore(%arg20 : memref<!tpu.dma_semaphore, #tpu.memory_space<semaphore_mem>>)
    %scan3A = arith.constant 0 : i32
    %scan3A_446 = arith.constant 0 : i32
    %scan3A_447 = arith.constant 10 : i32
    %scan3A_448 = arith.addi %scan3A_446, %scan3A_447 : i32
    %scan3A_449 = arith.constant 1 : i32
    scf.for %scan3A_481 = %scan3A_446 to %scan3A_448 step %scan3A_449  : i32 {
      %mul3A_482 = arith.constant 5 : i32
      %mul3A_483 = arith.muli %mul3A_482, %scan3A_481 : i32
      %add3A_484 = arith.constant 0 : i32
      %add3A_485 = arith.addi %mul3A_483, %add3A_484 : i32
      %mul3A_486 = arith.constant 128 : i32
      %mul3A_487 = arith.muli %add3A_485, %mul3A_486 : i32
      %add3A_488 = arith.addi %mul3A_2, %mul3A_487 : i32
      %le3A = arith.constant 8 : i32
      %le3A_489 = arith.cmpi sle, %scan3A_481, %le3A : i32
      %or3A = arith.constant true
      %or3A_490 = arith.ori %le3A_489, %or3A : i1
      %convert_element_type3A_491 = arith.extui %or3A_490 : i1 to i32
      %cond3A_492 = arith.constant 0 : i32
      %cond3A_493 = arith.cmpi ne, %convert_element_type3A_491, %cond3A_492 : i32
      scf.if %cond3A_493 {
        %add3A_640 = arith.constant 3 : i32
        %add3A_641 = arith.addi %add3A_485, %add3A_640 : i32
        %mul3A_642 = arith.constant 128 : i32
        %mul3A_643 = arith.muli %add3A_641, %mul3A_642 : i32
        %add3A_644 = arith.addi %mul3A_2, %mul3A_643 : i32
        %dma_wait3A_645 = tpu.memref_slice %arg2[%add3A_644] : memref<204800xi32, #tpu.memory_space<hbm>> -> memref<128xi32, #tpu.memory_space<hbm>>
        %dma_wait3A_646 = tpu.memref_slice %arg2[%add3A_644] : memref<204800xi32, #tpu.memory_space<hbm>> -> memref<128xi32, #tpu.memory_space<hbm>>
        tpu.wait_dma2 semaphore(%arg46 : memref<!tpu.dma_semaphore, #tpu.memory_space<semaphore_mem>>) src(%dma_wait3A_646 : memref<128xi32, #tpu.memory_space<hbm>>) dst(%arg41 : memref<128xi32, #tpu.memory_space<vmem>>)
        %dma_wait3A_647 = tpu.memref_slice %arg3[%add3A_644] : memref<204800xi32, #tpu.memory_space<hbm>> -> memref<128xi32, #tpu.memory_space<hbm>>
        %dma_wait3A_648 = tpu.memref_slice %arg3[%add3A_644] : memref<204800xi32, #tpu.memory_space<hbm>> -> memref<128xi32, #tpu.memory_space<hbm>>
        tpu.wait_dma2 semaphore(%arg46 : memref<!tpu.dma_semaphore, #tpu.memory_space<semaphore_mem>>) src(%dma_wait3A_648 : memref<128xi32, #tpu.memory_space<hbm>>) dst(%arg36 : memref<128xi32, #tpu.memory_space<vmem>>)
        %add3A_649 = arith.constant 3 : i32
        %add3A_650 = arith.addi %add3A_485, %add3A_649 : i32
        %mul3A_651 = arith.constant 128 : i32
        %mul3A_652 = arith.muli %add3A_650, %mul3A_651 : i32
        %add3A_653 = arith.addi %mul3A_2, %mul3A_652 : i32
        %get3A_654 = arith.constant 0 : index
        %get3A_655 = tpu.vector_load %arg36[%get3A_654] {strides = array<i32>} : memref<128xi32, #tpu.memory_space<vmem>>, vector<16xi32>,
        %add3A_656 = arith.constant 0 : i32
        %add3A_657 = arith.addi %add3A_653, %add3A_656 : i32
        %iota3A_658 = tpu.iota {dimensions = array<i32: 0>} : vector<16xi32>
        %add3A_659 = vector.broadcast %add3A_657 : i32 to vector<16xi32>
        %add3A_660 = arith.addi %add3A_659, %iota3A_658 : vector<16xi32>
        %mul3A_661 = arith.constant 200 : i32
        %mul3A_662 = vector.broadcast %mul3A_661 : i32 to vector<16xi32>
        %mul3A_663 = arith.muli %get3A_655, %mul3A_662 : vector<16xi32>
        %rem3A_664 = arith.constant 200 : i32
        %rem3A_665 = vector.broadcast %rem3A_664 : i32 to vector<16xi32>
        %rem3A_666 = arith.remsi %add3A_660, %rem3A_665 : vector<16xi32>
        %add3A_667 = arith.addi %mul3A_663, %rem3A_666 : vector<16xi32>
        %swap3A_668 = arith.constant 0 : index
        %swap3A_669 = tpu.vector_load %arg15[%swap3A_668] {strides = array<i32>} : memref<128xi32, #tpu.memory_space<vmem>>, vector<16xi32>,
        tpu.vector_store %arg15[%swap3A_668], %add3A_667 {strides = array<i32>} : memref<128xi32, #tpu.memory_space<vmem>>, vector<16xi32>,
        %get3A_670 = arith.constant 16 : index
        %get3A_671 = tpu.vector_load %arg36[%get3A_670] {strides = array<i32>} : memref<128xi32, #tpu.memory_space<vmem>>, vector<16xi32>,
        %add3A_672 = arith.constant 16 : i32
        %add3A_673 = arith.addi %add3A_653, %add3A_672 : i32
        %iota3A_674 = tpu.iota {dimensions = array<i32: 0>} : vector<16xi32>
        %add3A_675 = vector.broadcast %add3A_673 : i32 to vector<16xi32>
        %add3A_676 = arith.addi %add3A_675, %iota3A_674 : vector<16xi32>
        %mul3A_677 = arith.constant 200 : i32
        %mul3A_678 = vector.broadcast %mul3A_677 : i32 to vector<16xi32>
        %mul3A_679 = arith.muli %get3A_671, %mul3A_678 : vector<16xi32>
        %rem3A_680 = arith.constant 200 : i32
        %rem3A_681 = vector.broadcast %rem3A_680 : i32 to vector<16xi32>
        %rem3A_682 = arith.remsi %add3A_676, %rem3A_681 : vector<16xi32>
        %add3A_683 = arith.addi %mul3A_679, %rem3A_682 : vector<16xi32>
        %swap3A_684 = arith.constant 16 : index
        %swap3A_685 = tpu.vector_load %arg15[%swap3A_684] {strides = array<i32>} : memref<128xi32, #tpu.memory_space<vmem>>, vector<16xi32>,
        tpu.vector_store %arg15[%swap3A_684], %add3A_683 {strides = array<i32>} : memref<128xi32, #tpu.memory_space<vmem>>, vector<16xi32>,
        %get3A_686 = arith.constant 32 : index
        %get3A_687 = tpu.vector_load %arg36[%get3A_686] {strides = array<i32>} : memref<128xi32, #tpu.memory_space<vmem>>, vector<16xi32>,
        %add3A_688 = arith.constant 32 : i32
        %add3A_689 = arith.addi %add3A_653, %add3A_688 : i32
        %iota3A_690 = tpu.iota {dimensions = array<i32: 0>} : vector<16xi32>
        %add3A_691 = vector.broadcast %add3A_689 : i32 to vector<16xi32>
        %add3A_692 = arith.addi %add3A_691, %iota3A_690 : vector<16xi32>
        %mul3A_693 = arith.constant 200 : i32
        %mul3A_694 = vector.broadcast %mul3A_693 : i32 to vector<16xi32>
        %mul3A_695 = arith.muli %get3A_687, %mul3A_694 : vector<16xi32>
        %rem3A_696 = arith.constant 200 : i32
        %rem3A_697 = vector.broadcast %rem3A_696 : i32 to vector<16xi32>
        %rem3A_698 = arith.remsi %add3A_692, %rem3A_697 : vector<16xi32>
        %add3A_699 = arith.addi %mul3A_695, %rem3A_698 : vector<16xi32>
        %swap3A_700 = arith.constant 32 : index
        %swap3A_701 = tpu.vector_load %arg15[%swap3A_700] {strides = array<i32>} : memref<128xi32, #tpu.memory_space<vmem>>, vector<16xi32>,
        tpu.vector_store %arg15[%swap3A_700], %add3A_699 {strides = array<i32>} : memref<128xi32, #tpu.memory_space<vmem>>, vector<16xi32>,
        %get3A_702 = arith.constant 48 : index
        %get3A_703 = tpu.vector_load %arg36[%get3A_702] {strides = array<i32>} : memref<128xi32, #tpu.memory_space<vmem>>, vector<16xi32>,
        %add3A_704 = arith.constant 48 : i32
        %add3A_705 = arith.addi %add3A_653, %add3A_704 : i32
        %iota3A_706 = tpu.iota {dimensions = array<i32: 0>} : vector<16xi32>
        %add3A_707 = vector.broadcast %add3A_705 : i32 to vector<16xi32>
        %add3A_708 = arith.addi %add3A_707, %iota3A_706 : vector<16xi32>
        %mul3A_709 = arith.constant 200 : i32
        %mul3A_710 = vector.broadcast %mul3A_709 : i32 to vector<16xi32>
        %mul3A_711 = arith.muli %get3A_703, %mul3A_710 : vector<16xi32>
        %rem3A_712 = arith.constant 200 : i32
        %rem3A_713 = vector.broadcast %rem3A_712 : i32 to vector<16xi32>
        %rem3A_714 = arith.remsi %add3A_708, %rem3A_713 : vector<16xi32>
        %add3A_715 = arith.addi %mul3A_711, %rem3A_714 : vector<16xi32>
        %swap3A_716 = arith.constant 48 : index
        %swap3A_717 = tpu.vector_load %arg15[%swap3A_716] {strides = array<i32>} : memref<128xi32, #tpu.memory_space<vmem>>, vector<16xi32>,
        tpu.vector_store %arg15[%swap3A_716], %add3A_715 {strides = array<i32>} : memref<128xi32, #tpu.memory_space<vmem>>, vector<16xi32>,
        %get3A_718 = arith.constant 64 : index
        %get3A_719 = tpu.vector_load %arg36[%get3A_718] {strides = array<i32>} : memref<128xi32, #tpu.memory_space<vmem>>, vector<16xi32>,
        %add3A_720 = arith.constant 64 : i32
        %add3A_721 = arith.addi %add3A_653, %add3A_720 : i32
        %iota3A_722 = tpu.iota {dimensions = array<i32: 0>} : vector<16xi32>
        %add3A_723 = vector.broadcast %add3A_721 : i32 to vector<16xi32>
        %add3A_724 = arith.addi %add3A_723, %iota3A_722 : vector<16xi32>
        %mul3A_725 = arith.constant 200 : i32
        %mul3A_726 = vector.broadcast %mul3A_725 : i32 to vector<16xi32>
        %mul3A_727 = arith.muli %get3A_719, %mul3A_726 : vector<16xi32>
        %rem3A_728 = arith.constant 200 : i32
        %rem3A_729 = vector.broadcast %rem3A_728 : i32 to vector<16xi32>
        %rem3A_730 = arith.remsi %add3A_724, %rem3A_729 : vector<16xi32>
        %add3A_731 = arith.addi %mul3A_727, %rem3A_730 : vector<16xi32>
        %swap3A_732 = arith.constant 64 : index
        %swap3A_733 = tpu.vector_load %arg15[%swap3A_732] {strides = array<i32>} : memref<128xi32, #tpu.memory_space<vmem>>, vector<16xi32>,
        tpu.vector_store %arg15[%swap3A_732], %add3A_731 {strides = array<i32>} : memref<128xi32, #tpu.memory_space<vmem>>, vector<16xi32>,
        %get3A_734 = arith.constant 80 : index
        %get3A_735 = tpu.vector_load %arg36[%get3A_734] {strides = array<i32>} : memref<128xi32, #tpu.memory_space<vmem>>, vector<16xi32>,
        %add3A_736 = arith.constant 80 : i32
        %add3A_737 = arith.addi %add3A_653, %add3A_736 : i32
        %iota3A_738 = tpu.iota {dimensions = array<i32: 0>} : vector<16xi32>
        %add3A_739 = vector.broadcast %add3A_737 : i32 to vector<16xi32>
        %add3A_740 = arith.addi %add3A_739, %iota3A_738 : vector<16xi32>
        %mul3A_741 = arith.constant 200 : i32
        %mul3A_742 = vector.broadcast %mul3A_741 : i32 to vector<16xi32>
        %mul3A_743 = arith.muli %get3A_735, %mul3A_742 : vector<16xi32>
        %rem3A_744 = arith.constant 200 : i32
        %rem3A_745 = vector.broadcast %rem3A_744 : i32 to vector<16xi32>
        %rem3A_746 = arith.remsi %add3A_740, %rem3A_745 : vector<16xi32>
        %add3A_747 = arith.addi %mul3A_743, %rem3A_746 : vector<16xi32>
        %swap3A_748 = arith.constant 80 : index
        %swap3A_749 = tpu.vector_load %arg15[%swap3A_748] {strides = array<i32>} : memref<128xi32, #tpu.memory_space<vmem>>, vector<16xi32>,
        tpu.vector_store %arg15[%swap3A_748], %add3A_747 {strides = array<i32>} : memref<128xi32, #tpu.memory_space<vmem>>, vector<16xi32>,
        %get3A_750 = arith.constant 96 : index
        %get3A_751 = tpu.vector_load %arg36[%get3A_750] {strides = array<i32>} : memref<128xi32, #tpu.memory_space<vmem>>, vector<16xi32>,
        %add3A_752 = arith.constant 96 : i32
        %add3A_753 = arith.addi %add3A_653, %add3A_752 : i32
        %iota3A_754 = tpu.iota {dimensions = array<i32: 0>} : vector<16xi32>
        %add3A_755 = vector.broadcast %add3A_753 : i32 to vector<16xi32>
        %add3A_756 = arith.addi %add3A_755, %iota3A_754 : vector<16xi32>
        %mul3A_757 = arith.constant 200 : i32
        %mul3A_758 = vector.broadcast %mul3A_757 : i32 to vector<16xi32>
        %mul3A_759 = arith.muli %get3A_751, %mul3A_758 : vector<16xi32>
        %rem3A_760 = arith.constant 200 : i32
        %rem3A_761 = vector.broadcast %rem3A_760 : i32 to vector<16xi32>
        %rem3A_762 = arith.remsi %add3A_756, %rem3A_761 : vector<16xi32>
        %add3A_763 = arith.addi %mul3A_759, %rem3A_762 : vector<16xi32>
        %swap3A_764 = arith.constant 96 : index
        %swap3A_765 = tpu.vector_load %arg15[%swap3A_764] {strides = array<i32>} : memref<128xi32, #tpu.memory_space<vmem>>, vector<16xi32>,
        tpu.vector_store %arg15[%swap3A_764], %add3A_763 {strides = array<i32>} : memref<128xi32, #tpu.memory_space<vmem>>, vector<16xi32>,
        %get3A_766 = arith.constant 112 : index
        %get3A_767 = tpu.vector_load %arg36[%get3A_766] {strides = array<i32>} : memref<128xi32, #tpu.memory_space<vmem>>, vector<16xi32>,
        %add3A_768 = arith.constant 112 : i32
        %add3A_769 = arith.addi %add3A_653, %add3A_768 : i32
        %iota3A_770 = tpu.iota {dimensions = array<i32: 0>} : vector<16xi32>
        %add3A_771 = vector.broadcast %add3A_769 : i32 to vector<16xi32>
        %add3A_772 = arith.addi %add3A_771, %iota3A_770 : vector<16xi32>
        %mul3A_773 = arith.constant 200 : i32
        %mul3A_774 = vector.broadcast %mul3A_773 : i32 to vector<16xi32>
        %mul3A_775 = arith.muli %get3A_767, %mul3A_774 : vector<16xi32>
        %rem3A_776 = arith.constant 200 : i32
        %rem3A_777 = vector.broadcast %rem3A_776 : i32 to vector<16xi32>
        %rem3A_778 = arith.remsi %add3A_772, %rem3A_777 : vector<16xi32>
        %add3A_779 = arith.addi %mul3A_775, %rem3A_778 : vector<16xi32>
        %swap3A_780 = arith.constant 112 : index
        %swap3A_781 = tpu.vector_load %arg15[%swap3A_780] {strides = array<i32>} : memref<128xi32, #tpu.memory_space<vmem>>, vector<16xi32>,
        tpu.vector_store %arg15[%swap3A_780], %add3A_779 {strides = array<i32>} : memref<128xi32, #tpu.memory_space<vmem>>, vector<16xi32>,
        %ge3A = arith.constant 1 : i32
        %ge3A_782 = arith.cmpi sge, %scan3A_481, %ge3A : i32
        %or3A_783 = arith.constant false
        %or3A_784 = arith.ori %ge3A_782, %or3A_783 : i1
        %convert_element_type3A_785 = arith.extui %or3A_784 : i1 to i32
        %cond3A_786 = arith.constant 0 : i32
        %cond3A_787 = arith.cmpi ne, %convert_element_type3A_785, %cond3A_786 : i32
        scf.if %cond3A_787 {
          %sub3A = arith.constant 2 : i32
          %sub3A_791 = arith.subi %add3A_485, %sub3A : i32
          %mul3A_792 = arith.constant 128 : i32
          %mul3A_793 = arith.muli %sub3A_791, %mul3A_792 : i32
          %add3A_794 = arith.addi %mul3A_2, %mul3A_793 : i32
          %dma_wait3A_795 = arith.constant 0 : i32
          %dma_wait3A_796 = tpu.memref_slice %arg6[%add3A_794, %dma_wait3A_795] : memref<204800x64xf32, #tpu.memory_space<hbm>> -> memref<128x64xf32, #tpu.memory_space<hbm>>
          %dma_wait3A_797 = arith.constant 0 : i32
          %dma_wait3A_798 = tpu.memref_slice %arg6[%add3A_794, %dma_wait3A_797] : memref<204800x64xf32, #tpu.memory_space<hbm>> -> memref<128x64xf32, #tpu.memory_space<hbm>>
          tpu.wait_dma2 semaphore(%arg26 : memref<!tpu.dma_semaphore, #tpu.memory_space<semaphore_mem>>) src(%arg31 : memref<128x64xf32, #tpu.memory_space<vmem>>) dst(%dma_wait3A_798 : memref<128x64xf32, #tpu.memory_space<hbm>>)
        } else {
        }
        %dma_start3A_788 = arith.constant 0 : i32
        %dma_start3A_789 = arith.constant 0 : i32
        %dma_start3A_790 = tpu.memref_slice %arg4[%dma_start3A_788, %dma_start3A_789] : memref<100000x64xf32, #tpu.memory_space<hbm>> -> memref<100000x64xf32, #tpu.memory_space<hbm>>
        tpu.enqueue_indirect_dma source(%dma_start3A_790 : memref<100000x64xf32, #tpu.memory_space<hbm>>) target(%arg31 : memref<128x64xf32, #tpu.memory_space<vmem>>) offsets(%arg41 : memref<128xi32, #tpu.memory_space<vmem>>) semaphore(%arg21 : memref<!tpu.dma_semaphore, #tpu.memory_space<semaphore_mem>>)
      } else {
      }
      %dma_wait3A_494 = arith.constant 0 : i32
      %dma_wait3A_495 = arith.constant 0 : i32
      %dma_wait3A_496 = tpu.memref_slice %arg4[%dma_wait3A_494, %dma_wait3A_495] : memref<100000x64xf32, #tpu.memory_space<hbm>> -> memref<100000x64xf32, #tpu.memory_space<hbm>>
      tpu.wait_indirect_dma semaphore(%arg18 : memref<!tpu.dma_semaphore, #tpu.memory_space<semaphore_mem>>) src(%dma_wait3A_496 : memref<100000x64xf32, #tpu.memory_space<hbm>>) dst(%arg28 : memref<128x64xf32, #tpu.memory_space<vmem>>)
      %dma_start3A_497 = arith.constant 0 : i32
      %dma_start3A_498 = arith.constant 0 : i32
      %dma_start3A_499 = tpu.memref_slice %arg17[%dma_start3A_497, %dma_start3A_498] : memref<400x64xf32, #tpu.memory_space<vmem_shared>> -> memref<400x64xf32, #tpu.memory_space<vmem_shared>>
      tpu.enqueue_indirect_dma source(%dma_start3A_499 : memref<400x64xf32, #tpu.memory_space<vmem_shared>>) target(%arg28 : memref<128x64xf32, #tpu.memory_space<vmem>>) offsets(%arg12 : memref<128xi32, #tpu.memory_space<vmem>>) semaphore(%arg7 : memref<!tpu.dma_semaphore, #tpu.memory_space<semaphore_mem>>) {add = true}
      %le3A_500 = arith.constant 8 : i32
      %le3A_501 = arith.cmpi sle, %scan3A_481, %le3A_500 : i32
      %convert_element_type3A_502 = arith.extui %le3A_501 : i1 to i32
      %cond3A_503 = arith.constant 0 : i32
      %cond3A_504 = arith.cmpi ne, %convert_element_type3A_502, %cond3A_503 : i32
      scf.if %cond3A_504 {
        %add3A_640 = arith.constant 5 : i32
        %add3A_641 = arith.addi %add3A_485, %add3A_640 : i32
        %mul3A_642 = arith.constant 128 : i32
        %mul3A_643 = arith.muli %add3A_641, %mul3A_642 : i32
        %add3A_644 = arith.addi %mul3A_2, %mul3A_643 : i32
        %dma_start3A_645 = tpu.memref_slice %arg2[%add3A_644] : memref<204800xi32, #tpu.memory_space<hbm>> -> memref<128xi32, #tpu.memory_space<hbm>>
        %dma_start3A_646 = tpu.memref_slice %arg2[%add3A_644] : memref<204800xi32, #tpu.memory_space<hbm>> -> memref<128xi32, #tpu.memory_space<hbm>>
        tpu.enqueue_dma source(%dma_start3A_646 : memref<128xi32, #tpu.memory_space<hbm>>) target(%arg38 : memref<128xi32, #tpu.memory_space<vmem>>) target_semaphore(%arg43 : memref<!tpu.dma_semaphore, #tpu.memory_space<semaphore_mem>>)
        %dma_start3A_647 = tpu.memref_slice %arg3[%add3A_644] : memref<204800xi32, #tpu.memory_space<hbm>> -> memref<128xi32, #tpu.memory_space<hbm>>
        %dma_start3A_648 = tpu.memref_slice %arg3[%add3A_644] : memref<204800xi32, #tpu.memory_space<hbm>> -> memref<128xi32, #tpu.memory_space<hbm>>
        tpu.enqueue_dma source(%dma_start3A_648 : memref<128xi32, #tpu.memory_space<hbm>>) target(%arg33 : memref<128xi32, #tpu.memory_space<vmem>>) target_semaphore(%arg43 : memref<!tpu.dma_semaphore, #tpu.memory_space<semaphore_mem>>)
      } else {
      }
      %dma_wait3A_505 = arith.constant 0 : i32
      %dma_wait3A_506 = arith.constant 0 : i32
      %dma_wait3A_507 = tpu.memref_slice %arg17[%dma_wait3A_505, %dma_wait3A_506] : memref<400x64xf32, #tpu.memory_space<vmem_shared>> -> memref<400x64xf32, #tpu.memory_space<vmem_shared>>
      tpu.wait_indirect_dma semaphore(%arg7 : memref<!tpu.dma_semaphore, #tpu.memory_space<semaphore_mem>>) src(%dma_wait3A_507 : memref<400x64xf32, #tpu.memory_space<vmem_shared>>) dst(%arg28 : memref<128x64xf32, #tpu.memory_space<vmem>>)
      %dma_start3A_508 = arith.constant 0 : i32
      %dma_start3A_509 = tpu.memref_slice %arg6[%add3A_488, %dma_start3A_508] : memref<204800x64xf32, #tpu.memory_space<hbm>> -> memref<128x64xf32, #tpu.memory_space<hbm>>
      %dma_start3A_510 = arith.constant 0 : i32
      %dma_start3A_511 = tpu.memref_slice %arg6[%add3A_488, %dma_start3A_510] : memref<204800x64xf32, #tpu.memory_space<hbm>> -> memref<128x64xf32, #tpu.memory_space<hbm>>
      tpu.enqueue_dma source(%arg28 : memref<128x64xf32, #tpu.memory_space<vmem>>) target(%dma_start3A_511 : memref<128x64xf32, #tpu.memory_space<hbm>>) target_semaphore(%arg23 : memref<!tpu.dma_semaphore, #tpu.memory_space<semaphore_mem>>)
      %mul3A_512 = arith.constant 5 : i32
      %mul3A_513 = arith.muli %mul3A_512, %scan3A_481 : i32
      %add3A_514 = arith.constant 1 : i32
      %add3A_515 = arith.addi %mul3A_513, %add3A_514 : i32
      %mul3A_516 = arith.constant 128 : i32
      %mul3A_517 = arith.muli %add3A_515, %mul3A_516 : i32
      %add3A_518 = arith.addi %mul3A_2, %mul3A_517 : i32
      %le3A_519 = arith.constant 8 : i32
      %le3A_520 = arith.cmpi sle, %scan3A_481, %le3A_519 : i32
      %or3A_521 = arith.constant true
      %or3A_522 = arith.ori %le3A_520, %or3A_521 : i1
      %convert_element_type3A_523 = arith.extui %or3A_522 : i1 to i32
      %cond3A_524 = arith.constant 0 : i32
      %cond3A_525 = arith.cmpi ne, %convert_element_type3A_523, %cond3A_524 : i32
      scf.if %cond3A_525 {
        %add3A_640 = arith.constant 3 : i32
        %add3A_641 = arith.addi %add3A_515, %add3A_640 : i32
        %mul3A_642 = arith.constant 128 : i32
        %mul3A_643 = arith.muli %add3A_641, %mul3A_642 : i32
        %add3A_644 = arith.addi %mul3A_2, %mul3A_643 : i32
        %dma_wait3A_645 = tpu.memref_slice %arg2[%add3A_644] : memref<204800xi32, #tpu.memory_space<hbm>> -> memref<128xi32, #tpu.memory_space<hbm>>
        %dma_wait3A_646 = tpu.memref_slice %arg2[%add3A_644] : memref<204800xi32, #tpu.memory_space<hbm>> -> memref<128xi32, #tpu.memory_space<hbm>>
        tpu.wait_dma2 semaphore(%arg47 : memref<!tpu.dma_semaphore, #tpu.memory_space<semaphore_mem>>) src(%dma_wait3A_646 : memref<128xi32, #tpu.memory_space<hbm>>) dst(%arg42 : memref<128xi32, #tpu.memory_space<vmem>>)
        %dma_wait3A_647 = tpu.memref_slice %arg3[%add3A_644] : memref<204800xi32, #tpu.memory_space<hbm>> -> memref<128xi32, #tpu.memory_space<hbm>>
        %dma_wait3A_648 = tpu.memref_slice %arg3[%add3A_644] : memref<204800xi32, #tpu.memory_space<hbm>> -> memref<128xi32, #tpu.memory_space<hbm>>
        tpu.wait_dma2 semaphore(%arg47 : memref<!tpu.dma_semaphore, #tpu.memory_space<semaphore_mem>>) src(%dma_wait3A_648 : memref<128xi32, #tpu.memory_space<hbm>>) dst(%arg37 : memref<128xi32, #tpu.memory_space<vmem>>)
        %add3A_649 = arith.constant 3 : i32
        %add3A_650 = arith.addi %add3A_515, %add3A_649 : i32
        %mul3A_651 = arith.constant 128 : i32
        %mul3A_652 = arith.muli %add3A_650, %mul3A_651 : i32
        %add3A_653 = arith.addi %mul3A_2, %mul3A_652 : i32
        %get3A_654 = arith.constant 0 : index
        %get3A_655 = tpu.vector_load %arg37[%get3A_654] {strides = array<i32>} : memref<128xi32, #tpu.memory_space<vmem>>, vector<16xi32>,
        %add3A_656 = arith.constant 0 : i32
        %add3A_657 = arith.addi %add3A_653, %add3A_656 : i32
        %iota3A_658 = tpu.iota {dimensions = array<i32: 0>} : vector<16xi32>
        %add3A_659 = vector.broadcast %add3A_657 : i32 to vector<16xi32>
        %add3A_660 = arith.addi %add3A_659, %iota3A_658 : vector<16xi32>
        %mul3A_661 = arith.constant 200 : i32
        %mul3A_662 = vector.broadcast %mul3A_661 : i32 to vector<16xi32>
        %mul3A_663 = arith.muli %get3A_655, %mul3A_662 : vector<16xi32>
        %rem3A_664 = arith.constant 200 : i32
        %rem3A_665 = vector.broadcast %rem3A_664 : i32 to vector<16xi32>
        %rem3A_666 = arith.remsi %add3A_660, %rem3A_665 : vector<16xi32>
        %add3A_667 = arith.addi %mul3A_663, %rem3A_666 : vector<16xi32>
        %swap3A_668 = arith.constant 0 : index
        %swap3A_669 = tpu.vector_load %arg16[%swap3A_668] {strides = array<i32>} : memref<128xi32, #tpu.memory_space<vmem>>, vector<16xi32>,
        tpu.vector_store %arg16[%swap3A_668], %add3A_667 {strides = array<i32>} : memref<128xi32, #tpu.memory_space<vmem>>, vector<16xi32>,
        %get3A_670 = arith.constant 16 : index
        %get3A_671 = tpu.vector_load %arg37[%get3A_670] {strides = array<i32>} : memref<128xi32, #tpu.memory_space<vmem>>, vector<16xi32>,
        %add3A_672 = arith.constant 16 : i32
        %add3A_673 = arith.addi %add3A_653, %add3A_672 : i32
        %iota3A_674 = tpu.iota {dimensions = array<i32: 0>} : vector<16xi32>
        %add3A_675 = vector.broadcast %add3A_673 : i32 to vector<16xi32>
        %add3A_676 = arith.addi %add3A_675, %iota3A_674 : vector<16xi32>
        %mul3A_677 = arith.constant 200 : i32
        %mul3A_678 = vector.broadcast %mul3A_677 : i32 to vector<16xi32>
        %mul3A_679 = arith.muli %get3A_671, %mul3A_678 : vector<16xi32>
        %rem3A_680 = arith.constant 200 : i32
        %rem3A_681 = vector.broadcast %rem3A_680 : i32 to vector<16xi32>
        %rem3A_682 = arith.remsi %add3A_676, %rem3A_681 : vector<16xi32>
        %add3A_683 = arith.addi %mul3A_679, %rem3A_682 : vector<16xi32>
        %swap3A_684 = arith.constant 16 : index
        %swap3A_685 = tpu.vector_load %arg16[%swap3A_684] {strides = array<i32>} : memref<128xi32, #tpu.memory_space<vmem>>, vector<16xi32>,
        tpu.vector_store %arg16[%swap3A_684], %add3A_683 {strides = array<i32>} : memref<128xi32, #tpu.memory_space<vmem>>, vector<16xi32>,
        %get3A_686 = arith.constant 32 : index
        %get3A_687 = tpu.vector_load %arg37[%get3A_686] {strides = array<i32>} : memref<128xi32, #tpu.memory_space<vmem>>, vector<16xi32>,
        %add3A_688 = arith.constant 32 : i32
        %add3A_689 = arith.addi %add3A_653, %add3A_688 : i32
        %iota3A_690 = tpu.iota {dimensions = array<i32: 0>} : vector<16xi32>
        %add3A_691 = vector.broadcast %add3A_689 : i32 to vector<16xi32>
        %add3A_692 = arith.addi %add3A_691, %iota3A_690 : vector<16xi32>
        %mul3A_693 = arith.constant 200 : i32
        %mul3A_694 = vector.broadcast %mul3A_693 : i32 to vector<16xi32>
        %mul3A_695 = arith.muli %get3A_687, %mul3A_694 : vector<16xi32>
        %rem3A_696 = arith.constant 200 : i32
        %rem3A_697 = vector.broadcast %rem3A_696 : i32 to vector<16xi32>
        %rem3A_698 = arith.remsi %add3A_692, %rem3A_697 : vector<16xi32>
        %add3A_699 = arith.addi %mul3A_695, %rem3A_698 : vector<16xi32>
        %swap3A_700 = arith.constant 32 : index
        %swap3A_701 = tpu.vector_load %arg16[%swap3A_700] {strides = array<i32>} : memref<128xi32, #tpu.memory_space<vmem>>, vector<16xi32>,
        tpu.vector_store %arg16[%swap3A_700], %add3A_699 {strides = array<i32>} : memref<128xi32, #tpu.memory_space<vmem>>, vector<16xi32>,
        %get3A_702 = arith.constant 48 : index
        %get3A_703 = tpu.vector_load %arg37[%get3A_702] {strides = array<i32>} : memref<128xi32, #tpu.memory_space<vmem>>, vector<16xi32>,
        %add3A_704 = arith.constant 48 : i32
        %add3A_705 = arith.addi %add3A_653, %add3A_704 : i32
        %iota3A_706 = tpu.iota {dimensions = array<i32: 0>} : vector<16xi32>
        %add3A_707 = vector.broadcast %add3A_705 : i32 to vector<16xi32>
        %add3A_708 = arith.addi %add3A_707, %iota3A_706 : vector<16xi32>
        %mul3A_709 = arith.constant 200 : i32
        %mul3A_710 = vector.broadcast %mul3A_709 : i32 to vector<16xi32>
        %mul3A_711 = arith.muli %get3A_703, %mul3A_710 : vector<16xi32>
        %rem3A_712 = arith.constant 200 : i32
        %rem3A_713 = vector.broadcast %rem3A_712 : i32 to vector<16xi32>
        %rem3A_714 = arith.remsi %add3A_708, %rem3A_713 : vector<16xi32>
        %add3A_715 = arith.addi %mul3A_711, %rem3A_714 : vector<16xi32>
        %swap3A_716 = arith.constant 48 : index
        %swap3A_717 = tpu.vector_load %arg16[%swap3A_716] {strides = array<i32>} : memref<128xi32, #tpu.memory_space<vmem>>, vector<16xi32>,
        tpu.vector_store %arg16[%swap3A_716], %add3A_715 {strides = array<i32>} : memref<128xi32, #tpu.memory_space<vmem>>, vector<16xi32>,
        %get3A_718 = arith.constant 64 : index
        %get3A_719 = tpu.vector_load %arg37[%get3A_718] {strides = array<i32>} : memref<128xi32, #tpu.memory_space<vmem>>, vector<16xi32>,
        %add3A_720 = arith.constant 64 : i32
        %add3A_721 = arith.addi %add3A_653, %add3A_720 : i32
        %iota3A_722 = tpu.iota {dimensions = array<i32: 0>} : vector<16xi32>
        %add3A_723 = vector.broadcast %add3A_721 : i32 to vector<16xi32>
        %add3A_724 = arith.addi %add3A_723, %iota3A_722 : vector<16xi32>
        %mul3A_725 = arith.constant 200 : i32
        %mul3A_726 = vector.broadcast %mul3A_725 : i32 to vector<16xi32>
        %mul3A_727 = arith.muli %get3A_719, %mul3A_726 : vector<16xi32>
        %rem3A_728 = arith.constant 200 : i32
        %rem3A_729 = vector.broadcast %rem3A_728 : i32 to vector<16xi32>
        %rem3A_730 = arith.remsi %add3A_724, %rem3A_729 : vector<16xi32>
        %add3A_731 = arith.addi %mul3A_727, %rem3A_730 : vector<16xi32>
        %swap3A_732 = arith.constant 64 : index
        %swap3A_733 = tpu.vector_load %arg16[%swap3A_732] {strides = array<i32>} : memref<128xi32, #tpu.memory_space<vmem>>, vector<16xi32>,
        tpu.vector_store %arg16[%swap3A_732], %add3A_731 {strides = array<i32>} : memref<128xi32, #tpu.memory_space<vmem>>, vector<16xi32>,
        %get3A_734 = arith.constant 80 : index
        %get3A_735 = tpu.vector_load %arg37[%get3A_734] {strides = array<i32>} : memref<128xi32, #tpu.memory_space<vmem>>, vector<16xi32>,
        %add3A_736 = arith.constant 80 : i32
        %add3A_737 = arith.addi %add3A_653, %add3A_736 : i32
        %iota3A_738 = tpu.iota {dimensions = array<i32: 0>} : vector<16xi32>
        %add3A_739 = vector.broadcast %add3A_737 : i32 to vector<16xi32>
        %add3A_740 = arith.addi %add3A_739, %iota3A_738 : vector<16xi32>
        %mul3A_741 = arith.constant 200 : i32
        %mul3A_742 = vector.broadcast %mul3A_741 : i32 to vector<16xi32>
        %mul3A_743 = arith.muli %get3A_735, %mul3A_742 : vector<16xi32>
        %rem3A_744 = arith.constant 200 : i32
        %rem3A_745 = vector.broadcast %rem3A_744 : i32 to vector<16xi32>
        %rem3A_746 = arith.remsi %add3A_740, %rem3A_745 : vector<16xi32>
        %add3A_747 = arith.addi %mul3A_743, %rem3A_746 : vector<16xi32>
        %swap3A_748 = arith.constant 80 : index
        %swap3A_749 = tpu.vector_load %arg16[%swap3A_748] {strides = array<i32>} : memref<128xi32, #tpu.memory_space<vmem>>, vector<16xi32>,
        tpu.vector_store %arg16[%swap3A_748], %add3A_747 {strides = array<i32>} : memref<128xi32, #tpu.memory_space<vmem>>, vector<16xi32>,
        %get3A_750 = arith.constant 96 : index
        %get3A_751 = tpu.vector_load %arg37[%get3A_750] {strides = array<i32>} : memref<128xi32, #tpu.memory_space<vmem>>, vector<16xi32>,
        %add3A_752 = arith.constant 96 : i32
        %add3A_753 = arith.addi %add3A_653, %add3A_752 : i32
        %iota3A_754 = tpu.iota {dimensions = array<i32: 0>} : vector<16xi32>
        %add3A_755 = vector.broadcast %add3A_753 : i32 to vector<16xi32>
        %add3A_756 = arith.addi %add3A_755, %iota3A_754 : vector<16xi32>
        %mul3A_757 = arith.constant 200 : i32
        %mul3A_758 = vector.broadcast %mul3A_757 : i32 to vector<16xi32>
        %mul3A_759 = arith.muli %get3A_751, %mul3A_758 : vector<16xi32>
        %rem3A_760 = arith.constant 200 : i32
        %rem3A_761 = vector.broadcast %rem3A_760 : i32 to vector<16xi32>
        %rem3A_762 = arith.remsi %add3A_756, %rem3A_761 : vector<16xi32>
        %add3A_763 = arith.addi %mul3A_759, %rem3A_762 : vector<16xi32>
        %swap3A_764 = arith.constant 96 : index
        %swap3A_765 = tpu.vector_load %arg16[%swap3A_764] {strides = array<i32>} : memref<128xi32, #tpu.memory_space<vmem>>, vector<16xi32>,
        tpu.vector_store %arg16[%swap3A_764], %add3A_763 {strides = array<i32>} : memref<128xi32, #tpu.memory_space<vmem>>, vector<16xi32>,
        %get3A_766 = arith.constant 112 : index
        %get3A_767 = tpu.vector_load %arg37[%get3A_766] {strides = array<i32>} : memref<128xi32, #tpu.memory_space<vmem>>, vector<16xi32>,
        %add3A_768 = arith.constant 112 : i32
        %add3A_769 = arith.addi %add3A_653, %add3A_768 : i32
        %iota3A_770 = tpu.iota {dimensions = array<i32: 0>} : vector<16xi32>
        %add3A_771 = vector.broadcast %add3A_769 : i32 to vector<16xi32>
        %add3A_772 = arith.addi %add3A_771, %iota3A_770 : vector<16xi32>
        %mul3A_773 = arith.constant 200 : i32
        %mul3A_774 = vector.broadcast %mul3A_773 : i32 to vector<16xi32>
        %mul3A_775 = arith.muli %get3A_767, %mul3A_774 : vector<16xi32>
        %rem3A_776 = arith.constant 200 : i32
        %rem3A_777 = vector.broadcast %rem3A_776 : i32 to vector<16xi32>
        %rem3A_778 = arith.remsi %add3A_772, %rem3A_777 : vector<16xi32>
        %add3A_779 = arith.addi %mul3A_775, %rem3A_778 : vector<16xi32>
        %swap3A_780 = arith.constant 112 : index
        %swap3A_781 = tpu.vector_load %arg16[%swap3A_780] {strides = array<i32>} : memref<128xi32, #tpu.memory_space<vmem>>, vector<16xi32>,
        tpu.vector_store %arg16[%swap3A_780], %add3A_779 {strides = array<i32>} : memref<128xi32, #tpu.memory_space<vmem>>, vector<16xi32>,
        %ge3A = arith.constant 1 : i32
        %ge3A_782 = arith.cmpi sge, %scan3A_481, %ge3A : i32
        %or3A_783 = arith.constant false
        %or3A_784 = arith.ori %ge3A_782, %or3A_783 : i1
        %convert_element_type3A_785 = arith.extui %or3A_784 : i1 to i32
        %cond3A_786 = arith.constant 0 : i32
        %cond3A_787 = arith.cmpi ne, %convert_element_type3A_785, %cond3A_786 : i32
        scf.if %cond3A_787 {
          %sub3A = arith.constant 2 : i32
          %sub3A_791 = arith.subi %add3A_515, %sub3A : i32
          %mul3A_792 = arith.constant 128 : i32
          %mul3A_793 = arith.muli %sub3A_791, %mul3A_792 : i32
          %add3A_794 = arith.addi %mul3A_2, %mul3A_793 : i32
          %dma_wait3A_795 = arith.constant 0 : i32
          %dma_wait3A_796 = tpu.memref_slice %arg6[%add3A_794, %dma_wait3A_795] : memref<204800x64xf32, #tpu.memory_space<hbm>> -> memref<128x64xf32, #tpu.memory_space<hbm>>
          %dma_wait3A_797 = arith.constant 0 : i32
          %dma_wait3A_798 = tpu.memref_slice %arg6[%add3A_794, %dma_wait3A_797] : memref<204800x64xf32, #tpu.memory_space<hbm>> -> memref<128x64xf32, #tpu.memory_space<hbm>>
          tpu.wait_dma2 semaphore(%arg27 : memref<!tpu.dma_semaphore, #tpu.memory_space<semaphore_mem>>) src(%arg32 : memref<128x64xf32, #tpu.memory_space<vmem>>) dst(%dma_wait3A_798 : memref<128x64xf32, #tpu.memory_space<hbm>>)
        } else {
        }
        %dma_start3A_788 = arith.constant 0 : i32
        %dma_start3A_789 = arith.constant 0 : i32
        %dma_start3A_790 = tpu.memref_slice %arg4[%dma_start3A_788, %dma_start3A_789] : memref<100000x64xf32, #tpu.memory_space<hbm>> -> memref<100000x64xf32, #tpu.memory_space<hbm>>
        tpu.enqueue_indirect_dma source(%dma_start3A_790 : memref<100000x64xf32, #tpu.memory_space<hbm>>) target(%arg32 : memref<128x64xf32, #tpu.memory_space<vmem>>) offsets(%arg42 : memref<128xi32, #tpu.memory_space<vmem>>) semaphore(%arg22 : memref<!tpu.dma_semaphore, #tpu.memory_space<semaphore_mem>>)
      } else {
      }
      %dma_wait3A_526 = arith.constant 0 : i32
      %dma_wait3A_527 = arith.constant 0 : i32
      %dma_wait3A_528 = tpu.memref_slice %arg4[%dma_wait3A_526, %dma_wait3A_527] : memref<100000x64xf32, #tpu.memory_space<hbm>> -> memref<100000x64xf32, #tpu.memory_space<hbm>>
      tpu.wait_indirect_dma semaphore(%arg19 : memref<!tpu.dma_semaphore, #tpu.memory_space<semaphore_mem>>) src(%dma_wait3A_528 : memref<100000x64xf32, #tpu.memory_space<hbm>>) dst(%arg29 : memref<128x64xf32, #tpu.memory_space<vmem>>)
      %dma_start3A_529 = arith.constant 0 : i32
      %dma_start3A_530 = arith.constant 0 : i32
      %dma_start3A_531 = tpu.memref_slice %arg17[%dma_start3A_529, %dma_start3A_530] : memref<400x64xf32, #tpu.memory_space<vmem_shared>> -> memref<400x64xf32, #tpu.memory_space<vmem_shared>>
      tpu.enqueue_indirect_dma source(%dma_start3A_531 : memref<400x64xf32, #tpu.memory_space<vmem_shared>>) target(%arg29 : memref<128x64xf32, #tpu.memory_space<vmem>>) offsets(%arg13 : memref<128xi32, #tpu.memory_space<vmem>>) semaphore(%arg8 : memref<!tpu.dma_semaphore, #tpu.memory_space<semaphore_mem>>) {add = true}
      %le3A_532 = arith.constant 8 : i32
      %le3A_533 = arith.cmpi sle, %scan3A_481, %le3A_532 : i32
      %convert_element_type3A_534 = arith.extui %le3A_533 : i1 to i32
      %cond3A_535 = arith.constant 0 : i32
      %cond3A_536 = arith.cmpi ne, %convert_element_type3A_534, %cond3A_535 : i32
      scf.if %cond3A_536 {
        %add3A_640 = arith.constant 5 : i32
        %add3A_641 = arith.addi %add3A_515, %add3A_640 : i32
        %mul3A_642 = arith.constant 128 : i32
        %mul3A_643 = arith.muli %add3A_641, %mul3A_642 : i32
        %add3A_644 = arith.addi %mul3A_2, %mul3A_643 : i32
        %dma_start3A_645 = tpu.memref_slice %arg2[%add3A_644] : memref<204800xi32, #tpu.memory_space<hbm>> -> memref<128xi32, #tpu.memory_space<hbm>>
        %dma_start3A_646 = tpu.memref_slice %arg2[%add3A_644] : memref<204800xi32, #tpu.memory_space<hbm>> -> memref<128xi32, #tpu.memory_space<hbm>>
        tpu.enqueue_dma source(%dma_start3A_646 : memref<128xi32, #tpu.memory_space<hbm>>) target(%arg39 : memref<128xi32, #tpu.memory_space<vmem>>) target_semaphore(%arg44 : memref<!tpu.dma_semaphore, #tpu.memory_space<semaphore_mem>>)
        %dma_start3A_647 = tpu.memref_slice %arg3[%add3A_644] : memref<204800xi32, #tpu.memory_space<hbm>> -> memref<128xi32, #tpu.memory_space<hbm>>
        %dma_start3A_648 = tpu.memref_slice %arg3[%add3A_644] : memref<204800xi32, #tpu.memory_space<hbm>> -> memref<128xi32, #tpu.memory_space<hbm>>
        tpu.enqueue_dma source(%dma_start3A_648 : memref<128xi32, #tpu.memory_space<hbm>>) target(%arg34 : memref<128xi32, #tpu.memory_space<vmem>>) target_semaphore(%arg44 : memref<!tpu.dma_semaphore, #tpu.memory_space<semaphore_mem>>)
      } else {
      }
      %dma_wait3A_537 = arith.constant 0 : i32
      %dma_wait3A_538 = arith.constant 0 : i32
      %dma_wait3A_539 = tpu.memref_slice %arg17[%dma_wait3A_537, %dma_wait3A_538] : memref<400x64xf32, #tpu.memory_space<vmem_shared>> -> memref<400x64xf32, #tpu.memory_space<vmem_shared>>
      tpu.wait_indirect_dma semaphore(%arg8 : memref<!tpu.dma_semaphore, #tpu.memory_space<semaphore_mem>>) src(%dma_wait3A_539 : memref<400x64xf32, #tpu.memory_space<vmem_shared>>) dst(%arg29 : memref<128x64xf32, #tpu.memory_space<vmem>>)
      %dma_start3A_540 = arith.constant 0 : i32
      %dma_start3A_541 = tpu.memref_slice %arg6[%add3A_518, %dma_start3A_540] : memref<204800x64xf32, #tpu.memory_space<hbm>> -> memref<128x64xf32, #tpu.memory_space<hbm>>
      %dma_start3A_542 = arith.constant 0 : i32
      %dma_start3A_543 = tpu.memref_slice %arg6[%add3A_518, %dma_start3A_542] : memref<204800x64xf32, #tpu.memory_space<hbm>> -> memref<128x64xf32, #tpu.memory_space<hbm>>
      tpu.enqueue_dma source(%arg29 : memref<128x64xf32, #tpu.memory_space<vmem>>) target(%dma_start3A_543 : memref<128x64xf32, #tpu.memory_space<hbm>>) target_semaphore(%arg24 : memref<!tpu.dma_semaphore, #tpu.memory_space<semaphore_mem>>)
      %mul3A_544 = arith.constant 5 : i32
      %mul3A_545 = arith.muli %mul3A_544, %scan3A_481 : i32
      %add3A_546 = arith.constant 2 : i32
      %add3A_547 = arith.addi %mul3A_545, %add3A_546 : i32
      %mul3A_548 = arith.constant 128 : i32
      %mul3A_549 = arith.muli %add3A_547, %mul3A_548 : i32
      %add3A_550 = arith.addi %mul3A_2, %mul3A_549 : i32
      %le3A_551 = arith.constant 8 : i32
      %le3A_552 = arith.cmpi sle, %scan3A_481, %le3A_551 : i32
      %or3A_553 = arith.constant false
      %or3A_554 = arith.ori %le3A_552, %or3A_553 : i1
      %convert_element_type3A_555 = arith.extui %or3A_554 : i1 to i32
      %cond3A_556 = arith.constant 0 : i32
      %cond3A_557 = arith.cmpi ne, %convert_element_type3A_555, %cond3A_556 : i32
      scf.if %cond3A_557 {
        %add3A_640 = arith.constant 3 : i32
        %add3A_641 = arith.addi %add3A_547, %add3A_640 : i32
        %mul3A_642 = arith.constant 128 : i32
        %mul3A_643 = arith.muli %add3A_641, %mul3A_642 : i32
        %add3A_644 = arith.addi %mul3A_2, %mul3A_643 : i32
        %dma_wait3A_645 = tpu.memref_slice %arg2[%add3A_644] : memref<204800xi32, #tpu.memory_space<hbm>> -> memref<128xi32, #tpu.memory_space<hbm>>
        %dma_wait3A_646 = tpu.memref_slice %arg2[%add3A_644] : memref<204800xi32, #tpu.memory_space<hbm>> -> memref<128xi32, #tpu.memory_space<hbm>>
        tpu.wait_dma2 semaphore(%arg43 : memref<!tpu.dma_semaphore, #tpu.memory_space<semaphore_mem>>) src(%dma_wait3A_646 : memref<128xi32, #tpu.memory_space<hbm>>) dst(%arg38 : memref<128xi32, #tpu.memory_space<vmem>>)
        %dma_wait3A_647 = tpu.memref_slice %arg3[%add3A_644] : memref<204800xi32, #tpu.memory_space<hbm>> -> memref<128xi32, #tpu.memory_space<hbm>>
        %dma_wait3A_648 = tpu.memref_slice %arg3[%add3A_644] : memref<204800xi32, #tpu.memory_space<hbm>> -> memref<128xi32, #tpu.memory_space<hbm>>
        tpu.wait_dma2 semaphore(%arg43 : memref<!tpu.dma_semaphore, #tpu.memory_space<semaphore_mem>>) src(%dma_wait3A_648 : memref<128xi32, #tpu.memory_space<hbm>>) dst(%arg33 : memref<128xi32, #tpu.memory_space<vmem>>)
        %add3A_649 = arith.constant 3 : i32
        %add3A_650 = arith.addi %add3A_547, %add3A_649 : i32
        %mul3A_651 = arith.constant 128 : i32
        %mul3A_652 = arith.muli %add3A_650, %mul3A_651 : i32
        %add3A_653 = arith.addi %mul3A_2, %mul3A_652 : i32
        %get3A_654 = arith.constant 0 : index
        %get3A_655 = tpu.vector_load %arg33[%get3A_654] {strides = array<i32>} : memref<128xi32, #tpu.memory_space<vmem>>, vector<16xi32>,
        %add3A_656 = arith.constant 0 : i32
        %add3A_657 = arith.addi %add3A_653, %add3A_656 : i32
        %iota3A_658 = tpu.iota {dimensions = array<i32: 0>} : vector<16xi32>
        %add3A_659 = vector.broadcast %add3A_657 : i32 to vector<16xi32>
        %add3A_660 = arith.addi %add3A_659, %iota3A_658 : vector<16xi32>
        %mul3A_661 = arith.constant 200 : i32
        %mul3A_662 = vector.broadcast %mul3A_661 : i32 to vector<16xi32>
        %mul3A_663 = arith.muli %get3A_655, %mul3A_662 : vector<16xi32>
        %rem3A_664 = arith.constant 200 : i32
        %rem3A_665 = vector.broadcast %rem3A_664 : i32 to vector<16xi32>
        %rem3A_666 = arith.remsi %add3A_660, %rem3A_665 : vector<16xi32>
        %add3A_667 = arith.addi %mul3A_663, %rem3A_666 : vector<16xi32>
        %swap3A_668 = arith.constant 0 : index
        %swap3A_669 = tpu.vector_load %arg12[%swap3A_668] {strides = array<i32>} : memref<128xi32, #tpu.memory_space<vmem>>, vector<16xi32>,
        tpu.vector_store %arg12[%swap3A_668], %add3A_667 {strides = array<i32>} : memref<128xi32, #tpu.memory_space<vmem>>, vector<16xi32>,
        %get3A_670 = arith.constant 16 : index
        %get3A_671 = tpu.vector_load %arg33[%get3A_670] {strides = array<i32>} : memref<128xi32, #tpu.memory_space<vmem>>, vector<16xi32>,
        %add3A_672 = arith.constant 16 : i32
        %add3A_673 = arith.addi %add3A_653, %add3A_672 : i32
        %iota3A_674 = tpu.iota {dimensions = array<i32: 0>} : vector<16xi32>
        %add3A_675 = vector.broadcast %add3A_673 : i32 to vector<16xi32>
        %add3A_676 = arith.addi %add3A_675, %iota3A_674 : vector<16xi32>
        %mul3A_677 = arith.constant 200 : i32
        %mul3A_678 = vector.broadcast %mul3A_677 : i32 to vector<16xi32>
        %mul3A_679 = arith.muli %get3A_671, %mul3A_678 : vector<16xi32>
        %rem3A_680 = arith.constant 200 : i32
        %rem3A_681 = vector.broadcast %rem3A_680 : i32 to vector<16xi32>
        %rem3A_682 = arith.remsi %add3A_676, %rem3A_681 : vector<16xi32>
        %add3A_683 = arith.addi %mul3A_679, %rem3A_682 : vector<16xi32>
        %swap3A_684 = arith.constant 16 : index
        %swap3A_685 = tpu.vector_load %arg12[%swap3A_684] {strides = array<i32>} : memref<128xi32, #tpu.memory_space<vmem>>, vector<16xi32>,
        tpu.vector_store %arg12[%swap3A_684], %add3A_683 {strides = array<i32>} : memref<128xi32, #tpu.memory_space<vmem>>, vector<16xi32>,
        %get3A_686 = arith.constant 32 : index
        %get3A_687 = tpu.vector_load %arg33[%get3A_686] {strides = array<i32>} : memref<128xi32, #tpu.memory_space<vmem>>, vector<16xi32>,
        %add3A_688 = arith.constant 32 : i32
        %add3A_689 = arith.addi %add3A_653, %add3A_688 : i32
        %iota3A_690 = tpu.iota {dimensions = array<i32: 0>} : vector<16xi32>
        %add3A_691 = vector.broadcast %add3A_689 : i32 to vector<16xi32>
        %add3A_692 = arith.addi %add3A_691, %iota3A_690 : vector<16xi32>
        %mul3A_693 = arith.constant 200 : i32
        %mul3A_694 = vector.broadcast %mul3A_693 : i32 to vector<16xi32>
        %mul3A_695 = arith.muli %get3A_687, %mul3A_694 : vector<16xi32>
        %rem3A_696 = arith.constant 200 : i32
        %rem3A_697 = vector.broadcast %rem3A_696 : i32 to vector<16xi32>
        %rem3A_698 = arith.remsi %add3A_692, %rem3A_697 : vector<16xi32>
        %add3A_699 = arith.addi %mul3A_695, %rem3A_698 : vector<16xi32>
        %swap3A_700 = arith.constant 32 : index
        %swap3A_701 = tpu.vector_load %arg12[%swap3A_700] {strides = array<i32>} : memref<128xi32, #tpu.memory_space<vmem>>, vector<16xi32>,
        tpu.vector_store %arg12[%swap3A_700], %add3A_699 {strides = array<i32>} : memref<128xi32, #tpu.memory_space<vmem>>, vector<16xi32>,
        %get3A_702 = arith.constant 48 : index
        %get3A_703 = tpu.vector_load %arg33[%get3A_702] {strides = array<i32>} : memref<128xi32, #tpu.memory_space<vmem>>, vector<16xi32>,
        %add3A_704 = arith.constant 48 : i32
        %add3A_705 = arith.addi %add3A_653, %add3A_704 : i32
        %iota3A_706 = tpu.iota {dimensions = array<i32: 0>} : vector<16xi32>
        %add3A_707 = vector.broadcast %add3A_705 : i32 to vector<16xi32>
        %add3A_708 = arith.addi %add3A_707, %iota3A_706 : vector<16xi32>
        %mul3A_709 = arith.constant 200 : i32
        %mul3A_710 = vector.broadcast %mul3A_709 : i32 to vector<16xi32>
        %mul3A_711 = arith.muli %get3A_703, %mul3A_710 : vector<16xi32>
        %rem3A_712 = arith.constant 200 : i32
        %rem3A_713 = vector.broadcast %rem3A_712 : i32 to vector<16xi32>
        %rem3A_714 = arith.remsi %add3A_708, %rem3A_713 : vector<16xi32>
        %add3A_715 = arith.addi %mul3A_711, %rem3A_714 : vector<16xi32>
        %swap3A_716 = arith.constant 48 : index
        %swap3A_717 = tpu.vector_load %arg12[%swap3A_716] {strides = array<i32>} : memref<128xi32, #tpu.memory_space<vmem>>, vector<16xi32>,
        tpu.vector_store %arg12[%swap3A_716], %add3A_715 {strides = array<i32>} : memref<128xi32, #tpu.memory_space<vmem>>, vector<16xi32>,
        %get3A_718 = arith.constant 64 : index
        %get3A_719 = tpu.vector_load %arg33[%get3A_718] {strides = array<i32>} : memref<128xi32, #tpu.memory_space<vmem>>, vector<16xi32>,
        %add3A_720 = arith.constant 64 : i32
        %add3A_721 = arith.addi %add3A_653, %add3A_720 : i32
        %iota3A_722 = tpu.iota {dimensions = array<i32: 0>} : vector<16xi32>
        %add3A_723 = vector.broadcast %add3A_721 : i32 to vector<16xi32>
        %add3A_724 = arith.addi %add3A_723, %iota3A_722 : vector<16xi32>
        %mul3A_725 = arith.constant 200 : i32
        %mul3A_726 = vector.broadcast %mul3A_725 : i32 to vector<16xi32>
        %mul3A_727 = arith.muli %get3A_719, %mul3A_726 : vector<16xi32>
        %rem3A_728 = arith.constant 200 : i32
        %rem3A_729 = vector.broadcast %rem3A_728 : i32 to vector<16xi32>
        %rem3A_730 = arith.remsi %add3A_724, %rem3A_729 : vector<16xi32>
        %add3A_731 = arith.addi %mul3A_727, %rem3A_730 : vector<16xi32>
        %swap3A_732 = arith.constant 64 : index
        %swap3A_733 = tpu.vector_load %arg12[%swap3A_732] {strides = array<i32>} : memref<128xi32, #tpu.memory_space<vmem>>, vector<16xi32>,
        tpu.vector_store %arg12[%swap3A_732], %add3A_731 {strides = array<i32>} : memref<128xi32, #tpu.memory_space<vmem>>, vector<16xi32>,
        %get3A_734 = arith.constant 80 : index
        %get3A_735 = tpu.vector_load %arg33[%get3A_734] {strides = array<i32>} : memref<128xi32, #tpu.memory_space<vmem>>, vector<16xi32>,
        %add3A_736 = arith.constant 80 : i32
        %add3A_737 = arith.addi %add3A_653, %add3A_736 : i32
        %iota3A_738 = tpu.iota {dimensions = array<i32: 0>} : vector<16xi32>
        %add3A_739 = vector.broadcast %add3A_737 : i32 to vector<16xi32>
        %add3A_740 = arith.addi %add3A_739, %iota3A_738 : vector<16xi32>
        %mul3A_741 = arith.constant 200 : i32
        %mul3A_742 = vector.broadcast %mul3A_741 : i32 to vector<16xi32>
        %mul3A_743 = arith.muli %get3A_735, %mul3A_742 : vector<16xi32>
        %rem3A_744 = arith.constant 200 : i32
        %rem3A_745 = vector.broadcast %rem3A_744 : i32 to vector<16xi32>
        %rem3A_746 = arith.remsi %add3A_740, %rem3A_745 : vector<16xi32>
        %add3A_747 = arith.addi %mul3A_743, %rem3A_746 : vector<16xi32>
        %swap3A_748 = arith.constant 80 : index
        %swap3A_749 = tpu.vector_load %arg12[%swap3A_748] {strides = array<i32>} : memref<128xi32, #tpu.memory_space<vmem>>, vector<16xi32>,
        tpu.vector_store %arg12[%swap3A_748], %add3A_747 {strides = array<i32>} : memref<128xi32, #tpu.memory_space<vmem>>, vector<16xi32>,
        %get3A_750 = arith.constant 96 : index
        %get3A_751 = tpu.vector_load %arg33[%get3A_750] {strides = array<i32>} : memref<128xi32, #tpu.memory_space<vmem>>, vector<16xi32>,
        %add3A_752 = arith.constant 96 : i32
        %add3A_753 = arith.addi %add3A_653, %add3A_752 : i32
        %iota3A_754 = tpu.iota {dimensions = array<i32: 0>} : vector<16xi32>
        %add3A_755 = vector.broadcast %add3A_753 : i32 to vector<16xi32>
        %add3A_756 = arith.addi %add3A_755, %iota3A_754 : vector<16xi32>
        %mul3A_757 = arith.constant 200 : i32
        %mul3A_758 = vector.broadcast %mul3A_757 : i32 to vector<16xi32>
        %mul3A_759 = arith.muli %get3A_751, %mul3A_758 : vector<16xi32>
        %rem3A_760 = arith.constant 200 : i32
        %rem3A_761 = vector.broadcast %rem3A_760 : i32 to vector<16xi32>
        %rem3A_762 = arith.remsi %add3A_756, %rem3A_761 : vector<16xi32>
        %add3A_763 = arith.addi %mul3A_759, %rem3A_762 : vector<16xi32>
        %swap3A_764 = arith.constant 96 : index
        %swap3A_765 = tpu.vector_load %arg12[%swap3A_764] {strides = array<i32>} : memref<128xi32, #tpu.memory_space<vmem>>, vector<16xi32>,
        tpu.vector_store %arg12[%swap3A_764], %add3A_763 {strides = array<i32>} : memref<128xi32, #tpu.memory_space<vmem>>, vector<16xi32>,
        %get3A_766 = arith.constant 112 : index
        %get3A_767 = tpu.vector_load %arg33[%get3A_766] {strides = array<i32>} : memref<128xi32, #tpu.memory_space<vmem>>, vector<16xi32>,
        %add3A_768 = arith.constant 112 : i32
        %add3A_769 = arith.addi %add3A_653, %add3A_768 : i32
        %iota3A_770 = tpu.iota {dimensions = array<i32: 0>} : vector<16xi32>
        %add3A_771 = vector.broadcast %add3A_769 : i32 to vector<16xi32>
        %add3A_772 = arith.addi %add3A_771, %iota3A_770 : vector<16xi32>
        %mul3A_773 = arith.constant 200 : i32
        %mul3A_774 = vector.broadcast %mul3A_773 : i32 to vector<16xi32>
        %mul3A_775 = arith.muli %get3A_767, %mul3A_774 : vector<16xi32>
        %rem3A_776 = arith.constant 200 : i32
        %rem3A_777 = vector.broadcast %rem3A_776 : i32 to vector<16xi32>
        %rem3A_778 = arith.remsi %add3A_772, %rem3A_777 : vector<16xi32>
        %add3A_779 = arith.addi %mul3A_775, %rem3A_778 : vector<16xi32>
        %swap3A_780 = arith.constant 112 : index
        %swap3A_781 = tpu.vector_load %arg12[%swap3A_780] {strides = array<i32>} : memref<128xi32, #tpu.memory_space<vmem>>, vector<16xi32>,
        tpu.vector_store %arg12[%swap3A_780], %add3A_779 {strides = array<i32>} : memref<128xi32, #tpu.memory_space<vmem>>, vector<16xi32>,
        %ge3A = arith.constant 1 : i32
        %ge3A_782 = arith.cmpi sge, %scan3A_481, %ge3A : i32
        %or3A_783 = arith.constant true
        %or3A_784 = arith.ori %ge3A_782, %or3A_783 : i1
        %convert_element_type3A_785 = arith.extui %or3A_784 : i1 to i32
        %cond3A_786 = arith.constant 0 : i32
        %cond3A_787 = arith.cmpi ne, %convert_element_type3A_785, %cond3A_786 : i32
        scf.if %cond3A_787 {
          %sub3A = arith.constant 2 : i32
          %sub3A_791 = arith.subi %add3A_547, %sub3A : i32
          %mul3A_792 = arith.constant 128 : i32
          %mul3A_793 = arith.muli %sub3A_791, %mul3A_792 : i32
          %add3A_794 = arith.addi %mul3A_2, %mul3A_793 : i32
          %dma_wait3A_795 = arith.constant 0 : i32
          %dma_wait3A_796 = tpu.memref_slice %arg6[%add3A_794, %dma_wait3A_795] : memref<204800x64xf32, #tpu.memory_space<hbm>> -> memref<128x64xf32, #tpu.memory_space<hbm>>
          %dma_wait3A_797 = arith.constant 0 : i32
          %dma_wait3A_798 = tpu.memref_slice %arg6[%add3A_794, %dma_wait3A_797] : memref<204800x64xf32, #tpu.memory_space<hbm>> -> memref<128x64xf32, #tpu.memory_space<hbm>>
          tpu.wait_dma2 semaphore(%arg23 : memref<!tpu.dma_semaphore, #tpu.memory_space<semaphore_mem>>) src(%arg28 : memref<128x64xf32, #tpu.memory_space<vmem>>) dst(%dma_wait3A_798 : memref<128x64xf32, #tpu.memory_space<hbm>>)
        } else {
        }
        %dma_start3A_788 = arith.constant 0 : i32
        %dma_start3A_789 = arith.constant 0 : i32
        %dma_start3A_790 = tpu.memref_slice %arg4[%dma_start3A_788, %dma_start3A_789] : memref<100000x64xf32, #tpu.memory_space<hbm>> -> memref<100000x64xf32, #tpu.memory_space<hbm>>
        tpu.enqueue_indirect_dma source(%dma_start3A_790 : memref<100000x64xf32, #tpu.memory_space<hbm>>) target(%arg28 : memref<128x64xf32, #tpu.memory_space<vmem>>) offsets(%arg38 : memref<128xi32, #tpu.memory_space<vmem>>) semaphore(%arg18 : memref<!tpu.dma_semaphore, #tpu.memory_space<semaphore_mem>>)
      } else {
      }
      %dma_wait3A_558 = arith.constant 0 : i32
      %dma_wait3A_559 = arith.constant 0 : i32
      %dma_wait3A_560 = tpu.memref_slice %arg4[%dma_wait3A_558, %dma_wait3A_559] : memref<100000x64xf32, #tpu.memory_space<hbm>> -> memref<100000x64xf32, #tpu.memory_space<hbm>>
      tpu.wait_indirect_dma semaphore(%arg20 : memref<!tpu.dma_semaphore, #tpu.memory_space<semaphore_mem>>) src(%dma_wait3A_560 : memref<100000x64xf32, #tpu.memory_space<hbm>>) dst(%arg30 : memref<128x64xf32, #tpu.memory_space<vmem>>)
      %dma_start3A_561 = arith.constant 0 : i32
      %dma_start3A_562 = arith.constant 0 : i32
      %dma_start3A_563 = tpu.memref_slice %arg17[%dma_start3A_561, %dma_start3A_562] : memref<400x64xf32, #tpu.memory_space<vmem_shared>> -> memref<400x64xf32, #tpu.memory_space<vmem_shared>>
      tpu.enqueue_indirect_dma source(%dma_start3A_563 : memref<400x64xf32, #tpu.memory_space<vmem_shared>>) target(%arg30 : memref<128x64xf32, #tpu.memory_space<vmem>>) offsets(%arg14 : memref<128xi32, #tpu.memory_space<vmem>>) semaphore(%arg9 : memref<!tpu.dma_semaphore, #tpu.memory_space<semaphore_mem>>) {add = true}
      %le3A_564 = arith.constant 8 : i32
      %le3A_565 = arith.cmpi sle, %scan3A_481, %le3A_564 : i32
      %convert_element_type3A_566 = arith.extui %le3A_565 : i1 to i32
      %cond3A_567 = arith.constant 0 : i32
      %cond3A_568 = arith.cmpi ne, %convert_element_type3A_566, %cond3A_567 : i32
      scf.if %cond3A_568 {
        %add3A_640 = arith.constant 5 : i32
        %add3A_641 = arith.addi %add3A_547, %add3A_640 : i32
        %mul3A_642 = arith.constant 128 : i32
        %mul3A_643 = arith.muli %add3A_641, %mul3A_642 : i32
        %add3A_644 = arith.addi %mul3A_2, %mul3A_643 : i32
        %dma_start3A_645 = tpu.memref_slice %arg2[%add3A_644] : memref<204800xi32, #tpu.memory_space<hbm>> -> memref<128xi32, #tpu.memory_space<hbm>>
        %dma_start3A_646 = tpu.memref_slice %arg2[%add3A_644] : memref<204800xi32, #tpu.memory_space<hbm>> -> memref<128xi32, #tpu.memory_space<hbm>>
        tpu.enqueue_dma source(%dma_start3A_646 : memref<128xi32, #tpu.memory_space<hbm>>) target(%arg40 : memref<128xi32, #tpu.memory_space<vmem>>) target_semaphore(%arg45 : memref<!tpu.dma_semaphore, #tpu.memory_space<semaphore_mem>>)
        %dma_start3A_647 = tpu.memref_slice %arg3[%add3A_644] : memref<204800xi32, #tpu.memory_space<hbm>> -> memref<128xi32, #tpu.memory_space<hbm>>
        %dma_start3A_648 = tpu.memref_slice %arg3[%add3A_644] : memref<204800xi32, #tpu.memory_space<hbm>> -> memref<128xi32, #tpu.memory_space<hbm>>
        tpu.enqueue_dma source(%dma_start3A_648 : memref<128xi32, #tpu.memory_space<hbm>>) target(%arg35 : memref<128xi32, #tpu.memory_space<vmem>>) target_semaphore(%arg45 : memref<!tpu.dma_semaphore, #tpu.memory_space<semaphore_mem>>)
      } else {
      }
      %dma_wait3A_569 = arith.constant 0 : i32
      %dma_wait3A_570 = arith.constant 0 : i32
      %dma_wait3A_571 = tpu.memref_slice %arg17[%dma_wait3A_569, %dma_wait3A_570] : memref<400x64xf32, #tpu.memory_space<vmem_shared>> -> memref<400x64xf32, #tpu.memory_space<vmem_shared>>
      tpu.wait_indirect_dma semaphore(%arg9 : memref<!tpu.dma_semaphore, #tpu.memory_space<semaphore_mem>>) src(%dma_wait3A_571 : memref<400x64xf32, #tpu.memory_space<vmem_shared>>) dst(%arg30 : memref<128x64xf32, #tpu.memory_space<vmem>>)
      %dma_start3A_572 = arith.constant 0 : i32
      %dma_start3A_573 = tpu.memref_slice %arg6[%add3A_550, %dma_start3A_572] : memref<204800x64xf32, #tpu.memory_space<hbm>> -> memref<128x64xf32, #tpu.memory_space<hbm>>
      %dma_start3A_574 = arith.constant 0 : i32
      %dma_start3A_575 = tpu.memref_slice %arg6[%add3A_550, %dma_start3A_574] : memref<204800x64xf32, #tpu.memory_space<hbm>> -> memref<128x64xf32, #tpu.memory_space<hbm>>
      tpu.enqueue_dma source(%arg30 : memref<128x64xf32, #tpu.memory_space<vmem>>) target(%dma_start3A_575 : memref<128x64xf32, #tpu.memory_space<hbm>>) target_semaphore(%arg25 : memref<!tpu.dma_semaphore, #tpu.memory_space<semaphore_mem>>)
      %mul3A_576 = arith.constant 5 : i32
      %mul3A_577 = arith.muli %mul3A_576, %scan3A_481 : i32
      %add3A_578 = arith.constant 3 : i32
      %add3A_579 = arith.addi %mul3A_577, %add3A_578 : i32
      %mul3A_580 = arith.constant 128 : i32
      %mul3A_581 = arith.muli %add3A_579, %mul3A_580 : i32
      %add3A_582 = arith.addi %mul3A_2, %mul3A_581 : i32
      %le3A_583 = arith.constant 8 : i32
      %le3A_584 = arith.cmpi sle, %scan3A_481, %le3A_583 : i32
      %or3A_585 = arith.constant false
      %or3A_586 = arith.ori %le3A_584, %or3A_585 : i1
      %convert_element_type3A_587 = arith.extui %or3A_586 : i1 to i32
      %cond3A_588 = arith.constant 0 : i32
      %cond3A_589 = arith.cmpi ne, %convert_element_type3A_587, %cond3A_588 : i32
      scf.if %cond3A_589 {
        %add3A_640 = arith.constant 3 : i32
        %add3A_641 = arith.addi %add3A_579, %add3A_640 : i32
        %mul3A_642 = arith.constant 128 : i32
        %mul3A_643 = arith.muli %add3A_641, %mul3A_642 : i32
        %add3A_644 = arith.addi %mul3A_2, %mul3A_643 : i32
        %dma_wait3A_645 = tpu.memref_slice %arg2[%add3A_644] : memref<204800xi32, #tpu.memory_space<hbm>> -> memref<128xi32, #tpu.memory_space<hbm>>
        %dma_wait3A_646 = tpu.memref_slice %arg2[%add3A_644] : memref<204800xi32, #tpu.memory_space<hbm>> -> memref<128xi32, #tpu.memory_space<hbm>>
        tpu.wait_dma2 semaphore(%arg44 : memref<!tpu.dma_semaphore, #tpu.memory_space<semaphore_mem>>) src(%dma_wait3A_646 : memref<128xi32, #tpu.memory_space<hbm>>) dst(%arg39 : memref<128xi32, #tpu.memory_space<vmem>>)
        %dma_wait3A_647 = tpu.memref_slice %arg3[%add3A_644] : memref<204800xi32, #tpu.memory_space<hbm>> -> memref<128xi32, #tpu.memory_space<hbm>>
        %dma_wait3A_648 = tpu.memref_slice %arg3[%add3A_644] : memref<204800xi32, #tpu.memory_space<hbm>> -> memref<128xi32, #tpu.memory_space<hbm>>
        tpu.wait_dma2 semaphore(%arg44 : memref<!tpu.dma_semaphore, #tpu.memory_space<semaphore_mem>>) src(%dma_wait3A_648 : memref<128xi32, #tpu.memory_space<hbm>>) dst(%arg34 : memref<128xi32, #tpu.memory_space<vmem>>)
        %add3A_649 = arith.constant 3 : i32
        %add3A_650 = arith.addi %add3A_579, %add3A_649 : i32
        %mul3A_651 = arith.constant 128 : i32
        %mul3A_652 = arith.muli %add3A_650, %mul3A_651 : i32
        %add3A_653 = arith.addi %mul3A_2, %mul3A_652 : i32
        %get3A_654 = arith.constant 0 : index
        %get3A_655 = tpu.vector_load %arg34[%get3A_654] {strides = array<i32>} : memref<128xi32, #tpu.memory_space<vmem>>, vector<16xi32>,
        %add3A_656 = arith.constant 0 : i32
        %add3A_657 = arith.addi %add3A_653, %add3A_656 : i32
        %iota3A_658 = tpu.iota {dimensions = array<i32: 0>} : vector<16xi32>
        %add3A_659 = vector.broadcast %add3A_657 : i32 to vector<16xi32>
        %add3A_660 = arith.addi %add3A_659, %iota3A_658 : vector<16xi32>
        %mul3A_661 = arith.constant 200 : i32
        %mul3A_662 = vector.broadcast %mul3A_661 : i32 to vector<16xi32>
        %mul3A_663 = arith.muli %get3A_655, %mul3A_662 : vector<16xi32>
        %rem3A_664 = arith.constant 200 : i32
        %rem3A_665 = vector.broadcast %rem3A_664 : i32 to vector<16xi32>
        %rem3A_666 = arith.remsi %add3A_660, %rem3A_665 : vector<16xi32>
        %add3A_667 = arith.addi %mul3A_663, %rem3A_666 : vector<16xi32>
        %swap3A_668 = arith.constant 0 : index
        %swap3A_669 = tpu.vector_load %arg13[%swap3A_668] {strides = array<i32>} : memref<128xi32, #tpu.memory_space<vmem>>, vector<16xi32>,
        tpu.vector_store %arg13[%swap3A_668], %add3A_667 {strides = array<i32>} : memref<128xi32, #tpu.memory_space<vmem>>, vector<16xi32>,
        %get3A_670 = arith.constant 16 : index
        %get3A_671 = tpu.vector_load %arg34[%get3A_670] {strides = array<i32>} : memref<128xi32, #tpu.memory_space<vmem>>, vector<16xi32>,
        %add3A_672 = arith.constant 16 : i32
        %add3A_673 = arith.addi %add3A_653, %add3A_672 : i32
        %iota3A_674 = tpu.iota {dimensions = array<i32: 0>} : vector<16xi32>
        %add3A_675 = vector.broadcast %add3A_673 : i32 to vector<16xi32>
        %add3A_676 = arith.addi %add3A_675, %iota3A_674 : vector<16xi32>
        %mul3A_677 = arith.constant 200 : i32
        %mul3A_678 = vector.broadcast %mul3A_677 : i32 to vector<16xi32>
        %mul3A_679 = arith.muli %get3A_671, %mul3A_678 : vector<16xi32>
        %rem3A_680 = arith.constant 200 : i32
        %rem3A_681 = vector.broadcast %rem3A_680 : i32 to vector<16xi32>
        %rem3A_682 = arith.remsi %add3A_676, %rem3A_681 : vector<16xi32>
        %add3A_683 = arith.addi %mul3A_679, %rem3A_682 : vector<16xi32>
        %swap3A_684 = arith.constant 16 : index
        %swap3A_685 = tpu.vector_load %arg13[%swap3A_684] {strides = array<i32>} : memref<128xi32, #tpu.memory_space<vmem>>, vector<16xi32>,
        tpu.vector_store %arg13[%swap3A_684], %add3A_683 {strides = array<i32>} : memref<128xi32, #tpu.memory_space<vmem>>, vector<16xi32>,
        %get3A_686 = arith.constant 32 : index
        %get3A_687 = tpu.vector_load %arg34[%get3A_686] {strides = array<i32>} : memref<128xi32, #tpu.memory_space<vmem>>, vector<16xi32>,
        %add3A_688 = arith.constant 32 : i32
        %add3A_689 = arith.addi %add3A_653, %add3A_688 : i32
        %iota3A_690 = tpu.iota {dimensions = array<i32: 0>} : vector<16xi32>
        %add3A_691 = vector.broadcast %add3A_689 : i32 to vector<16xi32>
        %add3A_692 = arith.addi %add3A_691, %iota3A_690 : vector<16xi32>
        %mul3A_693 = arith.constant 200 : i32
        %mul3A_694 = vector.broadcast %mul3A_693 : i32 to vector<16xi32>
        %mul3A_695 = arith.muli %get3A_687, %mul3A_694 : vector<16xi32>
        %rem3A_696 = arith.constant 200 : i32
        %rem3A_697 = vector.broadcast %rem3A_696 : i32 to vector<16xi32>
        %rem3A_698 = arith.remsi %add3A_692, %rem3A_697 : vector<16xi32>
        %add3A_699 = arith.addi %mul3A_695, %rem3A_698 : vector<16xi32>
        %swap3A_700 = arith.constant 32 : index
        %swap3A_701 = tpu.vector_load %arg13[%swap3A_700] {strides = array<i32>} : memref<128xi32, #tpu.memory_space<vmem>>, vector<16xi32>,
        tpu.vector_store %arg13[%swap3A_700], %add3A_699 {strides = array<i32>} : memref<128xi32, #tpu.memory_space<vmem>>, vector<16xi32>,
        %get3A_702 = arith.constant 48 : index
        %get3A_703 = tpu.vector_load %arg34[%get3A_702] {strides = array<i32>} : memref<128xi32, #tpu.memory_space<vmem>>, vector<16xi32>,
        %add3A_704 = arith.constant 48 : i32
        %add3A_705 = arith.addi %add3A_653, %add3A_704 : i32
        %iota3A_706 = tpu.iota {dimensions = array<i32: 0>} : vector<16xi32>
        %add3A_707 = vector.broadcast %add3A_705 : i32 to vector<16xi32>
        %add3A_708 = arith.addi %add3A_707, %iota3A_706 : vector<16xi32>
        %mul3A_709 = arith.constant 200 : i32
        %mul3A_710 = vector.broadcast %mul3A_709 : i32 to vector<16xi32>
        %mul3A_711 = arith.muli %get3A_703, %mul3A_710 : vector<16xi32>
        %rem3A_712 = arith.constant 200 : i32
        %rem3A_713 = vector.broadcast %rem3A_712 : i32 to vector<16xi32>
        %rem3A_714 = arith.remsi %add3A_708, %rem3A_713 : vector<16xi32>
        %add3A_715 = arith.addi %mul3A_711, %rem3A_714 : vector<16xi32>
        %swap3A_716 = arith.constant 48 : index
        %swap3A_717 = tpu.vector_load %arg13[%swap3A_716] {strides = array<i32>} : memref<128xi32, #tpu.memory_space<vmem>>, vector<16xi32>,
        tpu.vector_store %arg13[%swap3A_716], %add3A_715 {strides = array<i32>} : memref<128xi32, #tpu.memory_space<vmem>>, vector<16xi32>,
        %get3A_718 = arith.constant 64 : index
        %get3A_719 = tpu.vector_load %arg34[%get3A_718] {strides = array<i32>} : memref<128xi32, #tpu.memory_space<vmem>>, vector<16xi32>,
        %add3A_720 = arith.constant 64 : i32
        %add3A_721 = arith.addi %add3A_653, %add3A_720 : i32
        %iota3A_722 = tpu.iota {dimensions = array<i32: 0>} : vector<16xi32>
        %add3A_723 = vector.broadcast %add3A_721 : i32 to vector<16xi32>
        %add3A_724 = arith.addi %add3A_723, %iota3A_722 : vector<16xi32>
        %mul3A_725 = arith.constant 200 : i32
        %mul3A_726 = vector.broadcast %mul3A_725 : i32 to vector<16xi32>
        %mul3A_727 = arith.muli %get3A_719, %mul3A_726 : vector<16xi32>
        %rem3A_728 = arith.constant 200 : i32
        %rem3A_729 = vector.broadcast %rem3A_728 : i32 to vector<16xi32>
        %rem3A_730 = arith.remsi %add3A_724, %rem3A_729 : vector<16xi32>
        %add3A_731 = arith.addi %mul3A_727, %rem3A_730 : vector<16xi32>
        %swap3A_732 = arith.constant 64 : index
        %swap3A_733 = tpu.vector_load %arg13[%swap3A_732] {strides = array<i32>} : memref<128xi32, #tpu.memory_space<vmem>>, vector<16xi32>,
        tpu.vector_store %arg13[%swap3A_732], %add3A_731 {strides = array<i32>} : memref<128xi32, #tpu.memory_space<vmem>>, vector<16xi32>,
        %get3A_734 = arith.constant 80 : index
        %get3A_735 = tpu.vector_load %arg34[%get3A_734] {strides = array<i32>} : memref<128xi32, #tpu.memory_space<vmem>>, vector<16xi32>,
        %add3A_736 = arith.constant 80 : i32
        %add3A_737 = arith.addi %add3A_653, %add3A_736 : i32
        %iota3A_738 = tpu.iota {dimensions = array<i32: 0>} : vector<16xi32>
        %add3A_739 = vector.broadcast %add3A_737 : i32 to vector<16xi32>
        %add3A_740 = arith.addi %add3A_739, %iota3A_738 : vector<16xi32>
        %mul3A_741 = arith.constant 200 : i32
        %mul3A_742 = vector.broadcast %mul3A_741 : i32 to vector<16xi32>
        %mul3A_743 = arith.muli %get3A_735, %mul3A_742 : vector<16xi32>
        %rem3A_744 = arith.constant 200 : i32
        %rem3A_745 = vector.broadcast %rem3A_744 : i32 to vector<16xi32>
        %rem3A_746 = arith.remsi %add3A_740, %rem3A_745 : vector<16xi32>
        %add3A_747 = arith.addi %mul3A_743, %rem3A_746 : vector<16xi32>
        %swap3A_748 = arith.constant 80 : index
        %swap3A_749 = tpu.vector_load %arg13[%swap3A_748] {strides = array<i32>} : memref<128xi32, #tpu.memory_space<vmem>>, vector<16xi32>,
        tpu.vector_store %arg13[%swap3A_748], %add3A_747 {strides = array<i32>} : memref<128xi32, #tpu.memory_space<vmem>>, vector<16xi32>,
        %get3A_750 = arith.constant 96 : index
        %get3A_751 = tpu.vector_load %arg34[%get3A_750] {strides = array<i32>} : memref<128xi32, #tpu.memory_space<vmem>>, vector<16xi32>,
        %add3A_752 = arith.constant 96 : i32
        %add3A_753 = arith.addi %add3A_653, %add3A_752 : i32
        %iota3A_754 = tpu.iota {dimensions = array<i32: 0>} : vector<16xi32>
        %add3A_755 = vector.broadcast %add3A_753 : i32 to vector<16xi32>
        %add3A_756 = arith.addi %add3A_755, %iota3A_754 : vector<16xi32>
        %mul3A_757 = arith.constant 200 : i32
        %mul3A_758 = vector.broadcast %mul3A_757 : i32 to vector<16xi32>
        %mul3A_759 = arith.muli %get3A_751, %mul3A_758 : vector<16xi32>
        %rem3A_760 = arith.constant 200 : i32
        %rem3A_761 = vector.broadcast %rem3A_760 : i32 to vector<16xi32>
        %rem3A_762 = arith.remsi %add3A_756, %rem3A_761 : vector<16xi32>
        %add3A_763 = arith.addi %mul3A_759, %rem3A_762 : vector<16xi32>
        %swap3A_764 = arith.constant 96 : index
        %swap3A_765 = tpu.vector_load %arg13[%swap3A_764] {strides = array<i32>} : memref<128xi32, #tpu.memory_space<vmem>>, vector<16xi32>,
        tpu.vector_store %arg13[%swap3A_764], %add3A_763 {strides = array<i32>} : memref<128xi32, #tpu.memory_space<vmem>>, vector<16xi32>,
        %get3A_766 = arith.constant 112 : index
        %get3A_767 = tpu.vector_load %arg34[%get3A_766] {strides = array<i32>} : memref<128xi32, #tpu.memory_space<vmem>>, vector<16xi32>,
        %add3A_768 = arith.constant 112 : i32
        %add3A_769 = arith.addi %add3A_653, %add3A_768 : i32
        %iota3A_770 = tpu.iota {dimensions = array<i32: 0>} : vector<16xi32>
        %add3A_771 = vector.broadcast %add3A_769 : i32 to vector<16xi32>
        %add3A_772 = arith.addi %add3A_771, %iota3A_770 : vector<16xi32>
        %mul3A_773 = arith.constant 200 : i32
        %mul3A_774 = vector.broadcast %mul3A_773 : i32 to vector<16xi32>
        %mul3A_775 = arith.muli %get3A_767, %mul3A_774 : vector<16xi32>
        %rem3A_776 = arith.constant 200 : i32
        %rem3A_777 = vector.broadcast %rem3A_776 : i32 to vector<16xi32>
        %rem3A_778 = arith.remsi %add3A_772, %rem3A_777 : vector<16xi32>
        %add3A_779 = arith.addi %mul3A_775, %rem3A_778 : vector<16xi32>
        %swap3A_780 = arith.constant 112 : index
        %swap3A_781 = tpu.vector_load %arg13[%swap3A_780] {strides = array<i32>} : memref<128xi32, #tpu.memory_space<vmem>>, vector<16xi32>,
        tpu.vector_store %arg13[%swap3A_780], %add3A_779 {strides = array<i32>} : memref<128xi32, #tpu.memory_space<vmem>>, vector<16xi32>,
        %ge3A = arith.constant 1 : i32
        %ge3A_782 = arith.cmpi sge, %scan3A_481, %ge3A : i32
        %or3A_783 = arith.constant true
        %or3A_784 = arith.ori %ge3A_782, %or3A_783 : i1
        %convert_element_type3A_785 = arith.extui %or3A_784 : i1 to i32
        %cond3A_786 = arith.constant 0 : i32
        %cond3A_787 = arith.cmpi ne, %convert_element_type3A_785, %cond3A_786 : i32
        scf.if %cond3A_787 {
          %sub3A = arith.constant 2 : i32
          %sub3A_791 = arith.subi %add3A_579, %sub3A : i32
          %mul3A_792 = arith.constant 128 : i32
          %mul3A_793 = arith.muli %sub3A_791, %mul3A_792 : i32
          %add3A_794 = arith.addi %mul3A_2, %mul3A_793 : i32
          %dma_wait3A_795 = arith.constant 0 : i32
          %dma_wait3A_796 = tpu.memref_slice %arg6[%add3A_794, %dma_wait3A_795] : memref<204800x64xf32, #tpu.memory_space<hbm>> -> memref<128x64xf32, #tpu.memory_space<hbm>>
          %dma_wait3A_797 = arith.constant 0 : i32
          %dma_wait3A_798 = tpu.memref_slice %arg6[%add3A_794, %dma_wait3A_797] : memref<204800x64xf32, #tpu.memory_space<hbm>> -> memref<128x64xf32, #tpu.memory_space<hbm>>
          tpu.wait_dma2 semaphore(%arg24 : memref<!tpu.dma_semaphore, #tpu.memory_space<semaphore_mem>>) src(%arg29 : memref<128x64xf32, #tpu.memory_space<vmem>>) dst(%dma_wait3A_798 : memref<128x64xf32, #tpu.memory_space<hbm>>)
        } else {
        }
        %dma_start3A_788 = arith.constant 0 : i32
        %dma_start3A_789 = arith.constant 0 : i32
        %dma_start3A_790 = tpu.memref_slice %arg4[%dma_start3A_788, %dma_start3A_789] : memref<100000x64xf32, #tpu.memory_space<hbm>> -> memref<100000x64xf32, #tpu.memory_space<hbm>>
        tpu.enqueue_indirect_dma source(%dma_start3A_790 : memref<100000x64xf32, #tpu.memory_space<hbm>>) target(%arg29 : memref<128x64xf32, #tpu.memory_space<vmem>>) offsets(%arg39 : memref<128xi32, #tpu.memory_space<vmem>>) semaphore(%arg19 : memref<!tpu.dma_semaphore, #tpu.memory_space<semaphore_mem>>)
      } else {
      }
      %dma_wait3A_590 = arith.constant 0 : i32
      %dma_wait3A_591 = arith.constant 0 : i32
      %dma_wait3A_592 = tpu.memref_slice %arg4[%dma_wait3A_590, %dma_wait3A_591] : memref<100000x64xf32, #tpu.memory_space<hbm>> -> memref<100000x64xf32, #tpu.memory_space<hbm>>
      tpu.wait_indirect_dma semaphore(%arg21 : memref<!tpu.dma_semaphore, #tpu.memory_space<semaphore_mem>>) src(%dma_wait3A_592 : memref<100000x64xf32, #tpu.memory_space<hbm>>) dst(%arg31 : memref<128x64xf32, #tpu.memory_space<vmem>>)
      %dma_start3A_593 = arith.constant 0 : i32
      %dma_start3A_594 = arith.constant 0 : i32
      %dma_start3A_595 = tpu.memref_slice %arg17[%dma_start3A_593, %dma_start3A_594] : memref<400x64xf32, #tpu.memory_space<vmem_shared>> -> memref<400x64xf32, #tpu.memory_space<vmem_shared>>
      tpu.enqueue_indirect_dma source(%dma_start3A_595 : memref<400x64xf32, #tpu.memory_space<vmem_shared>>) target(%arg31 : memref<128x64xf32, #tpu.memory_space<vmem>>) offsets(%arg15 : memref<128xi32, #tpu.memory_space<vmem>>) semaphore(%arg10 : memref<!tpu.dma_semaphore, #tpu.memory_space<semaphore_mem>>) {add = true}
      %le3A_596 = arith.constant 8 : i32
      %le3A_597 = arith.cmpi sle, %scan3A_481, %le3A_596 : i32
      %convert_element_type3A_598 = arith.extui %le3A_597 : i1 to i32
      %cond3A_599 = arith.constant 0 : i32
      %cond3A_600 = arith.cmpi ne, %convert_element_type3A_598, %cond3A_599 : i32
      scf.if %cond3A_600 {
        %add3A_640 = arith.constant 5 : i32
        %add3A_641 = arith.addi %add3A_579, %add3A_640 : i32
        %mul3A_642 = arith.constant 128 : i32
        %mul3A_643 = arith.muli %add3A_641, %mul3A_642 : i32
        %add3A_644 = arith.addi %mul3A_2, %mul3A_643 : i32
        %dma_start3A_645 = tpu.memref_slice %arg2[%add3A_644] : memref<204800xi32, #tpu.memory_space<hbm>> -> memref<128xi32, #tpu.memory_space<hbm>>
        %dma_start3A_646 = tpu.memref_slice %arg2[%add3A_644] : memref<204800xi32, #tpu.memory_space<hbm>> -> memref<128xi32, #tpu.memory_space<hbm>>
        tpu.enqueue_dma source(%dma_start3A_646 : memref<128xi32, #tpu.memory_space<hbm>>) target(%arg41 : memref<128xi32, #tpu.memory_space<vmem>>) target_semaphore(%arg46 : memref<!tpu.dma_semaphore, #tpu.memory_space<semaphore_mem>>)
        %dma_start3A_647 = tpu.memref_slice %arg3[%add3A_644] : memref<204800xi32, #tpu.memory_space<hbm>> -> memref<128xi32, #tpu.memory_space<hbm>>
        %dma_start3A_648 = tpu.memref_slice %arg3[%add3A_644] : memref<204800xi32, #tpu.memory_space<hbm>> -> memref<128xi32, #tpu.memory_space<hbm>>
        tpu.enqueue_dma source(%dma_start3A_648 : memref<128xi32, #tpu.memory_space<hbm>>) target(%arg36 : memref<128xi32, #tpu.memory_space<vmem>>) target_semaphore(%arg46 : memref<!tpu.dma_semaphore, #tpu.memory_space<semaphore_mem>>)
      } else {
      }
      %dma_wait3A_601 = arith.constant 0 : i32
      %dma_wait3A_602 = arith.constant 0 : i32
      %dma_wait3A_603 = tpu.memref_slice %arg17[%dma_wait3A_601, %dma_wait3A_602] : memref<400x64xf32, #tpu.memory_space<vmem_shared>> -> memref<400x64xf32, #tpu.memory_space<vmem_shared>>
      tpu.wait_indirect_dma semaphore(%arg10 : memref<!tpu.dma_semaphore, #tpu.memory_space<semaphore_mem>>) src(%dma_wait3A_603 : memref<400x64xf32, #tpu.memory_space<vmem_shared>>) dst(%arg31 : memref<128x64xf32, #tpu.memory_space<vmem>>)
      %dma_start3A_604 = arith.constant 0 : i32
      %dma_start3A_605 = tpu.memref_slice %arg6[%add3A_582, %dma_start3A_604] : memref<204800x64xf32, #tpu.memory_space<hbm>> -> memref<128x64xf32, #tpu.memory_space<hbm>>
      %dma_start3A_606 = arith.constant 0 : i32
      %dma_start3A_607 = tpu.memref_slice %arg6[%add3A_582, %dma_start3A_606] : memref<204800x64xf32, #tpu.memory_space<hbm>> -> memref<128x64xf32, #tpu.memory_space<hbm>>
      tpu.enqueue_dma source(%arg31 : memref<128x64xf32, #tpu.memory_space<vmem>>) target(%dma_start3A_607 : memref<128x64xf32, #tpu.memory_space<hbm>>) target_semaphore(%arg26 : memref<!tpu.dma_semaphore, #tpu.memory_space<semaphore_mem>>)
      %mul3A_608 = arith.constant 5 : i32
      %mul3A_609 = arith.muli %mul3A_608, %scan3A_481 : i32
      %add3A_610 = arith.constant 4 : i32
      %add3A_611 = arith.addi %mul3A_609, %add3A_610 : i32
      %mul3A_612 = arith.constant 128 : i32
      %mul3A_613 = arith.muli %add3A_611, %mul3A_612 : i32
      %add3A_614 = arith.addi %mul3A_2, %mul3A_613 : i32
      %le3A_615 = arith.constant 8 : i32
      %le3A_616 = arith.cmpi sle, %scan3A_481, %le3A_615 : i32
      %or3A_617 = arith.constant false
      %or3A_618 = arith.ori %le3A_616, %or3A_617 : i1
      %convert_element_type3A_619 = arith.extui %or3A_618 : i1 to i32
      %cond3A_620 = arith.constant 0 : i32
      %cond3A_621 = arith.cmpi ne, %convert_element_type3A_619, %cond3A_620 : i32
      scf.if %cond3A_621 {
        %add3A_640 = arith.constant 3 : i32
        %add3A_641 = arith.addi %add3A_611, %add3A_640 : i32
        %mul3A_642 = arith.constant 128 : i32
        %mul3A_643 = arith.muli %add3A_641, %mul3A_642 : i32
        %add3A_644 = arith.addi %mul3A_2, %mul3A_643 : i32
        %dma_wait3A_645 = tpu.memref_slice %arg2[%add3A_644] : memref<204800xi32, #tpu.memory_space<hbm>> -> memref<128xi32, #tpu.memory_space<hbm>>
        %dma_wait3A_646 = tpu.memref_slice %arg2[%add3A_644] : memref<204800xi32, #tpu.memory_space<hbm>> -> memref<128xi32, #tpu.memory_space<hbm>>
        tpu.wait_dma2 semaphore(%arg45 : memref<!tpu.dma_semaphore, #tpu.memory_space<semaphore_mem>>) src(%dma_wait3A_646 : memref<128xi32, #tpu.memory_space<hbm>>) dst(%arg40 : memref<128xi32, #tpu.memory_space<vmem>>)
        %dma_wait3A_647 = tpu.memref_slice %arg3[%add3A_644] : memref<204800xi32, #tpu.memory_space<hbm>> -> memref<128xi32, #tpu.memory_space<hbm>>
        %dma_wait3A_648 = tpu.memref_slice %arg3[%add3A_644] : memref<204800xi32, #tpu.memory_space<hbm>> -> memref<128xi32, #tpu.memory_space<hbm>>
        tpu.wait_dma2 semaphore(%arg45 : memref<!tpu.dma_semaphore, #tpu.memory_space<semaphore_mem>>) src(%dma_wait3A_648 : memref<128xi32, #tpu.memory_space<hbm>>) dst(%arg35 : memref<128xi32, #tpu.memory_space<vmem>>)
        %add3A_649 = arith.constant 3 : i32
        %add3A_650 = arith.addi %add3A_611, %add3A_649 : i32
        %mul3A_651 = arith.constant 128 : i32
        %mul3A_652 = arith.muli %add3A_650, %mul3A_651 : i32
        %add3A_653 = arith.addi %mul3A_2, %mul3A_652 : i32
        %get3A_654 = arith.constant 0 : index
        %get3A_655 = tpu.vector_load %arg35[%get3A_654] {strides = array<i32>} : memref<128xi32, #tpu.memory_space<vmem>>, vector<16xi32>,
        %add3A_656 = arith.constant 0 : i32
        %add3A_657 = arith.addi %add3A_653, %add3A_656 : i32
        %iota3A_658 = tpu.iota {dimensions = array<i32: 0>} : vector<16xi32>
        %add3A_659 = vector.broadcast %add3A_657 : i32 to vector<16xi32>
        %add3A_660 = arith.addi %add3A_659, %iota3A_658 : vector<16xi32>
        %mul3A_661 = arith.constant 200 : i32
        %mul3A_662 = vector.broadcast %mul3A_661 : i32 to vector<16xi32>
        %mul3A_663 = arith.muli %get3A_655, %mul3A_662 : vector<16xi32>
        %rem3A_664 = arith.constant 200 : i32
        %rem3A_665 = vector.broadcast %rem3A_664 : i32 to vector<16xi32>
        %rem3A_666 = arith.remsi %add3A_660, %rem3A_665 : vector<16xi32>
        %add3A_667 = arith.addi %mul3A_663, %rem3A_666 : vector<16xi32>
        %swap3A_668 = arith.constant 0 : index
        %swap3A_669 = tpu.vector_load %arg14[%swap3A_668] {strides = array<i32>} : memref<128xi32, #tpu.memory_space<vmem>>, vector<16xi32>,
        tpu.vector_store %arg14[%swap3A_668], %add3A_667 {strides = array<i32>} : memref<128xi32, #tpu.memory_space<vmem>>, vector<16xi32>,
        %get3A_670 = arith.constant 16 : index
        %get3A_671 = tpu.vector_load %arg35[%get3A_670] {strides = array<i32>} : memref<128xi32, #tpu.memory_space<vmem>>, vector<16xi32>,
        %add3A_672 = arith.constant 16 : i32
        %add3A_673 = arith.addi %add3A_653, %add3A_672 : i32
        %iota3A_674 = tpu.iota {dimensions = array<i32: 0>} : vector<16xi32>
        %add3A_675 = vector.broadcast %add3A_673 : i32 to vector<16xi32>
        %add3A_676 = arith.addi %add3A_675, %iota3A_674 : vector<16xi32>
        %mul3A_677 = arith.constant 200 : i32
        %mul3A_678 = vector.broadcast %mul3A_677 : i32 to vector<16xi32>
        %mul3A_679 = arith.muli %get3A_671, %mul3A_678 : vector<16xi32>
        %rem3A_680 = arith.constant 200 : i32
        %rem3A_681 = vector.broadcast %rem3A_680 : i32 to vector<16xi32>
        %rem3A_682 = arith.remsi %add3A_676, %rem3A_681 : vector<16xi32>
        %add3A_683 = arith.addi %mul3A_679, %rem3A_682 : vector<16xi32>
        %swap3A_684 = arith.constant 16 : index
        %swap3A_685 = tpu.vector_load %arg14[%swap3A_684] {strides = array<i32>} : memref<128xi32, #tpu.memory_space<vmem>>, vector<16xi32>,
        tpu.vector_store %arg14[%swap3A_684], %add3A_683 {strides = array<i32>} : memref<128xi32, #tpu.memory_space<vmem>>, vector<16xi32>,
        %get3A_686 = arith.constant 32 : index
        %get3A_687 = tpu.vector_load %arg35[%get3A_686] {strides = array<i32>} : memref<128xi32, #tpu.memory_space<vmem>>, vector<16xi32>,
        %add3A_688 = arith.constant 32 : i32
        %add3A_689 = arith.addi %add3A_653, %add3A_688 : i32
        %iota3A_690 = tpu.iota {dimensions = array<i32: 0>} : vector<16xi32>
        %add3A_691 = vector.broadcast %add3A_689 : i32 to vector<16xi32>
        %add3A_692 = arith.addi %add3A_691, %iota3A_690 : vector<16xi32>
        %mul3A_693 = arith.constant 200 : i32
        %mul3A_694 = vector.broadcast %mul3A_693 : i32 to vector<16xi32>
        %mul3A_695 = arith.muli %get3A_687, %mul3A_694 : vector<16xi32>
        %rem3A_696 = arith.constant 200 : i32
        %rem3A_697 = vector.broadcast %rem3A_696 : i32 to vector<16xi32>
        %rem3A_698 = arith.remsi %add3A_692, %rem3A_697 : vector<16xi32>
        %add3A_699 = arith.addi %mul3A_695, %rem3A_698 : vector<16xi32>
        %swap3A_700 = arith.constant 32 : index
        %swap3A_701 = tpu.vector_load %arg14[%swap3A_700] {strides = array<i32>} : memref<128xi32, #tpu.memory_space<vmem>>, vector<16xi32>,
        tpu.vector_store %arg14[%swap3A_700], %add3A_699 {strides = array<i32>} : memref<128xi32, #tpu.memory_space<vmem>>, vector<16xi32>,
        %get3A_702 = arith.constant 48 : index
        %get3A_703 = tpu.vector_load %arg35[%get3A_702] {strides = array<i32>} : memref<128xi32, #tpu.memory_space<vmem>>, vector<16xi32>,
        %add3A_704 = arith.constant 48 : i32
        %add3A_705 = arith.addi %add3A_653, %add3A_704 : i32
        %iota3A_706 = tpu.iota {dimensions = array<i32: 0>} : vector<16xi32>
        %add3A_707 = vector.broadcast %add3A_705 : i32 to vector<16xi32>
        %add3A_708 = arith.addi %add3A_707, %iota3A_706 : vector<16xi32>
        %mul3A_709 = arith.constant 200 : i32
        %mul3A_710 = vector.broadcast %mul3A_709 : i32 to vector<16xi32>
        %mul3A_711 = arith.muli %get3A_703, %mul3A_710 : vector<16xi32>
        %rem3A_712 = arith.constant 200 : i32
        %rem3A_713 = vector.broadcast %rem3A_712 : i32 to vector<16xi32>
        %rem3A_714 = arith.remsi %add3A_708, %rem3A_713 : vector<16xi32>
        %add3A_715 = arith.addi %mul3A_711, %rem3A_714 : vector<16xi32>
        %swap3A_716 = arith.constant 48 : index
        %swap3A_717 = tpu.vector_load %arg14[%swap3A_716] {strides = array<i32>} : memref<128xi32, #tpu.memory_space<vmem>>, vector<16xi32>,
        tpu.vector_store %arg14[%swap3A_716], %add3A_715 {strides = array<i32>} : memref<128xi32, #tpu.memory_space<vmem>>, vector<16xi32>,
        %get3A_718 = arith.constant 64 : index
        %get3A_719 = tpu.vector_load %arg35[%get3A_718] {strides = array<i32>} : memref<128xi32, #tpu.memory_space<vmem>>, vector<16xi32>,
        %add3A_720 = arith.constant 64 : i32
        %add3A_721 = arith.addi %add3A_653, %add3A_720 : i32
        %iota3A_722 = tpu.iota {dimensions = array<i32: 0>} : vector<16xi32>
        %add3A_723 = vector.broadcast %add3A_721 : i32 to vector<16xi32>
        %add3A_724 = arith.addi %add3A_723, %iota3A_722 : vector<16xi32>
        %mul3A_725 = arith.constant 200 : i32
        %mul3A_726 = vector.broadcast %mul3A_725 : i32 to vector<16xi32>
        %mul3A_727 = arith.muli %get3A_719, %mul3A_726 : vector<16xi32>
        %rem3A_728 = arith.constant 200 : i32
        %rem3A_729 = vector.broadcast %rem3A_728 : i32 to vector<16xi32>
        %rem3A_730 = arith.remsi %add3A_724, %rem3A_729 : vector<16xi32>
        %add3A_731 = arith.addi %mul3A_727, %rem3A_730 : vector<16xi32>
        %swap3A_732 = arith.constant 64 : index
        %swap3A_733 = tpu.vector_load %arg14[%swap3A_732] {strides = array<i32>} : memref<128xi32, #tpu.memory_space<vmem>>, vector<16xi32>,
        tpu.vector_store %arg14[%swap3A_732], %add3A_731 {strides = array<i32>} : memref<128xi32, #tpu.memory_space<vmem>>, vector<16xi32>,
        %get3A_734 = arith.constant 80 : index
        %get3A_735 = tpu.vector_load %arg35[%get3A_734] {strides = array<i32>} : memref<128xi32, #tpu.memory_space<vmem>>, vector<16xi32>,
        %add3A_736 = arith.constant 80 : i32
        %add3A_737 = arith.addi %add3A_653, %add3A_736 : i32
        %iota3A_738 = tpu.iota {dimensions = array<i32: 0>} : vector<16xi32>
        %add3A_739 = vector.broadcast %add3A_737 : i32 to vector<16xi32>
        %add3A_740 = arith.addi %add3A_739, %iota3A_738 : vector<16xi32>
        %mul3A_741 = arith.constant 200 : i32
        %mul3A_742 = vector.broadcast %mul3A_741 : i32 to vector<16xi32>
        %mul3A_743 = arith.muli %get3A_735, %mul3A_742 : vector<16xi32>
        %rem3A_744 = arith.constant 200 : i32
        %rem3A_745 = vector.broadcast %rem3A_744 : i32 to vector<16xi32>
        %rem3A_746 = arith.remsi %add3A_740, %rem3A_745 : vector<16xi32>
        %add3A_747 = arith.addi %mul3A_743, %rem3A_746 : vector<16xi32>
        %swap3A_748 = arith.constant 80 : index
        %swap3A_749 = tpu.vector_load %arg14[%swap3A_748] {strides = array<i32>} : memref<128xi32, #tpu.memory_space<vmem>>, vector<16xi32>,
        tpu.vector_store %arg14[%swap3A_748], %add3A_747 {strides = array<i32>} : memref<128xi32, #tpu.memory_space<vmem>>, vector<16xi32>,
        %get3A_750 = arith.constant 96 : index
        %get3A_751 = tpu.vector_load %arg35[%get3A_750] {strides = array<i32>} : memref<128xi32, #tpu.memory_space<vmem>>, vector<16xi32>,
        %add3A_752 = arith.constant 96 : i32
        %add3A_753 = arith.addi %add3A_653, %add3A_752 : i32
        %iota3A_754 = tpu.iota {dimensions = array<i32: 0>} : vector<16xi32>
        %add3A_755 = vector.broadcast %add3A_753 : i32 to vector<16xi32>
        %add3A_756 = arith.addi %add3A_755, %iota3A_754 : vector<16xi32>
        %mul3A_757 = arith.constant 200 : i32
        %mul3A_758 = vector.broadcast %mul3A_757 : i32 to vector<16xi32>
        %mul3A_759 = arith.muli %get3A_751, %mul3A_758 : vector<16xi32>
        %rem3A_760 = arith.constant 200 : i32
        %rem3A_761 = vector.broadcast %rem3A_760 : i32 to vector<16xi32>
        %rem3A_762 = arith.remsi %add3A_756, %rem3A_761 : vector<16xi32>
        %add3A_763 = arith.addi %mul3A_759, %rem3A_762 : vector<16xi32>
        %swap3A_764 = arith.constant 96 : index
        %swap3A_765 = tpu.vector_load %arg14[%swap3A_764] {strides = array<i32>} : memref<128xi32, #tpu.memory_space<vmem>>, vector<16xi32>,
        tpu.vector_store %arg14[%swap3A_764], %add3A_763 {strides = array<i32>} : memref<128xi32, #tpu.memory_space<vmem>>, vector<16xi32>,
        %get3A_766 = arith.constant 112 : index
        %get3A_767 = tpu.vector_load %arg35[%get3A_766] {strides = array<i32>} : memref<128xi32, #tpu.memory_space<vmem>>, vector<16xi32>,
        %add3A_768 = arith.constant 112 : i32
        %add3A_769 = arith.addi %add3A_653, %add3A_768 : i32
        %iota3A_770 = tpu.iota {dimensions = array<i32: 0>} : vector<16xi32>
        %add3A_771 = vector.broadcast %add3A_769 : i32 to vector<16xi32>
        %add3A_772 = arith.addi %add3A_771, %iota3A_770 : vector<16xi32>
        %mul3A_773 = arith.constant 200 : i32
        %mul3A_774 = vector.broadcast %mul3A_773 : i32 to vector<16xi32>
        %mul3A_775 = arith.muli %get3A_767, %mul3A_774 : vector<16xi32>
        %rem3A_776 = arith.constant 200 : i32
        %rem3A_777 = vector.broadcast %rem3A_776 : i32 to vector<16xi32>
        %rem3A_778 = arith.remsi %add3A_772, %rem3A_777 : vector<16xi32>
        %add3A_779 = arith.addi %mul3A_775, %rem3A_778 : vector<16xi32>
        %swap3A_780 = arith.constant 112 : index
        %swap3A_781 = tpu.vector_load %arg14[%swap3A_780] {strides = array<i32>} : memref<128xi32, #tpu.memory_space<vmem>>, vector<16xi32>,
        tpu.vector_store %arg14[%swap3A_780], %add3A_779 {strides = array<i32>} : memref<128xi32, #tpu.memory_space<vmem>>, vector<16xi32>,
        %ge3A = arith.constant 1 : i32
        %ge3A_782 = arith.cmpi sge, %scan3A_481, %ge3A : i32
        %or3A_783 = arith.constant true
        %or3A_784 = arith.ori %ge3A_782, %or3A_783 : i1
        %convert_element_type3A_785 = arith.extui %or3A_784 : i1 to i32
        %cond3A_786 = arith.constant 0 : i32
        %cond3A_787 = arith.cmpi ne, %convert_element_type3A_785, %cond3A_786 : i32
        scf.if %cond3A_787 {
          %sub3A = arith.constant 2 : i32
          %sub3A_791 = arith.subi %add3A_611, %sub3A : i32
          %mul3A_792 = arith.constant 128 : i32
          %mul3A_793 = arith.muli %sub3A_791, %mul3A_792 : i32
          %add3A_794 = arith.addi %mul3A_2, %mul3A_793 : i32
          %dma_wait3A_795 = arith.constant 0 : i32
          %dma_wait3A_796 = tpu.memref_slice %arg6[%add3A_794, %dma_wait3A_795] : memref<204800x64xf32, #tpu.memory_space<hbm>> -> memref<128x64xf32, #tpu.memory_space<hbm>>
          %dma_wait3A_797 = arith.constant 0 : i32
          %dma_wait3A_798 = tpu.memref_slice %arg6[%add3A_794, %dma_wait3A_797] : memref<204800x64xf32, #tpu.memory_space<hbm>> -> memref<128x64xf32, #tpu.memory_space<hbm>>
          tpu.wait_dma2 semaphore(%arg25 : memref<!tpu.dma_semaphore, #tpu.memory_space<semaphore_mem>>) src(%arg30 : memref<128x64xf32, #tpu.memory_space<vmem>>) dst(%dma_wait3A_798 : memref<128x64xf32, #tpu.memory_space<hbm>>)
        } else {
        }
        %dma_start3A_788 = arith.constant 0 : i32
        %dma_start3A_789 = arith.constant 0 : i32
        %dma_start3A_790 = tpu.memref_slice %arg4[%dma_start3A_788, %dma_start3A_789] : memref<100000x64xf32, #tpu.memory_space<hbm>> -> memref<100000x64xf32, #tpu.memory_space<hbm>>
        tpu.enqueue_indirect_dma source(%dma_start3A_790 : memref<100000x64xf32, #tpu.memory_space<hbm>>) target(%arg30 : memref<128x64xf32, #tpu.memory_space<vmem>>) offsets(%arg40 : memref<128xi32, #tpu.memory_space<vmem>>) semaphore(%arg20 : memref<!tpu.dma_semaphore, #tpu.memory_space<semaphore_mem>>)
      } else {
      }
      %dma_wait3A_622 = arith.constant 0 : i32
      %dma_wait3A_623 = arith.constant 0 : i32
      %dma_wait3A_624 = tpu.memref_slice %arg4[%dma_wait3A_622, %dma_wait3A_623] : memref<100000x64xf32, #tpu.memory_space<hbm>> -> memref<100000x64xf32, #tpu.memory_space<hbm>>
      tpu.wait_indirect_dma semaphore(%arg22 : memref<!tpu.dma_semaphore, #tpu.memory_space<semaphore_mem>>) src(%dma_wait3A_624 : memref<100000x64xf32, #tpu.memory_space<hbm>>) dst(%arg32 : memref<128x64xf32, #tpu.memory_space<vmem>>)
      %dma_start3A_625 = arith.constant 0 : i32
      %dma_start3A_626 = arith.constant 0 : i32
      %dma_start3A_627 = tpu.memref_slice %arg17[%dma_start3A_625, %dma_start3A_626] : memref<400x64xf32, #tpu.memory_space<vmem_shared>> -> memref<400x64xf32, #tpu.memory_space<vmem_shared>>
      tpu.enqueue_indirect_dma source(%dma_start3A_627 : memref<400x64xf32, #tpu.memory_space<vmem_shared>>) target(%arg32 : memref<128x64xf32, #tpu.memory_space<vmem>>) offsets(%arg16 : memref<128xi32, #tpu.memory_space<vmem>>) semaphore(%arg11 : memref<!tpu.dma_semaphore, #tpu.memory_space<semaphore_mem>>) {add = true}
      %le3A_628 = arith.constant 8 : i32
      %le3A_629 = arith.cmpi sle, %scan3A_481, %le3A_628 : i32
      %convert_element_type3A_630 = arith.extui %le3A_629 : i1 to i32
      %cond3A_631 = arith.constant 0 : i32
      %cond3A_632 = arith.cmpi ne, %convert_element_type3A_630, %cond3A_631 : i32
      scf.if %cond3A_632 {
        %add3A_640 = arith.constant 5 : i32
        %add3A_641 = arith.addi %add3A_611, %add3A_640 : i32
        %mul3A_642 = arith.constant 128 : i32
        %mul3A_643 = arith.muli %add3A_641, %mul3A_642 : i32
        %add3A_644 = arith.addi %mul3A_2, %mul3A_643 : i32
        %dma_start3A_645 = tpu.memref_slice %arg2[%add3A_644] : memref<204800xi32, #tpu.memory_space<hbm>> -> memref<128xi32, #tpu.memory_space<hbm>>
        %dma_start3A_646 = tpu.memref_slice %arg2[%add3A_644] : memref<204800xi32, #tpu.memory_space<hbm>> -> memref<128xi32, #tpu.memory_space<hbm>>
        tpu.enqueue_dma source(%dma_start3A_646 : memref<128xi32, #tpu.memory_space<hbm>>) target(%arg42 : memref<128xi32, #tpu.memory_space<vmem>>) target_semaphore(%arg47 : memref<!tpu.dma_semaphore, #tpu.memory_space<semaphore_mem>>)
        %dma_start3A_647 = tpu.memref_slice %arg3[%add3A_644] : memref<204800xi32, #tpu.memory_space<hbm>> -> memref<128xi32, #tpu.memory_space<hbm>>
        %dma_start3A_648 = tpu.memref_slice %arg3[%add3A_644] : memref<204800xi32, #tpu.memory_space<hbm>> -> memref<128xi32, #tpu.memory_space<hbm>>
        tpu.enqueue_dma source(%dma_start3A_648 : memref<128xi32, #tpu.memory_space<hbm>>) target(%arg37 : memref<128xi32, #tpu.memory_space<vmem>>) target_semaphore(%arg47 : memref<!tpu.dma_semaphore, #tpu.memory_space<semaphore_mem>>)
      } else {
      }
      %dma_wait3A_633 = arith.constant 0 : i32
      %dma_wait3A_634 = arith.constant 0 : i32
      %dma_wait3A_635 = tpu.memref_slice %arg17[%dma_wait3A_633, %dma_wait3A_634] : memref<400x64xf32, #tpu.memory_space<vmem_shared>> -> memref<400x64xf32, #tpu.memory_space<vmem_shared>>
      tpu.wait_indirect_dma semaphore(%arg11 : memref<!tpu.dma_semaphore, #tpu.memory_space<semaphore_mem>>) src(%dma_wait3A_635 : memref<400x64xf32, #tpu.memory_space<vmem_shared>>) dst(%arg32 : memref<128x64xf32, #tpu.memory_space<vmem>>)
      %dma_start3A_636 = arith.constant 0 : i32
      %dma_start3A_637 = tpu.memref_slice %arg6[%add3A_614, %dma_start3A_636] : memref<204800x64xf32, #tpu.memory_space<hbm>> -> memref<128x64xf32, #tpu.memory_space<hbm>>
      %dma_start3A_638 = arith.constant 0 : i32
      %dma_start3A_639 = tpu.memref_slice %arg6[%add3A_614, %dma_start3A_638] : memref<204800x64xf32, #tpu.memory_space<hbm>> -> memref<128x64xf32, #tpu.memory_space<hbm>>
      tpu.enqueue_dma source(%arg32 : memref<128x64xf32, #tpu.memory_space<vmem>>) target(%dma_start3A_639 : memref<128x64xf32, #tpu.memory_space<hbm>>) target_semaphore(%arg27 : memref<!tpu.dma_semaphore, #tpu.memory_space<semaphore_mem>>)
    }
    %scan3A_450 = arith.constant 10 : i32
    %add3A_451 = arith.constant 5760 : i32
    %add3A_452 = arith.addi %mul3A_2, %add3A_451 : i32
    %dma_wait3A_453 = arith.constant 0 : i32
    %dma_wait3A_454 = tpu.memref_slice %arg6[%add3A_452, %dma_wait3A_453] : memref<204800x64xf32, #tpu.memory_space<hbm>> -> memref<128x64xf32, #tpu.memory_space<hbm>>
    %dma_wait3A_455 = arith.constant 0 : i32
    %dma_wait3A_456 = tpu.memref_slice %arg6[%add3A_452, %dma_wait3A_455] : memref<204800x64xf32, #tpu.memory_space<hbm>> -> memref<128x64xf32, #tpu.memory_space<hbm>>
    tpu.wait_dma2 semaphore(%arg23 : memref<!tpu.dma_semaphore, #tpu.memory_space<semaphore_mem>>) src(%arg28 : memref<128x64xf32, #tpu.memory_space<vmem>>) dst(%dma_wait3A_456 : memref<128x64xf32, #tpu.memory_space<hbm>>)
    %add3A_457 = arith.constant 5888 : i32
    %add3A_458 = arith.addi %mul3A_2, %add3A_457 : i32
    %dma_wait3A_459 = arith.constant 0 : i32
    %dma_wait3A_460 = tpu.memref_slice %arg6[%add3A_458, %dma_wait3A_459] : memref<204800x64xf32, #tpu.memory_space<hbm>> -> memref<128x64xf32, #tpu.memory_space<hbm>>
    %dma_wait3A_461 = arith.constant 0 : i32
    %dma_wait3A_462 = tpu.memref_slice %arg6[%add3A_458, %dma_wait3A_461] : memref<204800x64xf32, #tpu.memory_space<hbm>> -> memref<128x64xf32, #tpu.memory_space<hbm>>
    tpu.wait_dma2 semaphore(%arg24 : memref<!tpu.dma_semaphore, #tpu.memory_space<semaphore_mem>>) src(%arg29 : memref<128x64xf32, #tpu.memory_space<vmem>>) dst(%dma_wait3A_462 : memref<128x64xf32, #tpu.memory_space<hbm>>)
    %add3A_463 = arith.constant 6016 : i32
    %add3A_464 = arith.addi %mul3A_2, %add3A_463 : i32
    %dma_wait3A_465 = arith.constant 0 : i32
    %dma_wait3A_466 = tpu.memref_slice %arg6[%add3A_464, %dma_wait3A_465] : memref<204800x64xf32, #tpu.memory_space<hbm>> -> memref<128x64xf32, #tpu.memory_space<hbm>>
    %dma_wait3A_467 = arith.constant 0 : i32
    %dma_wait3A_468 = tpu.memref_slice %arg6[%add3A_464, %dma_wait3A_467] : memref<204800x64xf32, #tpu.memory_space<hbm>> -> memref<128x64xf32, #tpu.memory_space<hbm>>
    tpu.wait_dma2 semaphore(%arg25 : memref<!tpu.dma_semaphore, #tpu.memory_space<semaphore_mem>>) src(%arg30 : memref<128x64xf32, #tpu.memory_space<vmem>>) dst(%dma_wait3A_468 : memref<128x64xf32, #tpu.memory_space<hbm>>)
    %add3A_469 = arith.constant 6144 : i32
    %add3A_470 = arith.addi %mul3A_2, %add3A_469 : i32
    %dma_wait3A_471 = arith.constant 0 : i32
    %dma_wait3A_472 = tpu.memref_slice %arg6[%add3A_470, %dma_wait3A_471] : memref<204800x64xf32, #tpu.memory_space<hbm>> -> memref<128x64xf32, #tpu.memory_space<hbm>>
    %dma_wait3A_473 = arith.constant 0 : i32
    %dma_wait3A_474 = tpu.memref_slice %arg6[%add3A_470, %dma_wait3A_473] : memref<204800x64xf32, #tpu.memory_space<hbm>> -> memref<128x64xf32, #tpu.memory_space<hbm>>
    tpu.wait_dma2 semaphore(%arg26 : memref<!tpu.dma_semaphore, #tpu.memory_space<semaphore_mem>>) src(%arg31 : memref<128x64xf32, #tpu.memory_space<vmem>>) dst(%dma_wait3A_474 : memref<128x64xf32, #tpu.memory_space<hbm>>)
    %add3A_475 = arith.constant 6272 : i32
    %add3A_476 = arith.addi %mul3A_2, %add3A_475 : i32
    %dma_wait3A_477 = arith.constant 0 : i32
    %dma_wait3A_478 = tpu.memref_slice %arg6[%add3A_476, %dma_wait3A_477] : memref<204800x64xf32, #tpu.memory_space<hbm>> -> memref<128x64xf32, #tpu.memory_space<hbm>>
    %dma_wait3A_479 = arith.constant 0 : i32
    %dma_wait3A_480 = tpu.memref_slice %arg6[%add3A_476, %dma_wait3A_479] : memref<204800x64xf32, #tpu.memory_space<hbm>> -> memref<128x64xf32, #tpu.memory_space<hbm>>
    tpu.wait_dma2 semaphore(%arg27 : memref<!tpu.dma_semaphore, #tpu.memory_space<semaphore_mem>>) src(%arg32 : memref<128x64xf32, #tpu.memory_space<vmem>>) dst(%dma_wait3A_480 : memref<128x64xf32, #tpu.memory_space<hbm>>)
    return
  }
}

</mosaic_0001>

<sc_bundles>
// kernel: kernel.3.cloned.1.call-start
scs
__scs_entry_jumppad:
0x0: {  	(pc) =	sbr.rel $0x88, $3  }
0x1: {  	(tag) =	ssettag $0x0;
	lr =	simm.s32 $0x1  }
0x2: {  	[smem:$0x3F9C] =	sst lr;
	_ =	strace $0xD0000000  }
0x3: {  	_ = 	snop  }
0x4: {  	_ = 	snop  }
0x5: {  	_ = 	snop  }
0x6: {  	_ = 	snop  }
0x7: {  	_ = 	snop  }
__scs_overlays_trampoline_lowered:
0x8: {  	[smem:$0x3FAB] =	sst s0  }
0x9: {  	[smem:$0x3FAC] =	sst s1  }
0xa: {  	[smem:$0x3FAD] =	sst s2  }
0xb: {  	[smem:$0x3FAE] =	sst s3  }
0xc: {  	[smem:$0x3FAF] =	sst s4  }
0xd: {  	[smem:$0x3FB0] =	sst s5  }
0xe: {  	[smem:$0x3FB1] =	sst s6  }
0xf: {  	[smem:$0x3FB2] =	sst s7  }
0x10: {  	[smem:$0x3FB3] =	sst s8  }
0x11: {  	[smem:$0x3FB4] =	sst s9;
	s0 =	simm.s32 @!p0 $0x0  }
0x12: {  	s1 =	sld [smem:$0x3F9A];
	s0 =	simm.s32 @p0 $0x1  }
0x13: {  	[smem:$0x3FB5] =	sst s0;
	s0 =	simm.s32 @!p1 $0x0  }
0x14: {  	s2 =	sld [smem:$0x3F99];
	s0 =	simm.s32 @p1 $0x1  }
0x15: {  	[smem:$0x3FB6] =	sst s0;
	s0 =	simm.s32 @!p2 $0x0  }
0x16: {  	s3 =	sld [smem:$0x3FDB];
	s0 =	simm.s32 @p2 $0x1  }
0x17: {  	s4 =	simm.s32 $0x1BF5;
	[smem:$0x3FB8] =	sst s0  }
0x18: {  	s0 =	sld [smem:$0x3F9B];
	_ =	swait.ge [sflag:s4], $0x0  }
0x19: {  	s7 =	sld [smem:$0x3F9C]  }
0x1a: {  	s8 =	sadd.s32 $0xFFFFE003, lr  }
0x1b: {  	s9 =	sadd.s32 $0xFFFFFEF7, lr;
	s5 =	simm.s32 $0xFFFFFFFF;
	p2 =	slt.u32 s8, $0xFFFFF086  }
0x1c: {  	p1 =	slt.u32 s9, $0xF7A;
	s5 =	simm.s32 @!p2 $0x0  }
0x1d: {  	s5 =	simm.s32 @p1 $0x1;
	p0 =	seq.s32 s7, s2  }
0x1e: {  	s7 =	smul.u32 @!p0 $0xF7A, s2;
	p2 =	seq.s32 @!p0 s5, $0x0  }
0x1f: {  	s9 =	smul.u32 $0xF7A, s1;
	s8 =	simm.s32 @!p0 $0x1BF5;
	p2 =	por !p2, p0  }
0x20: {  	[sflag:s8] =	ssyncset.s32 @!p0 $0xFFFFF086;
	s6 =	sadd.s32 @!p0 s3, s7;
	s7 =	simm.s32 @!p0 $0x108  }
0x21: {  	s3 =	sadd.s32 s3, s9;
	s6 =	sadd.s32 @!p0 $0x88, s6;
	s7 =	simm.s32 @p2 $0x1082  }
0x22: {  	[simem:s7], [sflag:s8] =	dma.local @!p0 [hbm:s6], $0xF7A  }
0x23: {  	s9 =	sor.u32 $0xD0000000, s2;
	s6 =	simm.s32 $0x108;
	_ =	swait.ge @!p0 [sflag:s8], $0x0  }
0x24: {  	s3 =	sadd.s32 $0x88, s3;
	s6 =	simm.s32 @!p1 $0x1082;
	[sflag:s4] =	ssyncset.s32 $0xFFFFF086  }
0x25: {  	[simem:s6], [sflag:s4] =	dma.local [hbm:s3], $0xF7A  }
0x26: {  	[smem:$0x3F9C] =	sst s1;
	(tag) =	ssettag s2;
	_ =	strace s9  }
0x27: {  	s1 =	sld [smem:$0x3FAC]  }
0x28: {  	s2 =	sld [smem:$0x3FAD]  }
0x29: {  	s4 =	sld [smem:$0x3FAF]  }
0x2a: {  	p0 =	seq.s32 s5, $0x0;
	s5 =	sld [smem:$0x3FB0]  }
0x2b: {  	s6 =	sld [smem:$0x3FB1]  }
0x2c: {  	s7 =	sld [smem:$0x3FB2]  }
0x2d: {  	s3 =	simm.s32 $0x108;
	s8 =	sld [smem:$0x3FB3]  }
0x2e: {  	s3 =	simm.s32 @!p0 $0x1082;
	s9 =	sld [smem:$0x3FB4]  }
0x2f: {  	lr =	sadd.s32 s0, s3;
	s0 =	sld [smem:$0x3FAB]  }
0x30: {  	s3 =	sld [smem:$0x3FAE]  }
0x31: {  	[smem:$0x3FB7] =	sst s10  }
0x32: {  	s10 =	sld [smem:$0x3FB5];
	_ =	sdelay $0x3  }
0x33: {  	p0 =	seq.s32 s10, $0x1;
	s10 =	sld [smem:$0x3FB7];
	_ =	sdelay $0x3  }
0x34: {  	[smem:$0x3FB7] =	sst s10  }
0x35: {  	s10 =	sld [smem:$0x3FB6];
	_ =	sdelay $0x3  }
0x36: {  	p1 =	seq.s32 s10, $0x1;
	s10 =	sld [smem:$0x3FB7];
	_ =	sdelay $0x3  }
0x37: {  	[smem:$0x3FB7] =	sst s10  }
0x38: {  	s10 =	sld [smem:$0x3FB8]  }
0x39: {  	_ = 	snop;
	(pc) =	sbr.ind lr, $3  }
0x3a: {  	_ = 	snop  }
0x3b: {  	_ = 	snop  }
0x3c: {  	p2 =	seq.s32 s10, $0x1;
	s10 =	sld [smem:$0x3FB7]  }
0x3d: {  	_ =	shalt  }
0x3e: {  	_ =	shalt  }
0x3f: {  	_ =	shalt  }
0x40: {  	_ =	shalt  }
0x41: {  	_ =	shalt  }
0x42: {  	_ =	shalt  }
0x43: {  	_ =	shalt  }
0x44: {  	_ =	shalt  }
0x45: {  	_ =	shalt  }
0x46: {  	_ =	shalt  }
0x47: {  	_ =	shalt  }
0x48: {  	_ =	shalt  }
0x49: {  	_ =	shalt  }
0x4a: {  	_ =	shalt  }
0x4b: {  	_ =	shalt  }
0x4c: {  	_ =	shalt  }
0x4d: {  	_ =	shalt  }
0x4e: {  	_ =	shalt  }
0x4f: {  	_ =	shalt  }
0x50: {  	_ =	shalt  }
0x51: {  	_ =	shalt  }
0x52: {  	_ =	shalt  }
0x53: {  	_ =	shalt  }
0x54: {  	_ =	shalt  }
0x55: {  	_ =	shalt  }
0x56: {  	_ =	shalt  }
0x57: {  	_ =	shalt  }
0x58: {  	_ =	shalt  }
0x59: {  	_ =	shalt  }
0x5a: {  	_ =	shalt  }
0x5b: {  	_ =	shalt  }
0x5c: {  	_ =	shalt  }
0x5d: {  	_ =	shalt  }
0x5e: {  	_ =	shalt  }
0x5f: {  	_ =	shalt  }
0x60: {  	_ =	shalt  }
0x61: {  	_ =	shalt  }
0x62: {  	_ =	shalt  }
0x63: {  	_ =	shalt  }
0x64: {  	_ =	shalt  }
0x65: {  	_ =	shalt  }
0x66: {  	_ =	shalt  }
0x67: {  	_ =	shalt  }
0x68: {  	_ =	shalt  }
0x69: {  	_ =	shalt  }
0x6a: {  	_ =	shalt  }
0x6b: {  	_ =	shalt  }
0x6c: {  	_ =	shalt  }
0x6d: {  	_ =	shalt  }
0x6e: {  	_ =	shalt  }
0x6f: {  	_ =	shalt  }
0x70: {  	_ =	shalt  }
0x71: {  	_ =	shalt  }
0x72: {  	_ =	shalt  }
0x73: {  	_ =	shalt  }
0x74: {  	_ =	shalt  }
0x75: {  	_ =	shalt  }
0x76: {  	_ =	shalt  }
0x77: {  	_ =	shalt  }
0x78: {  	_ =	shalt  }
0x79: {  	_ =	shalt  }
0x7a: {  	_ =	shalt  }
0x7b: {  	_ =	shalt  }
0x7c: {  	_ =	shalt  }
0x7d: {  	_ =	shalt  }
0x7e: {  	_ =	shalt  }
0x7f: {  	_ =	shalt  }
0x80: {  	_ =	shalt  }
0x81: {  	_ =	shalt  }
0x82: {  	_ =	shalt  }
0x83: {  	_ =	shalt  }
0x84: {  	_ =	shalt  }
0x85: {  	_ =	shalt  }
0x86: {  	_ =	shalt  }
0x87: {  	_ =	shalt  }
.Lfunc_end0:
.L_simem_size_0:
called_computation.1_lowered:
.L_overlay_start_0:
0x88: {  	s2 =	sld [smem:$0x3FD9]  }
0x89: {  	s3 =	sld [smem:$0x3FFE];
	_ =	sdelay $0x1  }
0x8a: {  	s1 =	srdreg.scid  }
0x8b: {  	s0 =	sand.u32 $0x1, s1  }
0x8c: {  	s17 =	sshll.u32 s0, $0xA;
	s2 =	sadd.s32 s3, s2  }
0x8d: {  	s2 =	sadd.s32 s2, s17  }
0x8e: {  	[smem:$0x3FC3] =	sst s2  }
0x8f: {  	_ = 	snop  }
0x90: {  	s2 =	sld [smem:$0x3FD0];
	(tm) =	ssettm $0x1  }
0x91: {  	s18 =	sld [smem:$0x3FFB];
	_ =	sdelay $0x3  }
0x92: {  	_ =	strace s18  }
0x93: {  	s3 =	sld [smem:$0x3FFC];
	_ =	sdelay $0x3  }
0x94: {  	_ =	strace s3  }
0x95: {  	s3 =	sld [smem:$0x3FFD];
	_ =	sdelay $0x3  }
0x96: {  	_ =	strace s3  }
0x97: {  	_ =	strace $0x8FFFFFFF  }
0x98: {  	s19 =	sld [smem:$0x3FDB];
	_ =	sdelay $0x1  }
0x99: {  	s4 =	simm.s32 $_scs_section_size  }
0x9a: {  	s5 =	simm.s32 $_size__tile_overlayer_lowered;
	s6 =	simm.s32 $_tile_overlayer_lowered  }
0x9b: {  	s22 =	simm.s32 $0x1BFF;
	s21 =	sshll.u32 s6, $0x1;
	s3 =	sadd.s32 s4, s19  }
0x9c: {  	s7 =	simm.s32 $0x0;
	s20 =	sshll.u32 s5, $0x1;
	s5 =	sadd.s32 s21, s3  }
0x9d: {  	[timem:s7], [sflag:s22] =	dma.local [hbm:s5], s20  }
0x9e: {  	_ =	swait.ge [sflag:s22], s20  }
0x9f: {  	s4 =	ssub.s32 $0x0, s20;
	[sflag:s22] =	ssyncset.done $0x0  }
0xa0: {  	[sflag:s22] =	ssyncadd.s32 s4;
	_ =	sdelay $0x1  }
0xa1: {  	s23 =	simm.s32 $0x1B8B  }
0xa2: {  	_ =	swait.ge [sflag:s23], $0x1  }
0xa3: {  	[sflag:s23] =	ssyncset.done $0x0  }
0xa4: {  	s25 =	simm.s32 $0x1B8E;
	s24 =	sld [smem:$0x3FFE];
	[sflag:s23] =	ssyncadd.s32 $0xFFFFFFFF  }
0xa5: {  	s26 =	simm.s32 $execute0_lowered;
	[smem:$0x3FD2] =	sst s25  }
0xa6: {  	s5 =	sshll.u32 s26, $0x1;
	_ =	strace $0x80000046;
	[dreg:$0x1] =	wrdreg $0xFFFFFFFF  }
0xa7: {  	s28 =	simm.s32 $_size_execute0_lowered;
	s3 =	sadd.s32 s3, s5;
	[dreg:$0x0] =	wrdreg $0x0  }
0xa8: {  	s5 =	sshll.u32 s28, $0x1;
	[dreg:$0x2] =	wrdreg s3  }
0xa9: {  	[dreg:$0x3] =	wrdreg s5  }
0xaa: {  	[dreg:$0x4] =	wrdreg $0xC0  }
0xab: {  	_ =	task [dreg:s7], $0x5FFFF  }
0xac: {  	[dreg:$0x1] =	wrdreg $0xFFFFFFFF  }
0xad: {  	[dreg:$0x0] =	wrdreg $0x60  }
0xae: {  	[dreg:$0x2] =	wrdreg s24  }
0xaf: {  	[dreg:$0x3] =	wrdreg s2  }
0xb0: {  	[dreg:$0x4] =	wrdreg $0x2800  }
0xb1: {  	[dreg:$0x5] =	wrdreg $0x9  }
0xb2: {  	_ =	task.clear_ibuf [dreg:s7], $0x6FFFF;
	_ =	strace $0x90000046  }
0xb3: {  	s29 =	simm.s32 $0x9;
	_ =	strace $0x80000048  }
0xb4: {  	_ =	swait.ge [sflag:s29], $0x1  }
0xb5: {  	[sflag:s29] =	ssyncadd.s32 $0xFFFFFFFF  }
0xb6: {  	_ =	strace $0x90000048  }
0xb7: {  	_ =	sfence  }
0xb8: {  	s30 =	sld [smem:$0x0];
	_ =	sdelay $0x2  }
0xb9: {  	s31 =	sshll.u32 s1, $0xD;
	s1 =	sshrl.u32 s1, $0x2  }
0xba: {  	s3 =	sand.u32 $0x4000, s31;
	s1 =	sadd.s32 s1, s30  }
0xbb: {  	s0 =	sor.u32 s3, s0;
	s1 =	sshll.u32 s1, $0x11  }
0xbc: {  	s0 =	sor.u32 s1, s0  }
0xbd: {  	s0 =	sadd.s32 $0x8F2B, s0  }
0xbe: {  	[sflag:s0] =	ssyncadd.remote.s32 $0x1  }
0xbf: {  	_ =	sfence.sel $0xFFFF  }
0xc0: {  	[dreg:$0x0] =	wrdreg $0xFFFFFFFF;
	(pc) =	sbr.abs _section_cstart, $3  }
0xc1: {  	[dreg:$0x1] =	wrdreg $0xFFFFFFFF  }
0xc2: {  	_ =	task.clear_ibuf [dreg:s7], $0x2FFFF;
	_ =	strace $0x9FFFFFFF  }
0xc3: {  	(tm) =	ssettm $0x7FFFFFFF  }
tec
execute0_lowered:
.L_overlay_start_1:
0x0: {  	(tag) =	ssettag $0x1  }
0x1: {  	s1 =	srdreg.scid;
	s0 =	stileid.u32  }
0x2: {  	s7 =	rddreg [dreg:$0x0];
	s3 =	sand.u32 $0x1, s1;
	s24 =	sshll.u32 s0, $0x1  }
0x3: {  	s4 =	rddreg [dreg:$0x1];
	s2 =	simm.s32 $0x0;
	s1 =	sor.u32 s3, s24  }
0x4: {  	[smem:$0x7FF] =	sst s2;
	s13 =	sadd.s32 $0x1600, s7;
	s6 =	smul.u32 $0x1900, s1  }
0x5: {  	s14 =	sadd.s32 $0x7A00, s7;
	s9 =	ssub.s32 $0x2, s3;
	s1 =	rddreg [dreg:$0x2]  }
0x6: {  	v0 =	vlaneseq.u32;
	_ =	strace $0x80000047;
	s28 =	sshrl.u32 s9, $0x1;
	s5 =	sor.u32 $0x10, s6  }
0x7: {  	v1 =	vor.u32 s6, v0;
	s25 =	sor.u32 $0x20, s6;
	s26 =	sor.u32 $0x30, s6;
	s8 =	sor.u32 $0x40, s6  }
0x8: {  	s10 =	sshrl.u32 s6, $0x3;
	s11 =	sor.u32 $0x50, s6;
	s16 =	sor.u32 $0x80, s6;
	v2 =	vmulhi.u32 $0x51EB851F, v1;
	v3 =	vor.u32 s5, v0  }
0x9: {  	s17 =	sor.u32 $0x60, s6;
	s19 =	sor.u32 $0x70, s6;
	v5 =	vor.u32 s25, v0;
	s5 =	sadd.s32 $0xDE00, s7;
	v4 =	vmulhi.u32 $0x51EB851F, v3  }
0xa: {  	v8 =	vor.u32 s8, v0;
	s7 =	sadd.s32 $0x800, s7;
	s12 =	sadd.s32 s13, s10;
	s15 =	sadd.s32 s14, s10;
	v6 =	vmulhi.u32 $0x51EB851F, v5  }
0xb: {  	v10 =	vor.u32 s11, v0;
	s18 =	sshrl.u32 s16, $0x3;
	s23 =	sadd.s32 $0x30, s10;
	v9 =	vmulhi.u32 $0x51EB851F, v8;
	[dreg:$0x6] =	wrdreg s7  }
0xc: {  	v13 =	vor.u32 s17, v0;
	v15 =	vor.u32 s19, v0;
	s25 =	sadd.s32 $0x40, s10;
	s19 =	sor.u32 $0xF0, s6;
	[dreg:$0x7] =	wrdreg s12;
	v11 =	vmulhi.u32 $0x51EB851F, v10  }
0xd: {  	s7 =	ssub.s32 s9, s28;
	[dreg:$0x8] =	wrdreg s15;
	s15 =	sadd.s32 s13, s18;
	v14 =	vmulhi.u32 $0x51EB851F, v13  }
0xe: {  	v7 =	vor.u32 s26, v0;
	s11 =	sadd.s32 s14, s18;
	v16 =	vmulhi.u32 $0x51EB851F, v15;
	s24 =	sadd.s32 s13, s23;
	s18 =	sor.u32 $0xE0, s6  }
0xf: {  	s12 =	sadd.s32 $0x100, s6;
	s9 =	sadd.s32 s14, s23;
	v18 =	vor.u32 s19, v0;
	v2 =	vshrl.u32 v2, $0x6;
	[dreg:$0xd] =	wrdreg s24;
	v17 =	vor.u32 s18, v0  }
0x10: {  	s10 =	sadd.s32 s13, s25;
	[dreg:$0xe] =	wrdreg s9;
	v21 =	vor.u32 s12, v0;
	v2 =	vmul.u32 $0xC8, v2;
	v4 =	vshrl.u32 v4, $0x6  }
0x11: {  	s9 =	sadd.s32 s14, s25;
	s24 =	sadd.s32 $0x130, s6;
	s25 =	sadd.s32 $0x140, s6;
	v6 =	vshrl.u32 v6, $0x6;
	v9 =	vshrl.u32 v9, $0x6;
	v11 =	vshrl.u32 v11, $0x6  }
0x12: {  	s20 =	sshrl.u32 s12, $0x3;
	v20 =	vor.u32 s24, v0;
	v25 =	vor.u32 s25, v0;
	v59 =	vmulhi.u32 $0x51EB851F, v17  }
0x13: {  	s21 =	sadd.s32 s13, s20;
	v4 =	vmul.u32 $0xC8, v4;
	v6 =	vmul.u32 $0xC8, v6;
	v32 =	vmulhi.u32 $0x51EB851F, v25  }
0x14: {  	s22 =	sadd.s32 s14, s20;
	v9 =	vmul.u32 $0xC8, v9;
	[dreg:$0xb] =	wrdreg s21;
	s21 =	sadd.s32 $0x110, s6;
	v1 =	vsub.s32 v1, v2;
	v2 =	vmulhi.u32 $0x51EB851F, v7  }
0x15: {  	[dreg:$0xc] =	wrdreg s22;
	v11 =	vmul.u32 $0xC8, v11;
	s22 =	sadd.s32 $0x120, s6;
	v31 =	vmulhi.u32 $0x51EB851F, v20;
	v23 =	vor.u32 s21, v0  }
0x16: {  	v19 =	vor.u32 s22, v0;
	v61 =	vshrl.u32 v32, $0x6;
	v2 =	vshrl.u32 v2, $0x6  }
0x17: {  	v12 =	vmul.u32 $0xC8, v2;
	v2 =	vsub.s32 v3, v4;
	v3 =	vsub.s32 v5, v6  }
0x18: {  	s30 =	simm.s32 $0x28C0;
	s26 =	sor.u32 $0x90, s6;
	s28 =	sor.u32 $0xA0, s6;
	v5 =	vsub.s32 v8, v9;
	v6 =	vsub.s32 v10, v11;
	v8 =	vshrl.u32 v16, $0x6  }
0x19: {  	[dreg:$0x5] =	wrdreg s14;
	s17 =	sor.u32 $0xD0, s6;
	s23 =	smul.u32 $0x1900, s3;
	v9 =	vor.u32 s16, v0;
	v10 =	vor.u32 s26, v0;
	v11 =	vor.u32 s28, v0  }
0x1a: {  	[dreg:$0x9] =	wrdreg s15;
	v16 =	vor.u32 s17, v0;
	s26 =	sadd.s32 $0x150, s6;
	s28 =	sadd.s32 $0x160, s6;
	v22 =	vmulhi.u32 $0x51EB851F, v9;
	v8 =	vmul.u32 $0xC8, v8  }
0x1b: {  	s15 =	sor.u32 $0xB0, s6;
	s16 =	sor.u32 $0xC0, s6;
	s6 =	sadd.s32 $0x170, s6;
	v24 =	vmulhi.u32 $0x51EB851F, v10;
	v26 =	vor.u32 s26, v0;
	v27 =	vor.u32 s28, v0  }
0x1c: {  	s29 =	simm.s32 $0x12;
	[dreg:$0x4] =	wrdreg s13;
	s20 =	smul.u32 $0x3200, s0;
	v28 =	vmulhi.u32 $0x51EB851F, v11;
	v29 =	vor.u32 s6, v0;
	v4 =	vsub.s32 v7, v12  }
0x1d: {  	p0 =	sne.s32 s0, $0x0;
	s3 =	smul.u32 $0xC800, s3;
	[dreg:$0xa] =	wrdreg s11;
	v7 =	vshrl.u32 v14, $0x6;
	v12 =	vor.u32 s15, v0;
	v14 =	vor.u32 s16, v0  }
0x1e: {  	[dreg:$0xf] =	wrdreg s10;
	s7 =	smax.u32 s7, $0x1;
	s17 =	sadd.s32 s23, s20;
	v7 =	vmul.u32 $0xC8, v7;
	v22 =	vshrl.u32 v22, $0x6;
	v24 =	vshrl.u32 v24, $0x6  }
0x1f: {  	s11 =	smul.u32 $0x19000, s0;
	[dreg:$0x10] =	wrdreg s9;
	s9 =	sadd.s32 $0x480, s17;
	v8 =	vsub.s32 v15, v8;
	v15 =	vmulhi.u32 $0x51EB851F, v14;
	v22 =	vmul.u32 $0xC8, v22  }
0x20: {  	[dreg:$0x11] =	wrdreg s7;
	s10 =	sshll.u32 s17, $0x3;
	s7 =	sshrl.u32 s9, $0x3;
	v7 =	vsub.s32 v13, v7;
	v13 =	vmul.u32 $0xC8, v24;
	v24 =	vmulhi.u32 $0x51EB851F, v12  }
0x21: {  	s12 =	sadd.s32 $0x400, s17;
	s8 =	sadd.s32 s4, s10;
	s15 =	sadd.s32 s7, s14;
	v15 =	vshrl.u32 v15, $0x6;
	v9 =	vsub.s32 v9, v22;
	v22 =	vmulhi.u32 $0x51EB851F, v16  }
0x22: {  	s4 =	sadd.s32 s11, s4;
	s7 =	sadd.s32 s7, s13;
	[dreg:$0x12] =	wrdreg s15;
	v15 =	vmul.u32 $0xC8, v15;
	v10 =	vsub.s32 v10, v13;
	v13 =	vshrl.u32 v28, $0x6  }
0x23: {  	s6 =	sshrl.u32 s12, $0x3;
	s3 =	sadd.s32 s3, s4;
	[dreg:$0x13] =	wrdreg s7;
	v24 =	vshrl.u32 v24, $0x6;
	v13 =	vmul.u32 $0xC8, v13;
	v22 =	vshrl.u32 v22, $0x6  }
0x24: {  	s18 =	sadd.s32 $0x380, s17;
	v62 =	vmulhi.u32 $0x51EB851F, v29;
	s16 =	sadd.s32 s6, s14;
	[dreg:$0x14] =	wrdreg s3;
	v24 =	vmul.u32 $0xC8, v24;
	v22 =	vmul.u32 $0xC8, v22  }
0x25: {  	s0 =	sshrl.u32 s18, $0x3;
	s20 =	sadd.s32 s6, s13;
	[dreg:$0x15] =	wrdreg s16;
	v11 =	vsub.s32 v11, v13;
	v13 =	vsub.s32 v14, v15;
	v15 =	vmulhi.u32 $0x51EB851F, v18  }
0x26: {  	s31 =	simm.s32 $0x13;
	s21 =	sadd.s32 s0, s14;
	[dreg:$0x16] =	wrdreg s20;
	v12 =	vsub.s32 v12, v24;
	v24 =	vmulhi.u32 $0x51EB851F, v23;
	v14 =	vsub.s32 v16, v22  }
0x27: {  	s19 =	sadd.s32 $0x300, s17;
	s0 =	sadd.s32 s0, s13;
	[dreg:$0x17] =	wrdreg s21;
	v16 =	vshrl.u32 v59, $0x6;
	v22 =	vmulhi.u32 $0x51EB851F, v21;
	v15 =	vshrl.u32 v15, $0x6  }
0x28: {  	s11 =	simm.s32 $0x8C0;
	s24 =	sadd.s32 $0x800, s8;
	[dreg:$0x18] =	wrdreg s0;
	v16 =	vmul.u32 $0xC8, v16;
	v24 =	vshrl.u32 v24, $0x6;
	v60 =	vmul.u32 $0xC8, v15  }
0x29: {  	s18 =	simm.s32 $0x11;
	s25 =	sadd.s32 $0x1000, s8;
	[dreg:$0x1b] =	wrdreg s24;
	v15 =	vshrl.u32 v22, $0x6;
	v22 =	vmulhi.u32 $0x51EB851F, v19;
	v24 =	vmul.u32 $0xC8, v24  }
0x2a: {  	s26 =	sadd.s32 $0x400, s8;
	s28 =	sadd.s32 $0xC00, s8;
	[dreg:$0x1c] =	wrdreg s25;
	v30 =	vmul.u32 $0xC8, v15;
	v15 =	vsub.s32 v17, v16;
	v16 =	vsub.s32 v18, v60  }
0x2b: {  	s6 =	simm.s32 $0x48C0;
	s8 =	simm.s32 $0xA;
	[dreg:$0x1d] =	wrdreg s26;
	v18 =	vsub.s32 v23, v24;
	v22 =	vshrl.u32 v22, $0x6;
	v23 =	vmulhi.u32 $0x51EB851F, v27  }
0x2c: {  	s4 =	simm.s32 $0x0;
	s3 =	sshrl.u32 s19, $0x3;
	[dreg:$0x1e] =	wrdreg s28;
	v24 =	vshrl.u32 v31, $0x6;
	v17 =	vsub.s32 v21, v30;
	v21 =	vmulhi.u32 $0x51EB851F, v26  }
.Ltmp0:
0x2d: {  	s15 =	simm.s32 $0x80;
	s7 =	simm.s32 $0x7;
	v28 =	vmul.u32 $0xC8, v61;
	v22 =	vmul.u32 $0xC8, v22;
	v24 =	vmul.u32 $0xC8, v24;
	(pc) =	sbr.rel .LBB2_1-.Ltmp0, $4  }
0x2e: {  	s19 =	simm.s32 $0x2;
	s20 =	simm.s32 $0x8;
	s24 =	simm.s32 $0x9;
	v30 =	vshrl.u32 v62, $0x6;
	v23 =	vshrl.u32 v23, $0x6;
	v21 =	vshrl.u32 v21, $0x6  }
0x2f: {  	s25 =	simm.s32 $0x5;
	s22 =	sadd.s32 s3, s14;
	s23 =	sadd.s32 s3, s13;
	v30 =	vmul.u32 $0xC8, v30;
	v23 =	vmul.u32 $0xC8, v23;
	v63 =	vmul.u32 $0xC8, v21  }
0x30: {  	s14 =	simm.s32 $0x10;
	s13 =	simm.s32 $0x14;
	[dreg:$0x19] =	wrdreg s22;
	v19 =	vsub.s32 v19, v22;
	v20 =	vsub.s32 v20, v24;
	v21 =	vsub.s32 v25, v28  }
0x31: {  	[dreg:$0x1a] =	wrdreg s23;
	s23 =	simm.s32 $0x3;
	s22 =	simm.s32 $0x4;
	v24 =	vsub.s32 v29, v30;
	v23 =	vsub.s32 v27, v23;
	v22 =	vsub.s32 v26, v63  }
.LBB2_12:
0x32: {  	s0 =	simm.s32 $0xB  }
0x33: {  	_ =	swait.ge [sflag:s0], $0x2000  }
0x34: {  	[sflag:s0] =	ssyncset.done $0x0  }
0x35: {  	s16 =	simm.s32 $0xC;
	[sflag:s0] =	ssyncadd.s32 $0xFFFFE000  }
0x36: {  	_ =	swait.ge [sflag:s16], $0x2000  }
0x37: {  	[sflag:s16] =	ssyncset.done $0x0  }
0x38: {  	s21 =	simm.s32 $0xD;
	[sflag:s16] =	ssyncadd.s32 $0xFFFFE000  }
0x39: {  	_ =	swait.ge [sflag:s21], $0x2000  }
0x3a: {  	[sflag:s21] =	ssyncset.done $0x0  }
0x3b: {  	s26 =	simm.s32 $0xE;
	[sflag:s21] =	ssyncadd.s32 $0xFFFFE000  }
0x3c: {  	_ =	swait.ge [sflag:s26], $0x2000  }
0x3d: {  	[sflag:s26] =	ssyncset.done $0x0  }
0x3e: {  	s3 =	simm.s32 $0xF;
	[sflag:s26] =	ssyncadd.s32 $0xFFFFE000  }
0x3f: {  	_ =	swait.ge [sflag:s3], $0x2000  }
0x40: {  	s4 =	rddreg [dreg:$0x1f]  }
0x41: {  	s28 =	rddreg [dreg:$0x11];
	s4 =	sadd.s32 $0x1, s4  }
0x42: {  	p1 =	sne.s32 s4, s28  }
.Ltmp1:
0x43: {  	_ = 	snop;
	(pc) =	sbr.rel @!p1 .LBB2_13-.Ltmp1, $3  }
0x44: {  	_ =	sdelay $0x1  }
0x45: {  	[sflag:s3] =	ssyncset.done $0x0  }
0x46: {  	[sflag:s3] =	ssyncadd.s32 $0xFFFFE000  }
.LBB2_1:
0x47: {  	[dreg:$0x1f] =	wrdreg s4  }
0x48: {  	s3 =	sshrl.u32 @!p0 s1, $0x3;
	s4 =	simm.s32 @!p0 $0x1C15;
	s0 =	rddreg [dreg:$0x6]  }
0x49: {  	[spmem:s3], [sflag:s4] =	dma.local @!p0 [hbm:s0], $0xC80  }
0x4a: {  	s3 =	simm.s32 @!p0 $0x15  }
0x4b: {  	_ =	swait.ge @!p0 [sflag:s3], $0xC80  }
0x4c: {  	[sflag:s3] =	ssyncset.done @!p0 $0x0  }
0x4d: {  	[sflag:s3] =	ssyncadd.s32 @!p0 $0xFFFFF380  }
0x4e: {  	[bflag:$0x0] =	sbarrier.arrive $0xFFFF  }
0x4f: {  	s3 =	simm.s32 $0xAB40;
	s4 =	rddreg [dreg:$0x7]  }
0x50: {  	[tilespmem:s3], [sflag:$0x10] =	stream.linear.gather [hbm4b:s4+s2], $0x80, $0x38;
	[tilespmem:$0xADC0] =	vst v63  }
0x51: {  	s10 =	simm.s32 $0xA8C0;
	s9 =	rddreg [dreg:$0x8]  }
0x52: {  	[tilespmem:s10], [sflag:$0x10] =	stream.linear.gather [hbm4b:s9+s2], $0x80, $0x38;
	[tilespmem:$0xADC0] =	vst v63  }
0x53: {  	s12 =	rddreg [dreg:$0x9];
	s4 =	simm.s32 $0xABC0  }
0x54: {  	[tilespmem:s4], [sflag:$0x11] =	stream.linear.gather [hbm4b:s12+s2], $0x80, $0x38;
	[tilespmem:$0xADC0] =	vst v63  }
0x55: {  	s16 =	rddreg [dreg:$0xa];
	s9 =	simm.s32 $0xA940  }
0x56: {  	[tilespmem:s9], [sflag:$0x11] =	stream.linear.gather [hbm4b:s16+s2], $0x80, $0x38;
	[tilespmem:$0xADC0] =	vst v63  }
0x57: {  	s21 =	rddreg [dreg:$0xb];
	s9 =	simm.s32 $0xAC40  }
0x58: {  	[tilespmem:s9], [sflag:$0x12] =	stream.linear.gather [hbm4b:s21+s2], $0x80, $0x38;
	[tilespmem:$0xADC0] =	vst v63  }
0x59: {  	s26 =	rddreg [dreg:$0xc];
	s10 =	simm.s32 $0xA9C0  }
0x5a: {  	[tilespmem:s10], [sflag:$0x12] =	stream.linear.gather [hbm4b:s26+s2], $0x80, $0x38;
	[tilespmem:$0xADC0] =	vst v63  }
0x5b: {  	s12 =	rddreg [dreg:$0xd];
	s16 =	simm.s32 $0xACC0  }
0x5c: {  	[tilespmem:s16], [sflag:$0x13] =	stream.linear.gather [hbm4b:s12+s2], $0x80, $0x38;
	[tilespmem:$0xADC0] =	vst v63  }
0x5d: {  	s21 =	rddreg [dreg:$0xe];
	s26 =	simm.s32 $0xAA40  }
0x5e: {  	[tilespmem:s26], [sflag:$0x13] =	stream.linear.gather [hbm4b:s21+s2], $0x80, $0x38;
	[tilespmem:$0xADC0] =	vst v63  }
0x5f: {  	s12 =	rddreg [dreg:$0xf];
	s16 =	simm.s32 $0xAD40  }
0x60: {  	[tilespmem:s16], [sflag:$0x14] =	stream.linear.gather [hbm4b:s12+s2], $0x80, $0x38;
	[tilespmem:$0xADC0] =	vst v63  }
0x61: {  	s21 =	rddreg [dreg:$0x10];
	s26 =	simm.s32 $0xAAC0  }
0x62: {  	[tilespmem:s26], [sflag:$0x14] =	stream.linear.gather [hbm4b:s21+s2], $0x80, $0x38;
	[tilespmem:$0xADC0] =	vst v63  }
0x63: {  	_ =	swait.ge [sflag:s14], $0x80  }
0x64: {  	[sflag:s14] =	ssyncset.done $0x0  }
0x65: {  	[sflag:s14] =	ssyncadd.s32 $0xFFFFFF80  }
0x66: {  	_ =	swait.ge [sflag:s14], $0x80  }
0x67: {  	[sflag:s14] =	ssyncset.done $0x0  }
0x68: {  	[sflag:s14] =	ssyncadd.s32 $0xFFFFFF80  }
0x69: {  	v25 =	vld [tilespmem:$0xA8C0]  }
0x6a: {  	v26 =	vld [tilespmem:$0xA8D0]  }
0x6b: {  	v27 =	vld [tilespmem:$0xA8E0]  }
0x6c: {  	v28 =	vld [tilespmem:$0xA8F0]  }
0x6d: {  	v29 =	vld [tilespmem:$0xA900]  }
0x6e: {  	v30 =	vld [tilespmem:$0xA910];
	v25 =	vmul.u32 $0xC8, v25  }
0x6f: {  	v31 =	vld [tilespmem:$0xA920];
	v26 =	vmul.u32 $0xC8, v26  }
0x70: {  	v32 =	vld [tilespmem:$0xA930];
	v27 =	vmul.u32 $0xC8, v27;
	v25 =	vadd.s32 v1, v25  }
0x71: {  	[tilespmem:$0x0] =	vst v25;
	v25 =	vadd.s32 v2, v26;
	v26 =	vmul.u32 $0xC8, v28  }
0x72: {  	[tilespmem:$0x10] =	vst v25;
	v25 =	vadd.s32 v3, v27;
	v27 =	vmul.u32 $0xC8, v29  }
0x73: {  	[tilespmem:$0x20] =	vst v25;
	v25 =	vadd.s32 v4, v26;
	v26 =	vmul.u32 $0xC8, v30  }
0x74: {  	[tilespmem:$0x30] =	vst v25;
	v25 =	vadd.s32 v5, v27;
	v27 =	vmul.u32 $0xC8, v31  }
0x75: {  	[tilespmem:$0x40] =	vst v25;
	v25 =	vadd.s32 v6, v26;
	v26 =	vmul.u32 $0xC8, v32  }
0x76: {  	[tilespmem:$0x50] =	vst v25;
	v25 =	vadd.s32 v7, v27  }
0x77: {  	[tilespmem:$0x60] =	vst v25;
	v25 =	vadd.s32 v8, v26  }
0x78: {  	[tilespmem:$0x70] =	vst v25  }
0x79: {  	[tilespmem:s11], [sflag:$0x6] =	stream.indirect.gather [hbm4b:s5+s15], $0x40, s3, s15, $0xb8;
	[tilespmem:$0xADC0] =	vst v63  }
0x7a: {  	_ =	swait.ge [sflag:s18], $0x80  }
0x7b: {  	[sflag:s18] =	ssyncset.done $0x0  }
0x7c: {  	[sflag:s18] =	ssyncadd.s32 $0xFFFFFF80  }
0x7d: {  	_ =	swait.ge [sflag:s18], $0x80  }
0x7e: {  	[sflag:s18] =	ssyncset.done $0x0  }
0x7f: {  	[sflag:s18] =	ssyncadd.s32 $0xFFFFFF80  }
0x80: {  	v25 =	vld [tilespmem:$0xA940]  }
0x81: {  	v26 =	vld [tilespmem:$0xA950]  }
0x82: {  	v27 =	vld [tilespmem:$0xA960]  }
0x83: {  	v54 =	vld [tilespmem:$0xA970]  }
0x84: {  	v55 =	vld [tilespmem:$0xA980]  }
0x85: {  	v56 =	vld [tilespmem:$0xA990];
	v25 =	vmul.u32 $0xC8, v25  }
0x86: {  	v57 =	vld [tilespmem:$0xA9A0];
	v26 =	vmul.u32 $0xC8, v26  }
0x87: {  	v58 =	vld [tilespmem:$0xA9B0];
	v27 =	vmul.u32 $0xC8, v27;
	v25 =	vadd.s32 v9, v25  }
0x88: {  	[tilespmem:$0x80] =	vst v25;
	v25 =	vadd.s32 v10, v26;
	v26 =	vmul.u32 $0xC8, v54  }
0x89: {  	[tilespmem:$0x90] =	vst v25;
	v25 =	vadd.s32 v11, v27;
	v27 =	vmul.u32 $0xC8, v55  }
0x8a: {  	[tilespmem:$0xA0] =	vst v25;
	v25 =	vadd.s32 v12, v26;
	v26 =	vmul.u32 $0xC8, v56  }
0x8b: {  	[tilespmem:$0xB0] =	vst v25;
	v25 =	vadd.s32 v13, v27;
	v27 =	vmul.u32 $0xC8, v57  }
0x8c: {  	[tilespmem:$0xC0] =	vst v25;
	v25 =	vadd.s32 v14, v26;
	v26 =	vmul.u32 $0xC8, v58  }
0x8d: {  	[tilespmem:$0xD0] =	vst v25;
	v25 =	vadd.s32 v15, v27  }
0x8e: {  	[tilespmem:$0xE0] =	vst v25;
	v25 =	vadd.s32 v16, v26  }
0x8f: {  	[tilespmem:$0xF0] =	vst v25  }
0x90: {  	[tilespmem:s30], [sflag:$0x7] =	stream.indirect.gather [hbm4b:s5+s15], $0x40, s4, s15, $0xb8;
	[tilespmem:$0xADC0] =	vst v63  }
0x91: {  	_ =	swait.ge [sflag:s29], $0x80  }
0x92: {  	[sflag:s29] =	ssyncset.done $0x0  }
0x93: {  	[sflag:s29] =	ssyncadd.s32 $0xFFFFFF80  }
0x94: {  	_ =	swait.ge [sflag:s29], $0x80  }
0x95: {  	[sflag:s29] =	ssyncset.done $0x0  }
0x96: {  	[sflag:s29] =	ssyncadd.s32 $0xFFFFFF80  }
0x97: {  	v25 =	vld [tilespmem:$0xA9C0]  }
0x98: {  	v26 =	vld [tilespmem:$0xA9D0]  }
0x99: {  	v27 =	vld [tilespmem:$0xA9E0]  }
0x9a: {  	v59 =	vld [tilespmem:$0xA9F0]  }
0x9b: {  	v60 =	vld [tilespmem:$0xAA00]  }
0x9c: {  	v61 =	vld [tilespmem:$0xAA10];
	v25 =	vmul.u32 $0xC8, v25  }
0x9d: {  	v62 =	vld [tilespmem:$0xAA20];
	v26 =	vmul.u32 $0xC8, v26  }
0x9e: {  	v63 =	vld [tilespmem:$0xAA30];
	v27 =	vmul.u32 $0xC8, v27;
	v25 =	vadd.s32 v17, v25  }
0x9f: {  	[tilespmem:$0x100] =	vst v25;
	v25 =	vadd.s32 v18, v26;
	v26 =	vmul.u32 $0xC8, v59  }
0xa0: {  	[tilespmem:$0x110] =	vst v25;
	v25 =	vadd.s32 v19, v27;
	v27 =	vmul.u32 $0xC8, v60  }
0xa1: {  	[tilespmem:$0x120] =	vst v25;
	v25 =	vadd.s32 v20, v26;
	v26 =	vmul.u32 $0xC8, v61  }
0xa2: {  	[tilespmem:$0x130] =	vst v25;
	v25 =	vadd.s32 v21, v27;
	v27 =	vmul.u32 $0xC8, v62  }
0xa3: {  	s4 =	rddreg [dreg:$0x14];
	[tilespmem:$0x140] =	vst v25;
	v25 =	vadd.s32 v22, v26;
	v26 =	vmul.u32 $0xC8, v63  }
.Ltmp2:
0xa4: {  	s10 =	rddreg [dreg:$0x1e];
	[tilespmem:$0x150] =	vst v25;
	v25 =	vadd.s32 v23, v27;
	(pc) =	sbr.rel .LBB2_2-.Ltmp2, $4  }
0xa5: {  	s12 =	rddreg [dreg:$0x1d];
	[tilespmem:$0x160] =	vst v25;
	v25 =	vadd.s32 v24, v26  }
0xa6: {  	s28 =	simm.s32 $0x0;
	s3 =	rddreg [dreg:$0x1c];
	[tilespmem:$0x170] =	vst v25  }
0xa7: {  	[tilespmem:s6], [sflag:$0x8] =	stream.indirect.gather [hbm4b:s5+s15], $0x40, s9, s15, $0xb8;
	[tilespmem:$0xADC0] =	vst v63  }
0xa8: {  	s16 =	simm.s32 $0x0;
	s26 =	rddreg [dreg:$0x1b];
	s9 =	simm.s32 $0x68C0  }
.LBB2_10:
0xa9: {  	_ =	swait.ge [sflag:s8], $0x2000  }
0xaa: {  	[sflag:s8] =	ssyncset.done $0x0  }
0xab: {  	s21 =	simm.s32 $0x88C0;
	s0 =	simm.s32 $0x200;
	[sflag:s8] =	ssyncadd.s32 $0xFFFFE000  }
0xac: {  	[tilespmem:s21], [sflag:$0x5] =	stream.indirect.gather.add.f32 [spmem:s1], $0x40, s0, s15, $0xb8;
	[tilespmem:$0xADC0] =	vst v63  }
.LBB2_11:
0xad: {  	s16 =	sadd.s32 $0x280, s16  }
0xae: {  	p1 =	sne.s32 s16, $0x1900  }
.Ltmp3:
0xaf: {  	_ =	swait.ge [sflag:s25], $0x2000;
	(pc) =	sbr.rel @!p1 .LBB2_12-.Ltmp3, $4  }
0xb0: {  	s28 =	sadd.s32 $0x50, s28;
	[sflag:s25] =	ssyncset.done $0x0  }
0xb1: {  	s26 =	sadd.s32 $0x1400, s26;
	s12 =	sadd.s32 $0x1400, s12;
	[sflag:s25] =	ssyncadd.s32 $0xFFFFE000  }
0xb2: {  	[hbm4b:s3+s2] =	stream.linear.scatter [tilespmem:s21], [sflag:$0xF], $0x2000, $0x38;
	[tilespmem:$0xADC0] =	vst v63  }
0xb3: {  	s10 =	sadd.s32 $0x1400, s10;
	s4 =	sadd.s32 $0x1400, s4;
	s3 =	sadd.s32 $0x1400, s3  }
.LBB2_2:
0xb4: {  	_ =	swait.ge [sflag:s31], $0x80  }
0xb5: {  	s21 =	sadd.s32 s16, s17;
	[sflag:s31] =	ssyncset.done $0x0  }
0xb6: {  	s30 =	sadd.s32 $0x180, s21;
	[sflag:s31] =	ssyncadd.s32 $0xFFFFFF80  }
0xb7: {  	v26 =	vor.u32 s30, v0;
	s30 =	sadd.s32 $0x190, s21;
	_ =	swait.ge [sflag:s31], $0x80  }
0xb8: {  	v27 =	vmulhi.u32 $0x51EB851F, v26;
	v29 =	vor.u32 s30, v0;
	s30 =	sadd.s32 $0x1A0, s21;
	[sflag:s31] =	ssyncset.done $0x0  }
0xb9: {  	v30 =	vmulhi.u32 $0x51EB851F, v29;
	v32 =	vor.u32 s30, v0;
	s30 =	sadd.s32 $0x1B0, s21;
	[sflag:s31] =	ssyncadd.s32 $0xFFFFFF80  }
0xba: {  	v27 =	vshrl.u32 v27, $0x6;
	v33 =	vmulhi.u32 $0x51EB851F, v32;
	v35 =	vor.u32 s30, v0;
	s30 =	sadd.s32 $0x1C0, s21;
	v25 =	vld [tilespmem:$0xAA40]  }
0xbb: {  	v27 =	vmul.u32 $0xC8, v27;
	v31 =	vld [tilespmem:$0xAA60];
	v42 =	vmulhi.u32 $0x51EB851F, v35;
	v47 =	vor.u32 s30, v0  }
0xbc: {  	v30 =	vshrl.u32 v30, $0x6;
	v34 =	vld [tilespmem:$0xAA70];
	s30 =	sadd.s32 $0x1D0, s21;
	v43 =	vshrl.u32 v33, $0x6;
	v49 =	vmulhi.u32 $0x51EB851F, v47  }
0xbd: {  	v46 =	vld [tilespmem:$0xAA80];
	v53 =	vor.u32 s30, v0;
	s30 =	sadd.s32 $0x1E0, s21;
	v26 =	vsub.s32 v26, v27;
	v27 =	vmul.u32 $0xC8, v30  }
0xbe: {  	v28 =	vld [tilespmem:$0xAA50];
	v44 =	vshrl.u32 v42, $0x6;
	v54 =	vmulhi.u32 $0x51EB851F, v53;
	v36 =	vor.u32 s30, v0;
	s30 =	sadd.s32 $0x1F0, s21  }
0xbf: {  	v55 =	vld [tilespmem:$0xAAA0];
	v51 =	vshrl.u32 v49, $0x6;
	v37 =	vmulhi.u32 $0x51EB851F, v36;
	v39 =	vor.u32 s30, v0  }
0xc0: {  	v27 =	vsub.s32 v29, v27;
	v29 =	vmul.u32 $0xC8, v44;
	v56 =	vshrl.u32 v54, $0x6  }
0xc1: {  	v57 =	vmulhi.u32 $0x51EB851F, v39;
	v25 =	vmul.u32 $0xC8, v25;
	v45 =	vmul.u32 $0xC8, v31  }
0xc2: {  	v52 =	vld [tilespmem:$0xAA90];
	v48 =	vmul.u32 $0xC8, v34;
	v31 =	vmul.u32 $0xC8, v46;
	v58 =	vshrl.u32 v37, $0x6  }
0xc3: {  	v25 =	vadd.s32 v26, v25;
	v26 =	vmul.u32 $0xC8, v28;
	v28 =	vmul.u32 $0xC8, v43  }
0xc4: {  	v38 =	vld [tilespmem:$0xAAB0];
	v60 =	vmul.u32 $0xC8, v55;
	v50 =	vsub.s32 v35, v29;
	v29 =	vmul.u32 $0xC8, v51  }
0xc5: {  	v59 =	vshrl.u32 v57, $0x6;
	[tilespmem:$0x180] =	vst v25;
	v28 =	vsub.s32 v32, v28;
	v26 =	vadd.s32 v27, v26  }
0xc6: {  	v25 =	vsub.s32 v47, v29;
	v27 =	vadd.s32 v28, v45;
	[tilespmem:$0x190] =	vst v26;
	v26 =	vmul.u32 $0xC8, v56  }
0xc7: {  	v29 =	vmul.u32 $0xC8, v58;
	v25 =	vadd.s32 v25, v31;
	[tilespmem:$0x1A0] =	vst v27;
	v27 =	vmul.u32 $0xC8, v52  }
0xc8: {  	v30 =	vmul.u32 $0xC8, v59;
	v28 =	vadd.s32 v50, v48;
	[tilespmem:$0x1C0] =	vst v25;
	v26 =	vsub.s32 v53, v26  }
0xc9: {  	[tilespmem:$0x1B0] =	vst v28;
	v25 =	vadd.s32 v26, v27;
	v26 =	vsub.s32 v36, v29;
	v27 =	vmul.u32 $0xC8, v38  }
0xca: {  	[tilespmem:$0x1D0] =	vst v25;
	v25 =	vadd.s32 v26, v60;
	v26 =	vsub.s32 v39, v30  }
0xcb: {  	p2 =	seq.s32 s16, $0x0;
	[tilespmem:$0x1E0] =	vst v25;
	v25 =	vadd.s32 v26, v27  }
0xcc: {  	s30 =	simm.s32 @!p2 $0xE;
	[tilespmem:$0x1F0] =	vst v25  }
0xcd: {  	_ =	swait.ge @!p2 [sflag:s30], $0x2000  }
0xce: {  	[sflag:s30] =	ssyncset.done @!p2 $0x0  }
0xcf: {  	s0 =	simm.s32 $0xACC0;
	[sflag:s30] =	ssyncadd.s32 @!p2 $0xFFFFE000  }
0xd0: {  	[tilespmem:s9], [sflag:$0x9] =	stream.indirect.gather [hbm4b:s5+s15], $0x40, s0, s15, $0xb8;
	[tilespmem:$0xADC0] =	vst v63  }
0xd1: {  	p1 =	seq.s32 s16, $0x1680;
	s9 =	simm.s32 $0x6  }
0xd2: {  	s30 =	sadd.s32 @!p1 s16, s17;
	_ =	swait.ge [sflag:s9], $0x2000  }
0xd3: {  	s30 =	sadd.s32 @!p1 $0x280, s30;
	[sflag:s9] =	ssyncset.done $0x0  }
0xd4: {  	s0 =	sshrl.u32 @!p1 s30, $0x3;
	[sflag:s9] =	ssyncadd.s32 $0xFFFFE000;
	s9 =	rddreg [dreg:$0x4]  }
0xd5: {  	[tilespmem:s11], [sflag:$0x1] =	stream.indirect.gather.add.f32 [spmem:s1], $0x40, s2, s15, $0xb8;
	[tilespmem:$0xADC0] =	vst v63  }
0xd6: {  	s30 =	simm.s32 @!p1 $0x0;
	s9 =	sadd.s32 @!p1 s9, s0;
	s11 =	simm.s32 @!p1 $0xAB40  }
0xd7: {  	[tilespmem:s11], [sflag:$0x10] =	stream.linear.gather @!p1 [hbm4b:s9+s30], $0x80, $0x38;
	[tilespmem:$0xADC0] =	vst v63  }
0xd8: {  	s9 =	rddreg [dreg:$0x5]  }
0xd9: {  	s0 =	sadd.s32 @!p1 s9, s0;
	s9 =	simm.s32 @!p1 $0xA8C0  }
0xda: {  	[tilespmem:s9], [sflag:$0x10] =	stream.linear.gather @!p1 [hbm4b:s0+s30], $0x80, $0x38;
	[tilespmem:$0xADC0] =	vst v63  }
0xdb: {  	s9 =	simm.s32 $0x1  }
0xdc: {  	_ =	swait.ge [sflag:s9], $0x2000  }
0xdd: {  	[sflag:s9] =	ssyncset.done $0x0  }
0xde: {  	s11 =	simm.s32 $0x8C0;
	[sflag:s9] =	ssyncadd.s32 $0xFFFFE000  }
0xdf: {  	[hbm4b:s4+s2] =	stream.linear.scatter [tilespmem:s11], [sflag:$0xB], $0x2000, $0x38;
	[tilespmem:$0xADC0] =	vst v63  }
0xe0: {  	s9 =	sadd.s32 $0x200, s21;
	_ =	swait.ge [sflag:s13], $0x80  }
0xe1: {  	v26 =	vor.u32 s9, v0;
	s9 =	sadd.s32 $0x210, s21;
	[sflag:s13] =	ssyncset.done $0x0  }
0xe2: {  	v27 =	vmulhi.u32 $0x51EB851F, v26;
	v62 =	vor.u32 s9, v0;
	s9 =	sadd.s32 $0x220, s21;
	[sflag:s13] =	ssyncadd.s32 $0xFFFFFF80  }
0xe3: {  	v63 =	vmulhi.u32 $0x51EB851F, v62;
	v37 =	vor.u32 s9, v0;
	s9 =	sadd.s32 $0x230, s21;
	_ =	swait.ge [sflag:s13], $0x80  }
0xe4: {  	v27 =	vshrl.u32 v27, $0x6;
	v38 =	vmulhi.u32 $0x51EB851F, v37;
	v40 =	vor.u32 s9, v0;
	s9 =	sadd.s32 $0x240, s21;
	[sflag:s13] =	ssyncset.done $0x0  }
0xe5: {  	v27 =	vmul.u32 $0xC8, v27;
	v41 =	vmulhi.u32 $0x51EB851F, v40;
	v46 =	vor.u32 s9, v0;
	[sflag:s13] =	ssyncadd.s32 $0xFFFFFF80  }
0xe6: {  	v30 =	vshrl.u32 v63, $0x6;
	s9 =	sadd.s32 $0x250, s21;
	v42 =	vshrl.u32 v38, $0x6;
	v48 =	vmulhi.u32 $0x51EB851F, v46;
	v25 =	vld [tilespmem:$0xAAC0]  }
0xe7: {  	v52 =	vor.u32 s9, v0;
	v26 =	vsub.s32 v26, v27;
	v27 =	vmul.u32 $0xC8, v30;
	v61 =	vld [tilespmem:$0xAAD0]  }
0xe8: {  	s9 =	sadd.s32 $0x260, s21;
	v28 =	vmul.u32 $0xC8, v42;
	v43 =	vshrl.u32 v41, $0x6;
	v53 =	vmulhi.u32 $0x51EB851F, v52;
	v36 =	vld [tilespmem:$0xAAE0]  }
0xe9: {  	v55 =	vor.u32 s9, v0;
	s9 =	sadd.s32 $0x270, s21;
	v39 =	vld [tilespmem:$0xAAF0];
	v29 =	vmul.u32 $0xC8, v43;
	v50 =	vshrl.u32 v48, $0x6  }
0xea: {  	v45 =	vld [tilespmem:$0xAB00];
	v56 =	vmulhi.u32 $0x51EB851F, v55;
	v58 =	vor.u32 s9, v0;
	v27 =	vsub.s32 v62, v27  }
0xeb: {  	v28 =	vsub.s32 v37, v28;
	v60 =	vmulhi.u32 $0x51EB851F, v58;
	v25 =	vmul.u32 $0xC8, v25  }
0xec: {  	v51 =	vld [tilespmem:$0xAB10];
	v59 =	vshrl.u32 v53, $0x6;
	v49 =	vsub.s32 v40, v29;
	v29 =	vmul.u32 $0xC8, v50  }
0xed: {  	v54 =	vld [tilespmem:$0xAB20];
	v62 =	vshrl.u32 v60, $0x6;
	v25 =	vadd.s32 v26, v25;
	v26 =	vmul.u32 $0xC8, v61  }
0xee: {  	v57 =	vld [tilespmem:$0xAB30];
	v30 =	vmul.u32 $0xC8, v62;
	v44 =	vmul.u32 $0xC8, v36;
	v47 =	vmul.u32 $0xC8, v39  }
0xef: {  	v31 =	vmul.u32 $0xC8, v45;
	v61 =	vshrl.u32 v56, $0x6;
	[tilespmem:$0x200] =	vst v25;
	v26 =	vadd.s32 v27, v26  }
0xf0: {  	v25 =	vsub.s32 v46, v29;
	v27 =	vadd.s32 v28, v44;
	[tilespmem:$0x210] =	vst v26;
	v26 =	vmul.u32 $0xC8, v59  }
0xf1: {  	v29 =	vmul.u32 $0xC8, v61;
	v28 =	vadd.s32 v49, v47;
	[tilespmem:$0x220] =	vst v27;
	v27 =	vmul.u32 $0xC8, v51  }
0xf2: {  	v63 =	vmul.u32 $0xC8, v54;
	v25 =	vadd.s32 v25, v31;
	[tilespmem:$0x230] =	vst v28;
	v26 =	vsub.s32 v52, v26  }
0xf3: {  	[tilespmem:$0x240] =	vst v25;
	v25 =	vadd.s32 v26, v27;
	v26 =	vsub.s32 v55, v29;
	v27 =	vmul.u32 $0xC8, v57  }
0xf4: {  	[tilespmem:$0x250] =	vst v25;
	v25 =	vadd.s32 v26, v63;
	v26 =	vsub.s32 v58, v30  }
0xf5: {  	[tilespmem:$0x260] =	vst v25;
	v25 =	vadd.s32 v26, v27  }
0xf6: {  	s0 =	simm.s32 @!p2 $0xF;
	[tilespmem:$0x270] =	vst v25  }
0xf7: {  	_ =	swait.ge @!p2 [sflag:s0], $0x2000  }
0xf8: {  	[sflag:s0] =	ssyncset.done @!p2 $0x0  }
0xf9: {  	s6 =	simm.s32 $0x88C0;
	s9 =	simm.s32 $0xAD40;
	[sflag:s0] =	ssyncadd.s32 @!p2 $0xFFFFE000  }
0xfa: {  	[tilespmem:s6], [sflag:$0xA] =	stream.indirect.gather [hbm4b:s5+s15], $0x40, s9, s15, $0xb8;
	[tilespmem:$0xADC0] =	vst v63  }
0xfb: {  	_ =	swait.ge [sflag:s7], $0x2000  }
0xfc: {  	[sflag:s7] =	ssyncset.done $0x0  }
0xfd: {  	s6 =	simm.s32 $0x28C0;
	s0 =	rddreg [dreg:$0x1a];
	[sflag:s7] =	ssyncadd.s32 $0xFFFFE000  }
0xfe: {  	[tilespmem:s6], [sflag:$0x2] =	stream.indirect.gather.add.f32 [spmem:s1], $0x40, s15, s15, $0xb8;
	[tilespmem:$0xADC0] =	vst v63  }
0xff: {  	s9 =	simm.s32 @!p1 $0xABC0;
	s0 =	sadd.s32 @!p1 s28, s0  }
0x100: {  	[tilespmem:s9], [sflag:$0x11] =	stream.linear.gather @!p1 [hbm4b:s0+s30], $0x80, $0x38;
	[tilespmem:$0xADC0] =	vst v63  }
0x101: {  	s0 =	rddreg [dreg:$0x19]  }
0x102: {  	s9 =	simm.s32 @!p1 $0xA940;
	s0 =	sadd.s32 @!p1 s28, s0  }
0x103: {  	[tilespmem:s9], [sflag:$0x11] =	stream.linear.gather @!p1 [hbm4b:s0+s30], $0x80, $0x38;
	[tilespmem:$0xADC0] =	vst v63  }
.Ltmp4:
0x104: {  	_ = 	snop;
	(pc) =	sbr.rel @!p1 .LBB2_3-.Ltmp4, $4  }
0x105: {  	_ =	swait.ge [sflag:s19], $0x2000  }
0x106: {  	[sflag:s19] =	ssyncset.done $0x0  }
0x107: {  	s30 =	simm.s32 $0x28C0;
	[sflag:s19] =	ssyncadd.s32 $0xFFFFE000  }
0x108: {  	[hbm4b:s12+s2] =	stream.linear.scatter [tilespmem:s6], [sflag:$0xC], $0x2000, $0x38;
	[tilespmem:$0xADC0] =	vst v63  }
.Ltmp5:
0x109: {  	(pc) =	sbr.rel .LBB2_5-.Ltmp5, $4  }
0x10a: {  	_ =	swait.ge [sflag:s20], $0x2000  }
0x10b: {  	[sflag:s20] =	ssyncset.done $0x0  }
0x10c: {  	s6 =	simm.s32 $0x48C0;
	s0 =	simm.s32 $0x100;
	[sflag:s20] =	ssyncadd.s32 $0xFFFFE000  }
0x10d: {  	[tilespmem:s6], [sflag:$0x3] =	stream.indirect.gather.add.f32 [spmem:s1], $0x40, s0, s15, $0xb8;
	[tilespmem:$0xADC0] =	vst v63  }
.LBB2_3:
0x10e: {  	s0 =	sadd.s32 $0x280, s21  }
0x10f: {  	_ =	swait.ge [sflag:s14], $0x80;
	s6 =	sadd.s32 $0x290, s21;
	v26 =	vor.u32 s0, v0  }
0x110: {  	s9 =	sadd.s32 $0x2A0, s21;
	[sflag:s14] =	ssyncset.done $0x0;
	v29 =	vor.u32 s6, v0;
	v27 =	vmulhi.u32 $0x51EB851F, v26  }
0x111: {  	v32 =	vor.u32 s9, v0;
	s6 =	sadd.s32 $0x2B0, s21;
	[sflag:s14] =	ssyncadd.s32 $0xFFFFFF80;
	v30 =	vmulhi.u32 $0x51EB851F, v29  }
0x112: {  	s9 =	sadd.s32 $0x2C0, s21;
	v33 =	vmulhi.u32 $0x51EB851F, v32;
	v35 =	vor.u32 s6, v0;
	_ =	swait.ge [sflag:s14], $0x80  }
0x113: {  	v50 =	vor.u32 s9, v0;
	s6 =	sadd.s32 $0x2D0, s21;
	v45 =	vmulhi.u32 $0x51EB851F, v35;
	[sflag:s14] =	ssyncset.done $0x0  }
0x114: {  	s9 =	sadd.s32 $0x2E0, s21;
	v52 =	vmulhi.u32 $0x51EB851F, v50;
	v56 =	vor.u32 s6, v0;
	[sflag:s14] =	ssyncadd.s32 $0xFFFFFF80  }
0x115: {  	v36 =	vor.u32 s9, v0;
	s6 =	sadd.s32 $0x2F0, s21;
	v27 =	vshrl.u32 v27, $0x6;
	v57 =	vmulhi.u32 $0x51EB851F, v56;
	v25 =	vld [tilespmem:$0xA8C0]  }
0x116: {  	v30 =	vshrl.u32 v30, $0x6;
	v37 =	vmulhi.u32 $0x51EB851F, v36;
	v39 =	vor.u32 s6, v0;
	v31 =	vld [tilespmem:$0xA8E0]  }
0x117: {  	v46 =	vshrl.u32 v33, $0x6;
	v27 =	vmul.u32 $0xC8, v27;
	v60 =	vmulhi.u32 $0x51EB851F, v39;
	v28 =	vld [tilespmem:$0xA8D0]  }
0x118: {  	v47 =	vshrl.u32 v45, $0x6;
	v54 =	vshrl.u32 v52, $0x6;
	v34 =	vld [tilespmem:$0xA8F0];
	v59 =	vshrl.u32 v57, $0x6  }
0x119: {  	v49 =	vld [tilespmem:$0xA900];
	v26 =	vsub.s32 v26, v27;
	v27 =	vmul.u32 $0xC8, v30;
	v62 =	vshrl.u32 v60, $0x6  }
0x11a: {  	v61 =	vshrl.u32 v37, $0x6;
	v30 =	vmul.u32 $0xC8, v62;
	v25 =	vmul.u32 $0xC8, v25  }
0x11b: {  	v55 =	vld [tilespmem:$0xA910];
	v27 =	vsub.s32 v29, v27;
	v29 =	vmul.u32 $0xC8, v47;
	v48 =	vmul.u32 $0xC8, v31  }
0x11c: {  	v58 =	vld [tilespmem:$0xA920];
	v25 =	vadd.s32 v26, v25;
	v26 =	vmul.u32 $0xC8, v28;
	v28 =	vmul.u32 $0xC8, v46  }
0x11d: {  	v38 =	vld [tilespmem:$0xA930];
	v51 =	vmul.u32 $0xC8, v34;
	v53 =	vsub.s32 v35, v29;
	v29 =	vmul.u32 $0xC8, v54  }
0x11e: {  	v31 =	vmul.u32 $0xC8, v49;
	[tilespmem:$0x0] =	vst v25;
	v28 =	vsub.s32 v32, v28;
	v26 =	vadd.s32 v27, v26  }
0x11f: {  	v25 =	vsub.s32 v50, v29;
	v27 =	vadd.s32 v28, v48;
	[tilespmem:$0x10] =	vst v26;
	v26 =	vmul.u32 $0xC8, v59  }
0x120: {  	v29 =	vmul.u32 $0xC8, v61;
	v25 =	vadd.s32 v25, v31;
	[tilespmem:$0x20] =	vst v27;
	v27 =	vmul.u32 $0xC8, v55  }
0x121: {  	v63 =	vmul.u32 $0xC8, v58;
	v28 =	vadd.s32 v53, v51;
	[tilespmem:$0x40] =	vst v25;
	v26 =	vsub.s32 v56, v26  }
0x122: {  	[tilespmem:$0x30] =	vst v28;
	v25 =	vadd.s32 v26, v27;
	v26 =	vsub.s32 v36, v29;
	v27 =	vmul.u32 $0xC8, v38  }
0x123: {  	[tilespmem:$0x50] =	vst v25;
	v25 =	vadd.s32 v26, v63;
	v26 =	vsub.s32 v39, v30  }
0x124: {  	[tilespmem:$0x60] =	vst v25;
	v25 =	vadd.s32 v26, v27  }
0x125: {  	s9 =	simm.s32 $0xB;
	[tilespmem:$0x70] =	vst v25  }
0x126: {  	_ =	swait.ge [sflag:s9], $0x2000  }
0x127: {  	[sflag:s9] =	ssyncset.done $0x0  }
0x128: {  	s6 =	simm.s32 $0xAB40;
	[sflag:s9] =	ssyncadd.s32 $0xFFFFE000  }
0x129: {  	[tilespmem:s11], [sflag:$0x6] =	stream.indirect.gather [hbm4b:s5+s15], $0x40, s6, s15, $0xb8;
	[tilespmem:$0xADC0] =	vst v63  }
0x12a: {  	_ =	swait.ge [sflag:s20], $0x2000  }
0x12b: {  	[sflag:s20] =	ssyncset.done $0x0  }
0x12c: {  	s9 =	simm.s32 $0x100;
	s6 =	simm.s32 $0x48C0;
	[sflag:s20] =	ssyncadd.s32 $0xFFFFE000  }
0x12d: {  	[tilespmem:s6], [sflag:$0x3] =	stream.indirect.gather.add.f32 [spmem:s1], $0x40, s9, s15, $0xb8;
	[tilespmem:$0xADC0] =	vst v63  }
0x12e: {  	s9 =	rddreg [dreg:$0x18]  }
0x12f: {  	s0 =	sadd.s32 s28, s9;
	s9 =	simm.s32 $0xAC40  }
0x130: {  	[tilespmem:s9], [sflag:$0x12] =	stream.linear.gather [hbm4b:s0+s2], $0x80, $0x38;
	[tilespmem:$0xADC0] =	vst v63  }
0x131: {  	s9 =	rddreg [dreg:$0x17]  }
0x132: {  	s0 =	sadd.s32 s28, s9;
	s9 =	simm.s32 $0xA9C0  }
0x133: {  	[tilespmem:s9], [sflag:$0x12] =	stream.linear.gather [hbm4b:s0+s2], $0x80, $0x38;
	[tilespmem:$0xADC0] =	vst v63  }
.LBB2_5:
.Ltmp6:
0x134: {  	(pc) =	sbr.rel @!p1 .LBB2_6-.Ltmp6, $4  }
0x135: {  	_ =	swait.ge [sflag:s23], $0x2000  }
0x136: {  	[sflag:s23] =	ssyncset.done $0x0  }
0x137: {  	s9 =	simm.s32 $0x68C0;
	[sflag:s23] =	ssyncadd.s32 $0xFFFFE000  }
0x138: {  	[hbm4b:s26+s2] =	stream.linear.scatter [tilespmem:s6], [sflag:$0xD], $0x2000, $0x38;
	[tilespmem:$0xADC0] =	vst v63  }
.Ltmp7:
0x139: {  	(pc) =	sbr.rel .LBB2_8-.Ltmp7, $4  }
0x13a: {  	_ =	swait.ge [sflag:s24], $0x2000  }
0x13b: {  	[sflag:s24] =	ssyncset.done $0x0  }
0x13c: {  	s0 =	simm.s32 $0x180;
	[sflag:s24] =	ssyncadd.s32 $0xFFFFE000  }
0x13d: {  	[tilespmem:s9], [sflag:$0x4] =	stream.indirect.gather.add.f32 [spmem:s1], $0x40, s0, s15, $0xb8;
	[tilespmem:$0xADC0] =	vst v63  }
.LBB2_6:
0x13e: {  	_ =	swait.ge [sflag:s18], $0x80  }
0x13f: {  	s0 =	sadd.s32 $0x300, s21;
	[sflag:s18] =	ssyncset.done $0x0  }
0x140: {  	v26 =	vor.u32 s0, v0;
	s0 =	sadd.s32 $0x310, s21;
	[sflag:s18] =	ssyncadd.s32 $0xFFFFFF80  }
0x141: {  	v27 =	vmulhi.u32 $0x51EB851F, v26;
	v29 =	vor.u32 s0, v0;
	s0 =	sadd.s32 $0x320, s21;
	_ =	swait.ge [sflag:s18], $0x80  }
0x142: {  	v30 =	vmulhi.u32 $0x51EB851F, v29;
	v32 =	vor.u32 s0, v0;
	s0 =	sadd.s32 $0x330, s21;
	[sflag:s18] =	ssyncset.done $0x0  }
0x143: {  	v27 =	vshrl.u32 v27, $0x6;
	v33 =	vmulhi.u32 $0x51EB851F, v32;
	v35 =	vor.u32 s0, v0;
	s0 =	sadd.s32 $0x340, s21;
	[sflag:s18] =	ssyncadd.s32 $0xFFFFFF80  }
0x144: {  	v27 =	vmul.u32 $0xC8, v27;
	v45 =	vmulhi.u32 $0x51EB851F, v35;
	v50 =	vor.u32 s0, v0;
	v25 =	vld [tilespmem:$0xA940]  }
0x145: {  	v30 =	vshrl.u32 v30, $0x6;
	s0 =	sadd.s32 $0x350, s21;
	v31 =	vld [tilespmem:$0xA960];
	v46 =	vshrl.u32 v33, $0x6;
	v52 =	vmulhi.u32 $0x51EB851F, v50  }
0x146: {  	v34 =	vld [tilespmem:$0xA970];
	v56 =	vor.u32 s0, v0;
	s0 =	sadd.s32 $0x360, s21;
	v26 =	vsub.s32 v26, v27;
	v27 =	vmul.u32 $0xC8, v30  }
0x147: {  	v28 =	vld [tilespmem:$0xA950];
	v47 =	vshrl.u32 v45, $0x6;
	v57 =	vmulhi.u32 $0x51EB851F, v56;
	v36 =	vor.u32 s0, v0;
	s0 =	sadd.s32 $0x370, s21  }
0x148: {  	v49 =	vld [tilespmem:$0xA980];
	v54 =	vshrl.u32 v52, $0x6;
	v37 =	vmulhi.u32 $0x51EB851F, v36;
	v39 =	vor.u32 s0, v0  }
0x149: {  	v58 =	vld [tilespmem:$0xA9A0];
	v27 =	vsub.s32 v29, v27;
	v29 =	vmul.u32 $0xC8, v47;
	v59 =	vshrl.u32 v57, $0x6  }
0x14a: {  	v60 =	vmulhi.u32 $0x51EB851F, v39;
	v61 =	vshrl.u32 v37, $0x6;
	v25 =	vmul.u32 $0xC8, v25  }
0x14b: {  	v55 =	vld [tilespmem:$0xA990];
	v48 =	vmul.u32 $0xC8, v31;
	v51 =	vmul.u32 $0xC8, v34;
	v53 =	vsub.s32 v35, v29  }
0x14c: {  	v25 =	vadd.s32 v26, v25;
	v26 =	vmul.u32 $0xC8, v28;
	v28 =	vmul.u32 $0xC8, v46  }
0x14d: {  	v38 =	vld [tilespmem:$0xA9B0];
	v29 =	vmul.u32 $0xC8, v54;
	v31 =	vmul.u32 $0xC8, v49;
	v62 =	vshrl.u32 v60, $0x6  }
0x14e: {  	v63 =	vmul.u32 $0xC8, v58;
	[tilespmem:$0x80] =	vst v25;
	v28 =	vsub.s32 v32, v28;
	v26 =	vadd.s32 v27, v26  }
0x14f: {  	v25 =	vsub.s32 v50, v29;
	v27 =	vadd.s32 v28, v48;
	[tilespmem:$0x90] =	vst v26;
	v26 =	vmul.u32 $0xC8, v59  }
0x150: {  	v29 =	vmul.u32 $0xC8, v61;
	v25 =	vadd.s32 v25, v31;
	[tilespmem:$0xA0] =	vst v27;
	v27 =	vmul.u32 $0xC8, v55  }
0x151: {  	v30 =	vmul.u32 $0xC8, v62;
	v28 =	vadd.s32 v53, v51;
	[tilespmem:$0xC0] =	vst v25;
	v26 =	vsub.s32 v56, v26  }
0x152: {  	[tilespmem:$0xB0] =	vst v28;
	v25 =	vadd.s32 v26, v27;
	v26 =	vsub.s32 v36, v29;
	v27 =	vmul.u32 $0xC8, v38  }
0x153: {  	[tilespmem:$0xD0] =	vst v25;
	v25 =	vadd.s32 v26, v63;
	v26 =	vsub.s32 v39, v30  }
0x154: {  	[tilespmem:$0xE0] =	vst v25;
	v25 =	vadd.s32 v26, v27  }
0x155: {  	s0 =	simm.s32 $0xC;
	[tilespmem:$0xF0] =	vst v25  }
0x156: {  	_ =	swait.ge [sflag:s0], $0x2000  }
0x157: {  	[sflag:s0] =	ssyncset.done $0x0  }
0x158: {  	[sflag:s0] =	ssyncadd.s32 $0xFFFFE000;
	s0 =	simm.s32 $0xABC0  }
0x159: {  	[tilespmem:s30], [sflag:$0x7] =	stream.indirect.gather [hbm4b:s5+s15], $0x40, s0, s15, $0xb8;
	[tilespmem:$0xADC0] =	vst v63  }
0x15a: {  	_ =	swait.ge [sflag:s24], $0x2000  }
0x15b: {  	[sflag:s24] =	ssyncset.done $0x0  }
0x15c: {  	s0 =	simm.s32 $0x180;
	[sflag:s24] =	ssyncadd.s32 $0xFFFFE000  }
0x15d: {  	[tilespmem:s9], [sflag:$0x4] =	stream.indirect.gather.add.f32 [spmem:s1], $0x40, s0, s15, $0xb8;
	[tilespmem:$0xADC0] =	vst v63  }
0x15e: {  	s9 =	rddreg [dreg:$0x16]  }
0x15f: {  	s0 =	sadd.s32 s28, s9;
	s9 =	simm.s32 $0xACC0  }
0x160: {  	[tilespmem:s9], [sflag:$0x13] =	stream.linear.gather [hbm4b:s0+s2], $0x80, $0x38;
	[tilespmem:$0xADC0] =	vst v63  }
0x161: {  	s9 =	rddreg [dreg:$0x15]  }
0x162: {  	s0 =	sadd.s32 s28, s9;
	s9 =	simm.s32 $0xAA40  }
0x163: {  	[tilespmem:s9], [sflag:$0x13] =	stream.linear.gather [hbm4b:s0+s2], $0x80, $0x38;
	[tilespmem:$0xADC0] =	vst v63  }
0x164: {  	s9 =	simm.s32 $0x68C0  }
.LBB2_8:
.Ltmp8:
0x165: {  	(pc) =	sbr.rel @p1 .LBB2_10-.Ltmp8, $4  }
0x166: {  	_ =	swait.ge [sflag:s22], $0x2000  }
0x167: {  	[sflag:s22] =	ssyncset.done $0x0  }
0x168: {  	[sflag:s22] =	ssyncadd.s32 $0xFFFFE000  }
0x169: {  	[hbm4b:s10+s2] =	stream.linear.scatter [tilespmem:s9], [sflag:$0xE], $0x2000, $0x38;
	[tilespmem:$0xADC0] =	vst v63  }
0x16a: {  	_ =	swait.ge [sflag:s29], $0x80;
	s0 =	sadd.s32 $0x380, s21  }
0x16b: {  	s9 =	sadd.s32 $0x390, s21;
	[sflag:s29] =	ssyncset.done $0x0;
	v26 =	vor.u32 s0, v0  }
0x16c: {  	v29 =	vor.u32 s9, v0;
	s9 =	sadd.s32 $0x3A0, s21;
	[sflag:s29] =	ssyncadd.s32 $0xFFFFFF80;
	v27 =	vmulhi.u32 $0x51EB851F, v26  }
0x16d: {  	v30 =	vmulhi.u32 $0x51EB851F, v29;
	v32 =	vor.u32 s9, v0;
	s9 =	sadd.s32 $0x3B0, s21;
	_ =	swait.ge [sflag:s29], $0x80  }
0x16e: {  	v33 =	vmulhi.u32 $0x51EB851F, v32;
	v35 =	vor.u32 s9, v0;
	s9 =	sadd.s32 $0x3C0, s21;
	[sflag:s29] =	ssyncset.done $0x0;
	v27 =	vshrl.u32 v27, $0x6  }
0x16f: {  	v30 =	vshrl.u32 v30, $0x6;
	v45 =	vmulhi.u32 $0x51EB851F, v35;
	v50 =	vor.u32 s9, v0;
	s9 =	sadd.s32 $0x3D0, s21;
	[sflag:s29] =	ssyncadd.s32 $0xFFFFFF80  }
0x170: {  	v27 =	vmul.u32 $0xC8, v27;
	v52 =	vmulhi.u32 $0x51EB851F, v50;
	v56 =	vor.u32 s9, v0;
	v25 =	vld [tilespmem:$0xA9C0]  }
0x171: {  	v46 =	vshrl.u32 v33, $0x6;
	s9 =	sadd.s32 $0x3E0, s21;
	s21 =	sadd.s32 $0x3F0, s21;
	v31 =	vld [tilespmem:$0xA9E0];
	v47 =	vshrl.u32 v45, $0x6;
	v57 =	vmulhi.u32 $0x51EB851F, v56  }
0x172: {  	v28 =	vld [tilespmem:$0xA9D0];
	v39 =	vor.u32 s21, v0;
	v26 =	vsub.s32 v26, v27;
	v27 =	vmul.u32 $0xC8, v30  }
0x173: {  	v34 =	vld [tilespmem:$0xA9F0];
	v36 =	vor.u32 s9, v0;
	v54 =	vshrl.u32 v52, $0x6;
	v60 =	vmulhi.u32 $0x51EB851F, v39  }
0x174: {  	v49 =	vld [tilespmem:$0xAA00];
	v37 =	vmulhi.u32 $0x51EB851F, v36;
	v59 =	vshrl.u32 v57, $0x6;
	v27 =	vsub.s32 v29, v27  }
0x175: {  	v29 =	vmul.u32 $0xC8, v47;
	v62 =	vshrl.u32 v60, $0x6;
	v25 =	vmul.u32 $0xC8, v25  }
0x176: {  	v55 =	vld [tilespmem:$0xAA10];
	v61 =	vshrl.u32 v37, $0x6;
	v30 =	vmul.u32 $0xC8, v62;
	v48 =	vmul.u32 $0xC8, v31  }
0x177: {  	v58 =	vld [tilespmem:$0xAA20];
	v25 =	vadd.s32 v26, v25;
	v26 =	vmul.u32 $0xC8, v28;
	v28 =	vmul.u32 $0xC8, v46  }
0x178: {  	v38 =	vld [tilespmem:$0xAA30];
	v51 =	vmul.u32 $0xC8, v34;
	v53 =	vsub.s32 v35, v29;
	v29 =	vmul.u32 $0xC8, v54  }
0x179: {  	v31 =	vmul.u32 $0xC8, v49;
	[tilespmem:$0x100] =	vst v25;
	v28 =	vsub.s32 v32, v28;
	v26 =	vadd.s32 v27, v26  }
0x17a: {  	v25 =	vsub.s32 v50, v29;
	v27 =	vadd.s32 v28, v48;
	[tilespmem:$0x110] =	vst v26;
	v26 =	vmul.u32 $0xC8, v59  }
0x17b: {  	v29 =	vmul.u32 $0xC8, v61;
	v25 =	vadd.s32 v25, v31;
	[tilespmem:$0x120] =	vst v27;
	v27 =	vmul.u32 $0xC8, v55  }
0x17c: {  	v63 =	vmul.u32 $0xC8, v58;
	v28 =	vadd.s32 v53, v51;
	[tilespmem:$0x140] =	vst v25;
	v26 =	vsub.s32 v56, v26  }
0x17d: {  	[tilespmem:$0x130] =	vst v28;
	v25 =	vadd.s32 v26, v27;
	v26 =	vsub.s32 v36, v29;
	v27 =	vmul.u32 $0xC8, v38  }
0x17e: {  	[tilespmem:$0x150] =	vst v25;
	v25 =	vadd.s32 v26, v63;
	v26 =	vsub.s32 v39, v30  }
0x17f: {  	[tilespmem:$0x160] =	vst v25;
	v25 =	vadd.s32 v26, v27  }
0x180: {  	s9 =	simm.s32 $0xD;
	[tilespmem:$0x170] =	vst v25  }
0x181: {  	_ =	swait.ge [sflag:s9], $0x2000  }
0x182: {  	[sflag:s9] =	ssyncset.done $0x0  }
0x183: {  	s21 =	simm.s32 $0xAC40;
	[sflag:s9] =	ssyncadd.s32 $0xFFFFE000  }
0x184: {  	[tilespmem:s6], [sflag:$0x8] =	stream.indirect.gather [hbm4b:s5+s15], $0x40, s21, s15, $0xb8;
	[tilespmem:$0xADC0] =	vst v63  }
0x185: {  	_ =	swait.ge [sflag:s8], $0x2000  }
0x186: {  	[sflag:s8] =	ssyncset.done $0x0  }
0x187: {  	s9 =	simm.s32 $0x200;
	s21 =	simm.s32 $0x88C0;
	[sflag:s8] =	ssyncadd.s32 $0xFFFFE000  }
0x188: {  	[tilespmem:s21], [sflag:$0x5] =	stream.indirect.gather.add.f32 [spmem:s1], $0x40, s9, s15, $0xb8;
	[tilespmem:$0xADC0] =	vst v63  }
0x189: {  	s9 =	rddreg [dreg:$0x13]  }
0x18a: {  	s0 =	sadd.s32 s28, s9;
	s9 =	simm.s32 $0xAD40  }
0x18b: {  	[tilespmem:s9], [sflag:$0x14] =	stream.linear.gather [hbm4b:s0+s2], $0x80, $0x38;
	[tilespmem:$0xADC0] =	vst v63  }
.Ltmp9:
0x18c: {  	_ = 	snop;
	(pc) =	sbr.rel .LBB2_11-.Ltmp9, $4  }
0x18d: {  	s9 =	rddreg [dreg:$0x12]  }
0x18e: {  	s0 =	sadd.s32 s28, s9;
	s9 =	simm.s32 $0xAAC0  }
0x18f: {  	[tilespmem:s9], [sflag:$0x14] =	stream.linear.gather [hbm4b:s0+s2], $0x80, $0x38;
	[tilespmem:$0xADC0] =	vst v63  }
0x190: {  	s9 =	simm.s32 $0x68C0  }
.LBB2_13:
0x191: {  	_ =	sfence.sel $0x180000  }
0x192: {  	[bflag:$0x0] =	sbarrier.arrive $0xFFFF  }
0x193: {  	_ =	strace $0x90000047  }
0x194: {  	[bflag:$0x2] =	sbarrier.arrive $0xFFFF  }
0x195: {  	s0 =	rddreg [dreg:$0x3]  }
0x196: {  	s0 =	sadd.s32 @!p0 $0x100000, s0  }
0x197: {  	[sflag:s0] =	ssyncadd.tile.s32 @!p0 $0x1;
	_ =	shalt  }
.Lfunc_end2:
_tile_overlayer_lowered:
.L_overlay_start_2:
0x198: {  	(tag) =	ssettag $0x2  }
0x199: {  	s0 =	rddreg [dreg:$0x0];
	s2 =	stileid.u32  }
0x19a: {  	s1 =	rddreg [dreg:$0x1];
	p0 =	sne.s32 s2, $0x0  }
0x19b: {  	s3 =	rddreg [dreg:$0x2];
	[bflag:$0x3] =	sbarrier.arrive $0xFFFF;
	s2 =	simm.s32 @!p0 $0x1C15  }
0x19c: {  	[timem:s3], [sflag:s2] =	dma.local @!p0 [hbm:s0], s1  }
0x19d: {  	s0 =	simm.s32 @!p0 $0x15  }
0x19e: {  	_ =	swait.ge @!p0 [sflag:s0], s1  }
0x19f: {  	s1 =	ssub.s32 @!p0 $0x0, s1;
	[sflag:s0] =	ssyncset.done @!p0 $0x0  }
0x1a0: {  	[sflag:s0] =	ssyncadd.s32 @!p0 s1  }
0x1a1: {  	[bflag:$0x3] =	sbarrier.arrive $0xFFFF  }
0x1a2: {  	_ =	shalt  }

// kernel: sparse-core-data-format-call.cloned.1.call-start
scs
called_computation_lowered:
.L_overlay_start_0:
0x0: {  	s2 =	sld [smem:$0x3FD9]  }
0x1: {  	s3 =	sld [smem:$0x3FFE];
	_ =	sdelay $0x1  }
0x2: {  	s1 =	srdreg.scid  }
0x3: {  	s0 =	sand.u32 $0x1, s1  }
0x4: {  	s18 =	sshll.u32 s0, $0xA;
	s2 =	sadd.s32 s3, s2  }
0x5: {  	s2 =	sadd.s32 s2, s18  }
0x6: {  	[smem:$0x3FC3] =	sst s2  }
0x7: {  	_ = 	snop  }
0x8: {  	s2 =	sld [smem:$0x3FD0];
	(tm) =	ssettm $0x1  }
0x9: {  	s19 =	sld [smem:$0x3FFB];
	_ =	sdelay $0x3  }
0xa: {  	_ =	strace s19  }
0xb: {  	s3 =	sld [smem:$0x3FFC];
	_ =	sdelay $0x3  }
0xc: {  	_ =	strace s3  }
0xd: {  	s3 =	sld [smem:$0x3FFD];
	_ =	sdelay $0x3  }
0xe: {  	_ =	strace s3  }
0xf: {  	_ =	strace $0x8FFFFFFF  }
0x10: {  	s20 =	sld [smem:$0x3FDB];
	_ =	sdelay $0x1  }
0x11: {  	s4 =	simm.s32 $_scs_section_size  }
0x12: {  	s5 =	simm.s32 $_size__tile_overlayer_lowered;
	s6 =	simm.s32 $_tile_overlayer_lowered  }
0x13: {  	s23 =	simm.s32 $0x1BFF;
	s22 =	sshll.u32 s6, $0x1;
	s3 =	sadd.s32 s4, s20  }
0x14: {  	s7 =	simm.s32 $0x0;
	s21 =	sshll.u32 s5, $0x1;
	s5 =	sadd.s32 s22, s3  }
0x15: {  	[timem:s7], [sflag:s23] =	dma.local [hbm:s5], s21  }
0x16: {  	_ =	swait.ge [sflag:s23], s21  }
0x17: {  	s4 =	ssub.s32 $0x0, s21;
	[sflag:s23] =	ssyncset.done $0x0  }
0x18: {  	[sflag:s23] =	ssyncadd.s32 s4;
	_ =	sdelay $0x1  }
0x19: {  	s24 =	simm.s32 $0x1B8B  }
0x1a: {  	_ =	swait.ge [sflag:s24], $0x1  }
0x1b: {  	[sflag:s24] =	ssyncset.done $0x0  }
0x1c: {  	s26 =	simm.s32 $0x1B8E;
	s25 =	sld [smem:$0x3FFE];
	[sflag:s24] =	ssyncadd.s32 $0xFFFFFFFF  }
0x1d: {  	s27 =	simm.s32 $execute0_lowered;
	[smem:$0x3FD2] =	sst s26  }
0x1e: {  	s5 =	sshll.u32 s27, $0x1;
	_ =	strace $0x80000049;
	[dreg:$0x1] =	wrdreg $0xFFFFFFFF  }
0x1f: {  	s28 =	simm.s32 $_size_execute0_lowered;
	s3 =	sadd.s32 s3, s5;
	[dreg:$0x0] =	wrdreg $0x0  }
0x20: {  	s5 =	sshll.u32 s28, $0x1;
	[dreg:$0x2] =	wrdreg s3  }
0x21: {  	[dreg:$0x3] =	wrdreg s5  }
0x22: {  	[dreg:$0x4] =	wrdreg $0xC0  }
0x23: {  	_ =	task [dreg:s7], $0x5FFFF  }
0x24: {  	[dreg:$0x1] =	wrdreg $0xFFFFFFFF  }
0x25: {  	[dreg:$0x0] =	wrdreg $0x60  }
0x26: {  	[dreg:$0x2] =	wrdreg s25  }
0x27: {  	[dreg:$0x3] =	wrdreg s2  }
0x28: {  	[dreg:$0x4] =	wrdreg $0x9  }
0x29: {  	_ =	task.clear_ibuf [dreg:s7], $0x5FFFF;
	_ =	strace $0x90000049  }
0x2a: {  	s29 =	simm.s32 $0x9;
	_ =	strace $0x8000004B  }
0x2b: {  	_ =	swait.ge [sflag:s29], $0x1  }
0x2c: {  	[sflag:s29] =	ssyncadd.s32 $0xFFFFFFFF  }
0x2d: {  	_ =	strace $0x9000004B  }
0x2e: {  	_ =	sfence  }
0x2f: {  	s30 =	sld [smem:$0x0];
	_ =	sdelay $0x2  }
0x30: {  	s31 =	sshll.u32 s1, $0xD;
	s1 =	sshrl.u32 s1, $0x2  }
0x31: {  	s3 =	sand.u32 $0x4000, s31;
	s1 =	sadd.s32 s1, s30  }
0x32: {  	s0 =	sor.u32 s3, s0;
	s1 =	sshll.u32 s1, $0x11  }
0x33: {  	s0 =	sor.u32 s1, s0  }
0x34: {  	s0 =	sadd.s32 $0x8F2B, s0  }
0x35: {  	[sflag:s0] =	ssyncadd.remote.s32 $0x1  }
0x36: {  	_ =	sfence.sel $0xFFFF  }
0x37: {  	[dreg:$0x0] =	wrdreg $0xFFFFFFFF;
	(pc) =	sbr.abs _section_cstart, $3  }
0x38: {  	[dreg:$0x1] =	wrdreg $0xFFFFFFFF  }
0x39: {  	_ =	task.clear_ibuf [dreg:s7], $0x2FFFF;
	_ =	strace $0x9FFFFFFF  }
0x3a: {  	(tm) =	ssettm $0x7FFFFFFF  }
0x3b: {  	_ =	shalt  }
tec
execute0_lowered:
.L_overlay_start_1:
0x0: {  	(tag) =	ssettag $0x1  }
0x1: {  	s0 =	stileid.u32;
	s6 =	rddreg [dreg:$0x0]  }
0x2: {  	s2 =	rddreg [dreg:$0x1];
	s5 =	srdreg.scid  }
0x3: {  	s31 =	simm.s32 $0x2;
	s13 =	simm.s32 $0x0;
	s1 =	sshll.u32 s0, $0x7  }
0x4: {  	s14 =	simm.s32 $0x0;
	s12 =	simm.s32 $0x0;
	s3 =	sand.u32 $0x380, s1  }
0x5: {  	s5 =	sshll.u32 s5, $0x4;
	s6 =	sadd.s32 $0x800, s6;
	s4 =	ssub.s32 $0x400, s3  }
0x6: {  	s1 =	rddreg [dreg:$0x2];
	_ =	strace $0x8000004A;
	s7 =	sand.u32 $0x380, s4  }
0x7: {  	s5 =	sand.u32 $0x10, s5;
	p0 =	sne.s32 s7, $0x0;
	s7 =	simm.s32 $0x1  }
.Ltmp0:
0x8: {  	s8 =	sshrl.u32 s4, $0xA;
	s7 =	simm.s32 @!p0 $0x0;
	(pc) =	sbr.rel .LBB1_1-.Ltmp0, $4  }
0x9: {  	s9 =	sor.u32 s0, s5;
	s4 =	simm.s32 $0x1;
	s30 =	sadd.s32 s7, s8  }
0xa: {  	s11 =	smov.u32 s3;
	[sflag:s4] =	ssyncpa.u1 $0x0;
	s5 =	smul.u32 $0x32, s30  }
0xb: {  	[sflag:s31] =	ssyncpa.u1 $0x0;
	p0 =	por $0x0, $0x0;
	s7 =	sshrl.u32 s9, $0x3  }
0xc: {  	s9 =	simm.s32 $0x2000;
	s10 =	smov.u32 s7;
	s8 =	sor.u32 $0x1, s5  }
.LBB1_4:
0xd: {  	s17 =	sand.u32 $0x1F80, s14;
	s13 =	sshll.u32 s13, $0xD  }
0xe: {  	[tilespmem:s16+$0x810 ss:$0x81] =	vst.msk $0xffff, v2;
	s18 =	sshrl.u32 s14, $0x3;
	s31 =	sand.u32 $0x7, s14;
	s17 =	sadd.s32 s2, s17  }
0xf: {  	[tilespmem:s16+$0x1020 ss:$0x81] =	vst.msk $0xffff, v0;
	s18 =	sand.u32 $0xF, s18;
	s14 =	sshll.u32 s31, $0x12;
	s13 =	sadd.s32 s13, s17  }
0x10: {  	[tilespmem:s16+$0x0 ss:$0x81] =	vst.msk $0xffff, v1;
	s14 =	sor.u32 $0x400, s14;
	s13 =	sadd.s32 s18, s13  }
0x11: {  	[hbm4b:s13+s14] =	stream.strided.scatter [tilespmem:s15], [sflag:$0x2], $0x2000, s9, s14, $0x20;
	[tilespmem:$0x8080] =	vst v63  }
.LBB1_5:
0x12: {  	s15 =	sadd.s32 $0x4, s10  }
0x13: {  	s13 =	sadd.s32 $0x400, s11;
	s17 =	smov.u32 s11;
	p2 =	sgt.s32 s15, $0xC7  }
0x14: {  	s17 =	smov.u32 @p2 s13  }
0x15: {  	s15 =	smov.u32 @p2 s7;
	p2 =	sgt.s32 s17, $0x3FF  }
0x16: {  	s17 =	smov.u32 @p2 s3;
	p2 =	sne.s32 s12, s8  }
.Ltmp1:
0x17: {  	p1 =	slt.u32 s12, $0x2;
	(pc) =	sbr.rel @!p2 .LBB1_6-.Ltmp1, $4  }
0x18: {  	s16 =	simm.s32 @!p1 $0x2  }
0x19: {  	s14 =	smov.u32 s11;
	p0 =	por !p0, !p0;
	_ =	swait.ge @!p1 [sflag:s16], $0x2000  }
0x1a: {  	s13 =	smov.u32 s10;
	[sflag:s16] =	ssyncset.done @!p1 $0x0;
	s10 =	smov.u32 s15  }
0x1b: {  	s12 =	sadd.s32 $0x1, s12;
	[sflag:s16] =	ssyncadd.s32 @!p1 $0xFFFFE000;
	s11 =	smov.u32 s17  }
.LBB1_1:
0x1c: {  	p1 =	sge.u32 s12, s5  }
0x1d: {  	s15 =	sand.u32 @!p1 $0x1FFFFFF, s10  }
0x1e: {  	s16 =	smulhi.u32 @!p1 $0x147AE15, s15;
	_ =	sdelay $0x1  }
0x1f: {  	s16 =	smul.u32 @!p1 $0xC8, s16  }
0x20: {  	s17 =	sxor.u32 @!p1 $0xFFFFFFFF, s12;
	s18 =	smul.u32 @!p1 $0xC80, s11  }
0x21: {  	s31 =	sadd.s32 $0xFFFFFFFF, s12;
	s17 =	sshll.u32 @!p1 s17, $0xD;
	s15 =	ssub.s32 @!p1 s15, s16  }
0x22: {  	s16 =	sand.u32 @!p1 $0x2000, s17;
	s17 =	sadd.s32 @!p1 s6, s18;
	s15 =	sshll.u32 @!p1 s15, $0x4  }
0x23: {  	s18 =	simm.s32 @!p1 $0x6400;
	s15 =	sadd.s32 @!p1 s15, s17;
	s17 =	simm.s32 @!p1 $0x40  }
0x24: {  	[tilespmem:s16], [sflag:$0x1] =	stream.strided.gather @!p1 [hbm4b:s15+s17], $0x2000, s18, s17, $0x38;
	[tilespmem:$0x8080] =	vst v63  }
0x25: {  	p1 =	sge.u32 s31, s5  }
.Ltmp2:
0x26: {  	_ = 	snop;
	(pc) =	sbr.rel @p1 .LBB1_5-.Ltmp2, $1  }
0x27: {  	_ =	sdelay $0x3  }
0x28: {  	s15 =	simm.s32 $0x1  }
0x29: {  	_ =	swait.ge [sflag:s4], $0x2000;
	s15 =	simm.s32 @!p0 $0x0  }
0x2a: {  	[sflag:s4] =	ssyncset.done $0x0;
	s16 =	sshll.u32 s15, $0xD  }
0x2b: {  	[sflag:s4] =	ssyncadd.s32 $0xFFFFE000;
	s19 =	sor.u32 $0x20, s16  }
0x2c: {  	s15 =	smul.u32 $0x8100, s15;
	v3 =	vld [tilespmem:s19+$0x10]  }
0x2d: {  	s30 =	sand.u32 $0x1, s12;
	v2 =	vld [tilespmem:s19+$0xFFFFFFF0]  }
0x2e: {  	s16 =	smul.u32 $0x8100, s30;
	s15 =	sshrl.u32 s15, $0x2;
	v0 =	vld [tilespmem:s19+$0x0]  }
0x2f: {  	v1 =	vld [tilespmem:s19+$0xFFFFFFE0];
	s17 =	sor.u32 $0x4000, s15  }
0x30: {  	s31 =	sshrl.u32 s16, $0x2;
	s16 =	sadd.s32 $0x0, s17  }
0x31: {  	s18 =	simm.s32 $0x4;
	s19 =	sadd.s32 $0x40, s19;
	s15 =	sor.u32 $0x4000, s31;
	[tilespmem:s16+$0x1830 ss:$0x81] =	vst.msk $0xffff, v3  }
.LBB1_3:
0x32: {  	v3 =	vld [tilespmem:s19+$0x10];
	p1 =	sne.s32 s18, $0x1FC;
	[tilespmem:s16+$0x810 ss:$0x81] =	vst.msk $0xffff, v2;
	s20 =	smov.u32 s18;
	s18 =	sadd.s32 $0x4, s18  }
.Ltmp3:
0x33: {  	v2 =	vld [tilespmem:s19+$0xFFFFFFF0];
	[tilespmem:s16+$0x1020 ss:$0x81] =	vst.msk $0xffff, v0;
	(pc) =	sbr.rel @p1 .LBB1_3-.Ltmp3, $4  }
0x34: {  	v0 =	vld [tilespmem:s19+$0x0];
	[tilespmem:s16+$0x0 ss:$0x81] =	vst.msk $0xffff, v1  }
0x35: {  	s16 =	sshra.s32 s20, $0x2;
	v1 =	vld [tilespmem:s19+$0xFFFFFFE0]  }
0x36: {  	s16 =	sadd.s32 s16, s17  }
0x37: {  	s19 =	sadd.s32 $0x40, s19;
	[tilespmem:s16+$0x1830 ss:$0x81] =	vst.msk $0xffff, v3  }
.Ltmp4:
0x38: {  	_ = 	snop;
	(pc) =	sbr.rel .LBB1_4-.Ltmp4, $1  }
0x39: {  	_ =	sdelay $0x3  }
.LBB1_6:
0x3a: {  	_ =	sfence.sel $0x180000  }
0x3b: {  	s2 =	simm.s32 $0x1;
	[bflag:$0x0] =	sbarrier.arrive $0xFFFF  }
0x3c: {  	s31 =	simm.s32 $0x2;
	[sflag:s2] =	ssyncpa.u1 $0x1  }
0x3d: {  	[sflag:s31] =	ssyncpa.u1 $0x1  }
0x3e: {  	p0 =	sne.s32 s0, $0x0;
	_ =	strace $0x9000004A  }
0x3f: {  	s0 =	sadd.s32 @!p0 $0x100000, s1;
	[bflag:$0x2] =	sbarrier.arrive $0xFFFF  }
0x40: {  	[sflag:s0] =	ssyncadd.tile.s32 @!p0 $0x1;
	_ =	shalt  }
.Lfunc_end1:
_tile_overlayer_lowered:
.L_overlay_start_2:
0x41: {  	(tag) =	ssettag $0x2  }
0x42: {  	s0 =	rddreg [dreg:$0x0];
	s2 =	stileid.u32  }
0x43: {  	s1 =	rddreg [dreg:$0x1];
	p0 =	sne.s32 s2, $0x0  }
0x44: {  	s3 =	rddreg [dreg:$0x2];
	[bflag:$0x3] =	sbarrier.arrive $0xFFFF;
	s2 =	simm.s32 @!p0 $0x1C01  }
0x45: {  	[timem:s3], [sflag:s2] =	dma.local @!p0 [hbm:s0], s1  }
0x46: {  	s0 =	simm.s32 @!p0 $0x1  }
0x47: {  	_ =	swait.ge @!p0 [sflag:s0], s1  }
0x48: {  	s1 =	ssub.s32 @!p0 $0x0, s1;
	[sflag:s0] =	ssyncset.done @!p0 $0x0  }
0x49: {  	[sflag:s0] =	ssyncadd.s32 @!p0 s1  }
0x4a: {  	[bflag:$0x3] =	sbarrier.arrive $0xFFFF  }
0x4b: {  	_ =	shalt  }

</sc_bundles>
